<compile_context>
chip_gen: v7x
topology: tpu7x:2x2x1
jax: 0.10.2.dev20260603
libtpu: 0.0.44.dev20260713+nightly
codegen_flags: <defaults>
</compile_context>

<pallas_src>
import functools

import jax
import jax.numpy as jnp
from jax import lax
from jax.experimental import pallas as pl
from jax.experimental.pallas import tpu as pltpu
from jax.experimental.pallas import tpu_sc as plsc

_D = 64
_B = 16384
_NC, _NS, _L = 2, 16, 16
_NW = _NC * _NS
_BPW = _B // _NW

_mesh = plsc.VectorSubcoreMesh(core_axis_name="c", subcore_axis_name="s")


@functools.partial(
    pl.kernel,
    mesh=_mesh,
    out_type=jax.ShapeDtypeStruct((_B,), jnp.float32),
    compiler_params=pltpu.CompilerParams(
        needs_layout_passes=False, use_tc_tiling_on_sc=True),
    scratch_types=[
        pltpu.VMEM((_BPW,), jnp.int32),
        pltpu.VMEM((_BPW,), jnp.int32),
        pltpu.VMEM((_BPW // 2, 2 * _D), jnp.float32),
        pltpu.VMEM((_BPW // 2, 2 * _D), jnp.float32),
        pltpu.VMEM((_BPW,), jnp.float32),
        pltpu.SemaphoreType.DMA,
        pltpu.SemaphoreType.DMA,
    ],
)
def _w2v(center_h, context_h, in_h, oute_h, o_h, cidx, xidx, vbuf, ubuf,
         obuf, sem_v, sem_u):
    wid = lax.axis_index("s") * _NC + lax.axis_index("c")
    base = wid * _BPW

    pltpu.sync_copy(center_h.at[pl.ds(base, _BPW)], cidx)
    pltpu.sync_copy(context_h.at[pl.ds(base, _BPW)], xidx)

    def issue_body(g, carry):
        cvec = cidx[pl.ds(g * _L, _L)]
        xvec = xidx[pl.ds(g * _L, _L)]
        for k in range(_L):
            p = g * (_L // 2) + k // 2
            off = (k % 2) * _D
            pltpu.async_copy(in_h.at[cvec[k]],
                             vbuf.at[p, pl.ds(off, _D)], sem_v)
            pltpu.async_copy(oute_h.at[xvec[k]],
                             ubuf.at[p, pl.ds(off, _D)], sem_u)
        return carry

    lax.fori_loop(0, _BPW // _L, issue_body, 0)

    pltpu.make_async_copy(in_h.at[pl.ds(0, _BPW // 2)], vbuf, sem_v).wait()
    pltpu.make_async_copy(oute_h.at[pl.ds(0, _BPW // 2)], ubuf, sem_u).wait()

    iota = lax.iota(jnp.int32, _L)
    last = jnp.full((_L,), _L - 1, jnp.int32)

    def group_body(g, carry):
        outv = jnp.zeros((_L,), jnp.float32)
        for k in range(_L):
            p = g * (_L // 2) + k // 2
            off = (k % 2) * _D
            acc = vbuf[p, pl.ds(off, _L)] * ubuf[p, pl.ds(off, _L)]
            for c in range(1, _D // _L):
                acc = acc + (vbuf[p, pl.ds(off + c * _L, _L)]
                             * ubuf[p, pl.ds(off + c * _L, _L)])
            tot = jnp.cumsum(acc)
            bcast = tot.at[last].get(mode="promise_in_bounds")
            outv = jnp.where(iota == k, bcast, outv)
        obuf[pl.ds(g * _L, _L)] = outv
        return carry

    lax.fori_loop(0, _BPW // _L, group_body, 0)

    pltpu.sync_copy(obuf, o_h.at[pl.ds(base, _BPW)])


def kernel(center, context, in_embed, out_embed):
    return _w2v(center.astype(jnp.int32), context.astype(jnp.int32),
                in_embed, out_embed)

# --- scband reference (transcript-rebuilt; emitter-appended) ---
"""Pipeline reference for scband-word2-vec-6399501271211 (READ-ONLY COPY).

The authoritative reference and input builder live on the scoring server;
editing this copy changes nothing except your own understanding.
"""

import jax, jax.numpy as jnp
import numpy as np

VOCAB = 1000000
EMBED_DIM = 64
BATCH = 16384

def setup_inputs(seed: int = 0) -> dict:
    key = jax.random.key(seed)
    k1, k2, k3, k4 = jax.random.split(key, 4)
    center = jax.random.randint(k1, (BATCH,), 0, VOCAB)
    context = jax.random.randint(k2, (BATCH,), 0, VOCAB)
    in_embed = jax.random.normal(k3, (VOCAB, EMBED_DIM), dtype=jnp.float32) * 0.02
    out_embed = jax.random.normal(k4, (VOCAB, EMBED_DIM), dtype=jnp.float32) * 0.02
    return {"center": center, "context": context, "in_embed": in_embed, "out_embed": out_embed}

def reference(center, context, in_embed, out_embed):
    v = jnp.take(in_embed, center, axis=0)
    u = jnp.take(out_embed, context, axis=0)
    return (v * u).sum(axis=-1)

if __name__ == "__main__":
    import jax
    _d = setup_inputs()
    print(jax.jit(kernel)(*tuple(_d.values())))

</pallas_src>

<mosaic_0001>
#map = affine_map<(d0, d1) -> (0)>
#map1 = affine_map<(d0, d1) -> (0, 0)>
module attributes {stable_mosaic.version = 14 : i64} {
  func.func @_w2v(%arg0: i32, %arg1: i32, %arg2: memref<16384xi32, #tpu.memory_space<hbm>>, %arg3: memref<16384xi32, #tpu.memory_space<hbm>>, %arg4: memref<1000000x64xf32, #tpu.memory_space<hbm>>, %arg5: memref<1000000x64xf32, #tpu.memory_space<hbm>>, %arg6: memref<16384xf32, #tpu.memory_space<hbm>>, %arg7: memref<512xi32, #tpu.memory_space<vmem>>, %arg8: memref<512xi32, #tpu.memory_space<vmem>>, %arg9: memref<256x128xf32, #tpu.memory_space<vmem>>, %arg10: memref<256x128xf32, #tpu.memory_space<vmem>>, %arg11: memref<512xf32, #tpu.memory_space<vmem>>, %arg12: memref<!tpu.dma_semaphore, #tpu.memory_space<semaphore_mem>>, %arg13: memref<!tpu.dma_semaphore, #tpu.memory_space<semaphore_mem>>) attributes {dimension_semantics = [#tpu.dimension_semantics<core_parallel>, #tpu.dimension_semantics<subcore_parallel>], iteration_bounds = array<i64: 2, 16>, scalar_prefetch = 0 : i64, scratch_operands = 7 : i64, tpu.core_type = #tpu.core_type<sc_vector_subcore>, window_params = [{transform_indices = #map}, {transform_indices = #map}, {transform_indices = #map1}, {transform_indices = #map1}, {transform_indices = #map}]} {
    %mul3A = arith.constant 2 : i32
    %mul3A_0 = arith.muli %arg1, %mul3A : i32
    %add3A = arith.addi %mul3A_0, %arg0 : i32
    %mul3A_1 = arith.constant 512 : i32
    %mul3A_2 = arith.muli %add3A, %mul3A_1 : i32
    "tpu.region"() ({
      %run_scoped3A = tpu.sem_alloc : memref<!tpu.dma_semaphore, #tpu.memory_space<semaphore_mem>>
      %dma_start3A = tpu.memref_slice %arg2[%mul3A_2] : memref<16384xi32, #tpu.memory_space<hbm>> -> memref<512xi32, #tpu.memory_space<hbm>>
      %dma_start3A_26 = tpu.memref_slice %arg2[%mul3A_2] : memref<16384xi32, #tpu.memory_space<hbm>> -> memref<512xi32, #tpu.memory_space<hbm>>
      tpu.enqueue_dma source(%dma_start3A_26 : memref<512xi32, #tpu.memory_space<hbm>>) target(%arg7 : memref<512xi32, #tpu.memory_space<vmem>>) target_semaphore(%run_scoped3A : memref<!tpu.dma_semaphore, #tpu.memory_space<semaphore_mem>>)
      %dma_wait3A_27 = tpu.memref_slice %arg2[%mul3A_2] : memref<16384xi32, #tpu.memory_space<hbm>> -> memref<512xi32, #tpu.memory_space<hbm>>
      %dma_wait3A_28 = tpu.memref_slice %arg2[%mul3A_2] : memref<16384xi32, #tpu.memory_space<hbm>> -> memref<512xi32, #tpu.memory_space<hbm>>
      tpu.wait_dma2 semaphore(%run_scoped3A : memref<!tpu.dma_semaphore, #tpu.memory_space<semaphore_mem>>) src(%dma_wait3A_28 : memref<512xi32, #tpu.memory_space<hbm>>) dst(%arg7 : memref<512xi32, #tpu.memory_space<vmem>>)
      tpu.yield
    }) : () -> ()
    "tpu.region"() ({
      %run_scoped3A = tpu.sem_alloc : memref<!tpu.dma_semaphore, #tpu.memory_space<semaphore_mem>>
      %dma_start3A = tpu.memref_slice %arg3[%mul3A_2] : memref<16384xi32, #tpu.memory_space<hbm>> -> memref<512xi32, #tpu.memory_space<hbm>>
      %dma_start3A_26 = tpu.memref_slice %arg3[%mul3A_2] : memref<16384xi32, #tpu.memory_space<hbm>> -> memref<512xi32, #tpu.memory_space<hbm>>
      tpu.enqueue_dma source(%dma_start3A_26 : memref<512xi32, #tpu.memory_space<hbm>>) target(%arg8 : memref<512xi32, #tpu.memory_space<vmem>>) target_semaphore(%run_scoped3A : memref<!tpu.dma_semaphore, #tpu.memory_space<semaphore_mem>>)
      %dma_wait3A_27 = tpu.memref_slice %arg3[%mul3A_2] : memref<16384xi32, #tpu.memory_space<hbm>> -> memref<512xi32, #tpu.memory_space<hbm>>
      %dma_wait3A_28 = tpu.memref_slice %arg3[%mul3A_2] : memref<16384xi32, #tpu.memory_space<hbm>> -> memref<512xi32, #tpu.memory_space<hbm>>
      tpu.wait_dma2 semaphore(%run_scoped3A : memref<!tpu.dma_semaphore, #tpu.memory_space<semaphore_mem>>) src(%dma_wait3A_28 : memref<512xi32, #tpu.memory_space<hbm>>) dst(%arg8 : memref<512xi32, #tpu.memory_space<vmem>>)
      tpu.yield
    }) : () -> ()
    %scan3A = arith.constant 0 : i32
    %scan3A_3 = arith.constant 0 : i32
    %scan3A_4 = arith.constant 32 : i32
    %scan3A_5 = arith.addi %scan3A_3, %scan3A_4 : i32
    %scan3A_6 = arith.constant 1 : i32
    scf.for %scan3A_26 = %scan3A_3 to %scan3A_5 step %scan3A_6  : i32 {
      %mul3A_27 = arith.constant 16 : i32
      %mul3A_28 = arith.muli %scan3A_26, %mul3A_27 : i32
      %get3A = arith.index_cast %mul3A_28 : i32 to index
      %get3A_29 = tpu.vector_load %arg7[%get3A] {strides = array<i32>} : memref<512xi32, #tpu.memory_space<vmem>>, vector<16xi32>,
      %mul3A_30 = arith.constant 16 : i32
      %mul3A_31 = arith.muli %scan3A_26, %mul3A_30 : i32
      %get3A_32 = arith.index_cast %mul3A_31 : i32 to index
      %get3A_33 = tpu.vector_load %arg8[%get3A_32] {strides = array<i32>} : memref<512xi32, #tpu.memory_space<vmem>>, vector<16xi32>,
      %mul3A_34 = arith.constant 8 : i32
      %mul3A_35 = arith.muli %scan3A_26, %mul3A_34 : i32
      %add3A_36 = arith.constant 0 : i32
      %add3A_37 = arith.addi %mul3A_35, %add3A_36 : i32
      %slice3A = vector.extract_strided_slice %get3A_29 {offsets = [0], sizes = [1], strides = [1]} : vector<16xi32> to vector<1xi32>
      %squeeze3A = vector.extract %slice3A[0] : i32 from vector<1xi32>
      %dma_start3A = arith.constant 0 : i32
      %dma_start3A_38 = tpu.memref_slice %arg9[%add3A_37, %dma_start3A] : memref<256x128xf32, #tpu.memory_space<vmem>> -> memref<1x64xf32, #tpu.memory_space<vmem>>
      %dma_start3A_39 = tpu.memref_squeeze %dma_start3A_38 : memref<1x64xf32, #tpu.memory_space<vmem>> -> memref<64xf32, #tpu.memory_space<vmem>>
      %dma_start3A_40 = arith.constant 0 : i32
      %dma_start3A_41 = tpu.memref_slice %arg4[%squeeze3A, %dma_start3A_40] : memref<1000000x64xf32, #tpu.memory_space<hbm>> -> memref<1x64xf32, #tpu.memory_space<hbm>>
      %dma_start3A_42 = tpu.memref_squeeze %dma_start3A_41 : memref<1x64xf32, #tpu.memory_space<hbm>> -> memref<64xf32, #tpu.memory_space<hbm>>
      %dma_start3A_43 = arith.constant 0 : i32
      %dma_start3A_44 = tpu.memref_slice %arg9[%add3A_37, %dma_start3A_43] : memref<256x128xf32, #tpu.memory_space<vmem>> -> memref<1x64xf32, #tpu.memory_space<vmem>>
      %dma_start3A_45 = tpu.memref_squeeze %dma_start3A_44 : memref<1x64xf32, #tpu.memory_space<vmem>> -> memref<64xf32, #tpu.memory_space<vmem>>
      %dma_start3A_46 = arith.constant 0 : i32
      %dma_start3A_47 = tpu.memref_slice %arg4[%squeeze3A, %dma_start3A_46] : memref<1000000x64xf32, #tpu.memory_space<hbm>> -> memref<1x64xf32, #tpu.memory_space<hbm>>
      %dma_start3A_48 = tpu.memref_squeeze %dma_start3A_47 : memref<1x64xf32, #tpu.memory_space<hbm>> -> memref<64xf32, #tpu.memory_space<hbm>>
      tpu.enqueue_dma source(%dma_start3A_48 : memref<64xf32, #tpu.memory_space<hbm>>) target(%dma_start3A_45 : memref<64xf32, #tpu.memory_space<vmem>>) target_semaphore(%arg12 : memref<!tpu.dma_semaphore, #tpu.memory_space<semaphore_mem>>)
      %slice3A_49 = vector.extract_strided_slice %get3A_33 {offsets = [0], sizes = [1], strides = [1]} : vector<16xi32> to vector<1xi32>
      %squeeze3A_50 = vector.extract %slice3A_49[0] : i32 from vector<1xi32>
      %dma_start3A_51 = arith.constant 0 : i32
      %dma_start3A_52 = tpu.memref_slice %arg10[%add3A_37, %dma_start3A_51] : memref<256x128xf32, #tpu.memory_space<vmem>> -> memref<1x64xf32, #tpu.memory_space<vmem>>
      %dma_start3A_53 = tpu.memref_squeeze %dma_start3A_52 : memref<1x64xf32, #tpu.memory_space<vmem>> -> memref<64xf32, #tpu.memory_space<vmem>>
      %dma_start3A_54 = arith.constant 0 : i32
      %dma_start3A_55 = tpu.memref_slice %arg5[%squeeze3A_50, %dma_start3A_54] : memref<1000000x64xf32, #tpu.memory_space<hbm>> -> memref<1x64xf32, #tpu.memory_space<hbm>>
      %dma_start3A_56 = tpu.memref_squeeze %dma_start3A_55 : memref<1x64xf32, #tpu.memory_space<hbm>> -> memref<64xf32, #tpu.memory_space<hbm>>
      %dma_start3A_57 = arith.constant 0 : i32
      %dma_start3A_58 = tpu.memref_slice %arg10[%add3A_37, %dma_start3A_57] : memref<256x128xf32, #tpu.memory_space<vmem>> -> memref<1x64xf32, #tpu.memory_space<vmem>>
      %dma_start3A_59 = tpu.memref_squeeze %dma_start3A_58 : memref<1x64xf32, #tpu.memory_space<vmem>> -> memref<64xf32, #tpu.memory_space<vmem>>
      %dma_start3A_60 = arith.constant 0 : i32
      %dma_start3A_61 = tpu.memref_slice %arg5[%squeeze3A_50, %dma_start3A_60] : memref<1000000x64xf32, #tpu.memory_space<hbm>> -> memref<1x64xf32, #tpu.memory_space<hbm>>
      %dma_start3A_62 = tpu.memref_squeeze %dma_start3A_61 : memref<1x64xf32, #tpu.memory_space<hbm>> -> memref<64xf32, #tpu.memory_space<hbm>>
      tpu.enqueue_dma source(%dma_start3A_62 : memref<64xf32, #tpu.memory_space<hbm>>) target(%dma_start3A_59 : memref<64xf32, #tpu.memory_space<vmem>>) target_semaphore(%arg13 : memref<!tpu.dma_semaphore, #tpu.memory_space<semaphore_mem>>)
      %mul3A_63 = arith.constant 8 : i32
      %mul3A_64 = arith.muli %scan3A_26, %mul3A_63 : i32
      %add3A_65 = arith.constant 0 : i32
      %add3A_66 = arith.addi %mul3A_64, %add3A_65 : i32
      %slice3A_67 = vector.extract_strided_slice %get3A_29 {offsets = [1], sizes = [1], strides = [1]} : vector<16xi32> to vector<1xi32>
      %squeeze3A_68 = vector.extract %slice3A_67[0] : i32 from vector<1xi32>
      %dma_start3A_69 = arith.constant 64 : i32
      %dma_start3A_70 = tpu.memref_slice %arg9[%add3A_66, %dma_start3A_69] : memref<256x128xf32, #tpu.memory_space<vmem>> -> memref<1x64xf32, #tpu.memory_space<vmem>>
      %dma_start3A_71 = tpu.memref_squeeze %dma_start3A_70 : memref<1x64xf32, #tpu.memory_space<vmem>> -> memref<64xf32, #tpu.memory_space<vmem>>
      %dma_start3A_72 = arith.constant 0 : i32
      %dma_start3A_73 = tpu.memref_slice %arg4[%squeeze3A_68, %dma_start3A_72] : memref<1000000x64xf32, #tpu.memory_space<hbm>> -> memref<1x64xf32, #tpu.memory_space<hbm>>
      %dma_start3A_74 = tpu.memref_squeeze %dma_start3A_73 : memref<1x64xf32, #tpu.memory_space<hbm>> -> memref<64xf32, #tpu.memory_space<hbm>>
      %dma_start3A_75 = arith.constant 64 : i32
      %dma_start3A_76 = tpu.memref_slice %arg9[%add3A_66, %dma_start3A_75] : memref<256x128xf32, #tpu.memory_space<vmem>> -> memref<1x64xf32, #tpu.memory_space<vmem>>
      %dma_start3A_77 = tpu.memref_squeeze %dma_start3A_76 : memref<1x64xf32, #tpu.memory_space<vmem>> -> memref<64xf32, #tpu.memory_space<vmem>>
      %dma_start3A_78 = arith.constant 0 : i32
      %dma_start3A_79 = tpu.memref_slice %arg4[%squeeze3A_68, %dma_start3A_78] : memref<1000000x64xf32, #tpu.memory_space<hbm>> -> memref<1x64xf32, #tpu.memory_space<hbm>>
      %dma_start3A_80 = tpu.memref_squeeze %dma_start3A_79 : memref<1x64xf32, #tpu.memory_space<hbm>> -> memref<64xf32, #tpu.memory_space<hbm>>
      tpu.enqueue_dma source(%dma_start3A_80 : memref<64xf32, #tpu.memory_space<hbm>>) target(%dma_start3A_77 : memref<64xf32, #tpu.memory_space<vmem>>) target_semaphore(%arg12 : memref<!tpu.dma_semaphore, #tpu.memory_space<semaphore_mem>>)
      %slice3A_81 = vector.extract_strided_slice %get3A_33 {offsets = [1], sizes = [1], strides = [1]} : vector<16xi32> to vector<1xi32>
      %squeeze3A_82 = vector.extract %slice3A_81[0] : i32 from vector<1xi32>
      %dma_start3A_83 = arith.constant 64 : i32
      %dma_start3A_84 = tpu.memref_slice %arg10[%add3A_66, %dma_start3A_83] : memref<256x128xf32, #tpu.memory_space<vmem>> -> memref<1x64xf32, #tpu.memory_space<vmem>>
      %dma_start3A_85 = tpu.memref_squeeze %dma_start3A_84 : memref<1x64xf32, #tpu.memory_space<vmem>> -> memref<64xf32, #tpu.memory_space<vmem>>
      %dma_start3A_86 = arith.constant 0 : i32
      %dma_start3A_87 = tpu.memref_slice %arg5[%squeeze3A_82, %dma_start3A_86] : memref<1000000x64xf32, #tpu.memory_space<hbm>> -> memref<1x64xf32, #tpu.memory_space<hbm>>
      %dma_start3A_88 = tpu.memref_squeeze %dma_start3A_87 : memref<1x64xf32, #tpu.memory_space<hbm>> -> memref<64xf32, #tpu.memory_space<hbm>>
      %dma_start3A_89 = arith.constant 64 : i32
      %dma_start3A_90 = tpu.memref_slice %arg10[%add3A_66, %dma_start3A_89] : memref<256x128xf32, #tpu.memory_space<vmem>> -> memref<1x64xf32, #tpu.memory_space<vmem>>
      %dma_start3A_91 = tpu.memref_squeeze %dma_start3A_90 : memref<1x64xf32, #tpu.memory_space<vmem>> -> memref<64xf32, #tpu.memory_space<vmem>>
      %dma_start3A_92 = arith.constant 0 : i32
      %dma_start3A_93 = tpu.memref_slice %arg5[%squeeze3A_82, %dma_start3A_92] : memref<1000000x64xf32, #tpu.memory_space<hbm>> -> memref<1x64xf32, #tpu.memory_space<hbm>>
      %dma_start3A_94 = tpu.memref_squeeze %dma_start3A_93 : memref<1x64xf32, #tpu.memory_space<hbm>> -> memref<64xf32, #tpu.memory_space<hbm>>
      tpu.enqueue_dma source(%dma_start3A_94 : memref<64xf32, #tpu.memory_space<hbm>>) target(%dma_start3A_91 : memref<64xf32, #tpu.memory_space<vmem>>) target_semaphore(%arg13 : memref<!tpu.dma_semaphore, #tpu.memory_space<semaphore_mem>>)
      %mul3A_95 = arith.constant 8 : i32
      %mul3A_96 = arith.muli %scan3A_26, %mul3A_95 : i32
      %add3A_97 = arith.constant 1 : i32
      %add3A_98 = arith.addi %mul3A_96, %add3A_97 : i32
      %slice3A_99 = vector.extract_strided_slice %get3A_29 {offsets = [2], sizes = [1], strides = [1]} : vector<16xi32> to vector<1xi32>
      %squeeze3A_100 = vector.extract %slice3A_99[0] : i32 from vector<1xi32>
      %dma_start3A_101 = arith.constant 0 : i32
      %dma_start3A_102 = tpu.memref_slice %arg9[%add3A_98, %dma_start3A_101] : memref<256x128xf32, #tpu.memory_space<vmem>> -> memref<1x64xf32, #tpu.memory_space<vmem>>
      %dma_start3A_103 = tpu.memref_squeeze %dma_start3A_102 : memref<1x64xf32, #tpu.memory_space<vmem>> -> memref<64xf32, #tpu.memory_space<vmem>>
      %dma_start3A_104 = arith.constant 0 : i32
      %dma_start3A_105 = tpu.memref_slice %arg4[%squeeze3A_100, %dma_start3A_104] : memref<1000000x64xf32, #tpu.memory_space<hbm>> -> memref<1x64xf32, #tpu.memory_space<hbm>>
      %dma_start3A_106 = tpu.memref_squeeze %dma_start3A_105 : memref<1x64xf32, #tpu.memory_space<hbm>> -> memref<64xf32, #tpu.memory_space<hbm>>
      %dma_start3A_107 = arith.constant 0 : i32
      %dma_start3A_108 = tpu.memref_slice %arg9[%add3A_98, %dma_start3A_107] : memref<256x128xf32, #tpu.memory_space<vmem>> -> memref<1x64xf32, #tpu.memory_space<vmem>>
      %dma_start3A_109 = tpu.memref_squeeze %dma_start3A_108 : memref<1x64xf32, #tpu.memory_space<vmem>> -> memref<64xf32, #tpu.memory_space<vmem>>
      %dma_start3A_110 = arith.constant 0 : i32
      %dma_start3A_111 = tpu.memref_slice %arg4[%squeeze3A_100, %dma_start3A_110] : memref<1000000x64xf32, #tpu.memory_space<hbm>> -> memref<1x64xf32, #tpu.memory_space<hbm>>
      %dma_start3A_112 = tpu.memref_squeeze %dma_start3A_111 : memref<1x64xf32, #tpu.memory_space<hbm>> -> memref<64xf32, #tpu.memory_space<hbm>>
      tpu.enqueue_dma source(%dma_start3A_112 : memref<64xf32, #tpu.memory_space<hbm>>) target(%dma_start3A_109 : memref<64xf32, #tpu.memory_space<vmem>>) target_semaphore(%arg12 : memref<!tpu.dma_semaphore, #tpu.memory_space<semaphore_mem>>)
      %slice3A_113 = vector.extract_strided_slice %get3A_33 {offsets = [2], sizes = [1], strides = [1]} : vector<16xi32> to vector<1xi32>
      %squeeze3A_114 = vector.extract %slice3A_113[0] : i32 from vector<1xi32>
      %dma_start3A_115 = arith.constant 0 : i32
      %dma_start3A_116 = tpu.memref_slice %arg10[%add3A_98, %dma_start3A_115] : memref<256x128xf32, #tpu.memory_space<vmem>> -> memref<1x64xf32, #tpu.memory_space<vmem>>
      %dma_start3A_117 = tpu.memref_squeeze %dma_start3A_116 : memref<1x64xf32, #tpu.memory_space<vmem>> -> memref<64xf32, #tpu.memory_space<vmem>>
      %dma_start3A_118 = arith.constant 0 : i32
      %dma_start3A_119 = tpu.memref_slice %arg5[%squeeze3A_114, %dma_start3A_118] : memref<1000000x64xf32, #tpu.memory_space<hbm>> -> memref<1x64xf32, #tpu.memory_space<hbm>>
      %dma_start3A_120 = tpu.memref_squeeze %dma_start3A_119 : memref<1x64xf32, #tpu.memory_space<hbm>> -> memref<64xf32, #tpu.memory_space<hbm>>
      %dma_start3A_121 = arith.constant 0 : i32
      %dma_start3A_122 = tpu.memref_slice %arg10[%add3A_98, %dma_start3A_121] : memref<256x128xf32, #tpu.memory_space<vmem>> -> memref<1x64xf32, #tpu.memory_space<vmem>>
      %dma_start3A_123 = tpu.memref_squeeze %dma_start3A_122 : memref<1x64xf32, #tpu.memory_space<vmem>> -> memref<64xf32, #tpu.memory_space<vmem>>
      %dma_start3A_124 = arith.constant 0 : i32
      %dma_start3A_125 = tpu.memref_slice %arg5[%squeeze3A_114, %dma_start3A_124] : memref<1000000x64xf32, #tpu.memory_space<hbm>> -> memref<1x64xf32, #tpu.memory_space<hbm>>
      %dma_start3A_126 = tpu.memref_squeeze %dma_start3A_125 : memref<1x64xf32, #tpu.memory_space<hbm>> -> memref<64xf32, #tpu.memory_space<hbm>>
      tpu.enqueue_dma source(%dma_start3A_126 : memref<64xf32, #tpu.memory_space<hbm>>) target(%dma_start3A_123 : memref<64xf32, #tpu.memory_space<vmem>>) target_semaphore(%arg13 : memref<!tpu.dma_semaphore, #tpu.memory_space<semaphore_mem>>)
      %mul3A_127 = arith.constant 8 : i32
      %mul3A_128 = arith.muli %scan3A_26, %mul3A_127 : i32
      %add3A_129 = arith.constant 1 : i32
      %add3A_130 = arith.addi %mul3A_128, %add3A_129 : i32
      %slice3A_131 = vector.extract_strided_slice %get3A_29 {offsets = [3], sizes = [1], strides = [1]} : vector<16xi32> to vector<1xi32>
      %squeeze3A_132 = vector.extract %slice3A_131[0] : i32 from vector<1xi32>
      %dma_start3A_133 = arith.constant 64 : i32
      %dma_start3A_134 = tpu.memref_slice %arg9[%add3A_130, %dma_start3A_133] : memref<256x128xf32, #tpu.memory_space<vmem>> -> memref<1x64xf32, #tpu.memory_space<vmem>>
      %dma_start3A_135 = tpu.memref_squeeze %dma_start3A_134 : memref<1x64xf32, #tpu.memory_space<vmem>> -> memref<64xf32, #tpu.memory_space<vmem>>
      %dma_start3A_136 = arith.constant 0 : i32
      %dma_start3A_137 = tpu.memref_slice %arg4[%squeeze3A_132, %dma_start3A_136] : memref<1000000x64xf32, #tpu.memory_space<hbm>> -> memref<1x64xf32, #tpu.memory_space<hbm>>
      %dma_start3A_138 = tpu.memref_squeeze %dma_start3A_137 : memref<1x64xf32, #tpu.memory_space<hbm>> -> memref<64xf32, #tpu.memory_space<hbm>>
      %dma_start3A_139 = arith.constant 64 : i32
      %dma_start3A_140 = tpu.memref_slice %arg9[%add3A_130, %dma_start3A_139] : memref<256x128xf32, #tpu.memory_space<vmem>> -> memref<1x64xf32, #tpu.memory_space<vmem>>
      %dma_start3A_141 = tpu.memref_squeeze %dma_start3A_140 : memref<1x64xf32, #tpu.memory_space<vmem>> -> memref<64xf32, #tpu.memory_space<vmem>>
      %dma_start3A_142 = arith.constant 0 : i32
      %dma_start3A_143 = tpu.memref_slice %arg4[%squeeze3A_132, %dma_start3A_142] : memref<1000000x64xf32, #tpu.memory_space<hbm>> -> memref<1x64xf32, #tpu.memory_space<hbm>>
      %dma_start3A_144 = tpu.memref_squeeze %dma_start3A_143 : memref<1x64xf32, #tpu.memory_space<hbm>> -> memref<64xf32, #tpu.memory_space<hbm>>
      tpu.enqueue_dma source(%dma_start3A_144 : memref<64xf32, #tpu.memory_space<hbm>>) target(%dma_start3A_141 : memref<64xf32, #tpu.memory_space<vmem>>) target_semaphore(%arg12 : memref<!tpu.dma_semaphore, #tpu.memory_space<semaphore_mem>>)
      %slice3A_145 = vector.extract_strided_slice %get3A_33 {offsets = [3], sizes = [1], strides = [1]} : vector<16xi32> to vector<1xi32>
      %squeeze3A_146 = vector.extract %slice3A_145[0] : i32 from vector<1xi32>
      %dma_start3A_147 = arith.constant 64 : i32
      %dma_start3A_148 = tpu.memref_slice %arg10[%add3A_130, %dma_start3A_147] : memref<256x128xf32, #tpu.memory_space<vmem>> -> memref<1x64xf32, #tpu.memory_space<vmem>>
      %dma_start3A_149 = tpu.memref_squeeze %dma_start3A_148 : memref<1x64xf32, #tpu.memory_space<vmem>> -> memref<64xf32, #tpu.memory_space<vmem>>
      %dma_start3A_150 = arith.constant 0 : i32
      %dma_start3A_151 = tpu.memref_slice %arg5[%squeeze3A_146, %dma_start3A_150] : memref<1000000x64xf32, #tpu.memory_space<hbm>> -> memref<1x64xf32, #tpu.memory_space<hbm>>
      %dma_start3A_152 = tpu.memref_squeeze %dma_start3A_151 : memref<1x64xf32, #tpu.memory_space<hbm>> -> memref<64xf32, #tpu.memory_space<hbm>>
      %dma_start3A_153 = arith.constant 64 : i32
      %dma_start3A_154 = tpu.memref_slice %arg10[%add3A_130, %dma_start3A_153] : memref<256x128xf32, #tpu.memory_space<vmem>> -> memref<1x64xf32, #tpu.memory_space<vmem>>
      %dma_start3A_155 = tpu.memref_squeeze %dma_start3A_154 : memref<1x64xf32, #tpu.memory_space<vmem>> -> memref<64xf32, #tpu.memory_space<vmem>>
      %dma_start3A_156 = arith.constant 0 : i32
      %dma_start3A_157 = tpu.memref_slice %arg5[%squeeze3A_146, %dma_start3A_156] : memref<1000000x64xf32, #tpu.memory_space<hbm>> -> memref<1x64xf32, #tpu.memory_space<hbm>>
      %dma_start3A_158 = tpu.memref_squeeze %dma_start3A_157 : memref<1x64xf32, #tpu.memory_space<hbm>> -> memref<64xf32, #tpu.memory_space<hbm>>
      tpu.enqueue_dma source(%dma_start3A_158 : memref<64xf32, #tpu.memory_space<hbm>>) target(%dma_start3A_155 : memref<64xf32, #tpu.memory_space<vmem>>) target_semaphore(%arg13 : memref<!tpu.dma_semaphore, #tpu.memory_space<semaphore_mem>>)
      %mul3A_159 = arith.constant 8 : i32
      %mul3A_160 = arith.muli %scan3A_26, %mul3A_159 : i32
      %add3A_161 = arith.constant 2 : i32
      %add3A_162 = arith.addi %mul3A_160, %add3A_161 : i32
      %slice3A_163 = vector.extract_strided_slice %get3A_29 {offsets = [4], sizes = [1], strides = [1]} : vector<16xi32> to vector<1xi32>
      %squeeze3A_164 = vector.extract %slice3A_163[0] : i32 from vector<1xi32>
      %dma_start3A_165 = arith.constant 0 : i32
      %dma_start3A_166 = tpu.memref_slice %arg9[%add3A_162, %dma_start3A_165] : memref<256x128xf32, #tpu.memory_space<vmem>> -> memref<1x64xf32, #tpu.memory_space<vmem>>
      %dma_start3A_167 = tpu.memref_squeeze %dma_start3A_166 : memref<1x64xf32, #tpu.memory_space<vmem>> -> memref<64xf32, #tpu.memory_space<vmem>>
      %dma_start3A_168 = arith.constant 0 : i32
      %dma_start3A_169 = tpu.memref_slice %arg4[%squeeze3A_164, %dma_start3A_168] : memref<1000000x64xf32, #tpu.memory_space<hbm>> -> memref<1x64xf32, #tpu.memory_space<hbm>>
      %dma_start3A_170 = tpu.memref_squeeze %dma_start3A_169 : memref<1x64xf32, #tpu.memory_space<hbm>> -> memref<64xf32, #tpu.memory_space<hbm>>
      %dma_start3A_171 = arith.constant 0 : i32
      %dma_start3A_172 = tpu.memref_slice %arg9[%add3A_162, %dma_start3A_171] : memref<256x128xf32, #tpu.memory_space<vmem>> -> memref<1x64xf32, #tpu.memory_space<vmem>>
      %dma_start3A_173 = tpu.memref_squeeze %dma_start3A_172 : memref<1x64xf32, #tpu.memory_space<vmem>> -> memref<64xf32, #tpu.memory_space<vmem>>
      %dma_start3A_174 = arith.constant 0 : i32
      %dma_start3A_175 = tpu.memref_slice %arg4[%squeeze3A_164, %dma_start3A_174] : memref<1000000x64xf32, #tpu.memory_space<hbm>> -> memref<1x64xf32, #tpu.memory_space<hbm>>
      %dma_start3A_176 = tpu.memref_squeeze %dma_start3A_175 : memref<1x64xf32, #tpu.memory_space<hbm>> -> memref<64xf32, #tpu.memory_space<hbm>>
      tpu.enqueue_dma source(%dma_start3A_176 : memref<64xf32, #tpu.memory_space<hbm>>) target(%dma_start3A_173 : memref<64xf32, #tpu.memory_space<vmem>>) target_semaphore(%arg12 : memref<!tpu.dma_semaphore, #tpu.memory_space<semaphore_mem>>)
      %slice3A_177 = vector.extract_strided_slice %get3A_33 {offsets = [4], sizes = [1], strides = [1]} : vector<16xi32> to vector<1xi32>
      %squeeze3A_178 = vector.extract %slice3A_177[0] : i32 from vector<1xi32>
      %dma_start3A_179 = arith.constant 0 : i32
      %dma_start3A_180 = tpu.memref_slice %arg10[%add3A_162, %dma_start3A_179] : memref<256x128xf32, #tpu.memory_space<vmem>> -> memref<1x64xf32, #tpu.memory_space<vmem>>
      %dma_start3A_181 = tpu.memref_squeeze %dma_start3A_180 : memref<1x64xf32, #tpu.memory_space<vmem>> -> memref<64xf32, #tpu.memory_space<vmem>>
      %dma_start3A_182 = arith.constant 0 : i32
      %dma_start3A_183 = tpu.memref_slice %arg5[%squeeze3A_178, %dma_start3A_182] : memref<1000000x64xf32, #tpu.memory_space<hbm>> -> memref<1x64xf32, #tpu.memory_space<hbm>>
      %dma_start3A_184 = tpu.memref_squeeze %dma_start3A_183 : memref<1x64xf32, #tpu.memory_space<hbm>> -> memref<64xf32, #tpu.memory_space<hbm>>
      %dma_start3A_185 = arith.constant 0 : i32
      %dma_start3A_186 = tpu.memref_slice %arg10[%add3A_162, %dma_start3A_185] : memref<256x128xf32, #tpu.memory_space<vmem>> -> memref<1x64xf32, #tpu.memory_space<vmem>>
      %dma_start3A_187 = tpu.memref_squeeze %dma_start3A_186 : memref<1x64xf32, #tpu.memory_space<vmem>> -> memref<64xf32, #tpu.memory_space<vmem>>
      %dma_start3A_188 = arith.constant 0 : i32
      %dma_start3A_189 = tpu.memref_slice %arg5[%squeeze3A_178, %dma_start3A_188] : memref<1000000x64xf32, #tpu.memory_space<hbm>> -> memref<1x64xf32, #tpu.memory_space<hbm>>
      %dma_start3A_190 = tpu.memref_squeeze %dma_start3A_189 : memref<1x64xf32, #tpu.memory_space<hbm>> -> memref<64xf32, #tpu.memory_space<hbm>>
      tpu.enqueue_dma source(%dma_start3A_190 : memref<64xf32, #tpu.memory_space<hbm>>) target(%dma_start3A_187 : memref<64xf32, #tpu.memory_space<vmem>>) target_semaphore(%arg13 : memref<!tpu.dma_semaphore, #tpu.memory_space<semaphore_mem>>)
      %mul3A_191 = arith.constant 8 : i32
      %mul3A_192 = arith.muli %scan3A_26, %mul3A_191 : i32
      %add3A_193 = arith.constant 2 : i32
      %add3A_194 = arith.addi %mul3A_192, %add3A_193 : i32
      %slice3A_195 = vector.extract_strided_slice %get3A_29 {offsets = [5], sizes = [1], strides = [1]} : vector<16xi32> to vector<1xi32>
      %squeeze3A_196 = vector.extract %slice3A_195[0] : i32 from vector<1xi32>
      %dma_start3A_197 = arith.constant 64 : i32
      %dma_start3A_198 = tpu.memref_slice %arg9[%add3A_194, %dma_start3A_197] : memref<256x128xf32, #tpu.memory_space<vmem>> -> memref<1x64xf32, #tpu.memory_space<vmem>>
      %dma_start3A_199 = tpu.memref_squeeze %dma_start3A_198 : memref<1x64xf32, #tpu.memory_space<vmem>> -> memref<64xf32, #tpu.memory_space<vmem>>
      %dma_start3A_200 = arith.constant 0 : i32
      %dma_start3A_201 = tpu.memref_slice %arg4[%squeeze3A_196, %dma_start3A_200] : memref<1000000x64xf32, #tpu.memory_space<hbm>> -> memref<1x64xf32, #tpu.memory_space<hbm>>
      %dma_start3A_202 = tpu.memref_squeeze %dma_start3A_201 : memref<1x64xf32, #tpu.memory_space<hbm>> -> memref<64xf32, #tpu.memory_space<hbm>>
      %dma_start3A_203 = arith.constant 64 : i32
      %dma_start3A_204 = tpu.memref_slice %arg9[%add3A_194, %dma_start3A_203] : memref<256x128xf32, #tpu.memory_space<vmem>> -> memref<1x64xf32, #tpu.memory_space<vmem>>
      %dma_start3A_205 = tpu.memref_squeeze %dma_start3A_204 : memref<1x64xf32, #tpu.memory_space<vmem>> -> memref<64xf32, #tpu.memory_space<vmem>>
      %dma_start3A_206 = arith.constant 0 : i32
      %dma_start3A_207 = tpu.memref_slice %arg4[%squeeze3A_196, %dma_start3A_206] : memref<1000000x64xf32, #tpu.memory_space<hbm>> -> memref<1x64xf32, #tpu.memory_space<hbm>>
      %dma_start3A_208 = tpu.memref_squeeze %dma_start3A_207 : memref<1x64xf32, #tpu.memory_space<hbm>> -> memref<64xf32, #tpu.memory_space<hbm>>
      tpu.enqueue_dma source(%dma_start3A_208 : memref<64xf32, #tpu.memory_space<hbm>>) target(%dma_start3A_205 : memref<64xf32, #tpu.memory_space<vmem>>) target_semaphore(%arg12 : memref<!tpu.dma_semaphore, #tpu.memory_space<semaphore_mem>>)
      %slice3A_209 = vector.extract_strided_slice %get3A_33 {offsets = [5], sizes = [1], strides = [1]} : vector<16xi32> to vector<1xi32>
      %squeeze3A_210 = vector.extract %slice3A_209[0] : i32 from vector<1xi32>
      %dma_start3A_211 = arith.constant 64 : i32
      %dma_start3A_212 = tpu.memref_slice %arg10[%add3A_194, %dma_start3A_211] : memref<256x128xf32, #tpu.memory_space<vmem>> -> memref<1x64xf32, #tpu.memory_space<vmem>>
      %dma_start3A_213 = tpu.memref_squeeze %dma_start3A_212 : memref<1x64xf32, #tpu.memory_space<vmem>> -> memref<64xf32, #tpu.memory_space<vmem>>
      %dma_start3A_214 = arith.constant 0 : i32
      %dma_start3A_215 = tpu.memref_slice %arg5[%squeeze3A_210, %dma_start3A_214] : memref<1000000x64xf32, #tpu.memory_space<hbm>> -> memref<1x64xf32, #tpu.memory_space<hbm>>
      %dma_start3A_216 = tpu.memref_squeeze %dma_start3A_215 : memref<1x64xf32, #tpu.memory_space<hbm>> -> memref<64xf32, #tpu.memory_space<hbm>>
      %dma_start3A_217 = arith.constant 64 : i32
      %dma_start3A_218 = tpu.memref_slice %arg10[%add3A_194, %dma_start3A_217] : memref<256x128xf32, #tpu.memory_space<vmem>> -> memref<1x64xf32, #tpu.memory_space<vmem>>
      %dma_start3A_219 = tpu.memref_squeeze %dma_start3A_218 : memref<1x64xf32, #tpu.memory_space<vmem>> -> memref<64xf32, #tpu.memory_space<vmem>>
      %dma_start3A_220 = arith.constant 0 : i32
      %dma_start3A_221 = tpu.memref_slice %arg5[%squeeze3A_210, %dma_start3A_220] : memref<1000000x64xf32, #tpu.memory_space<hbm>> -> memref<1x64xf32, #tpu.memory_space<hbm>>
      %dma_start3A_222 = tpu.memref_squeeze %dma_start3A_221 : memref<1x64xf32, #tpu.memory_space<hbm>> -> memref<64xf32, #tpu.memory_space<hbm>>
      tpu.enqueue_dma source(%dma_start3A_222 : memref<64xf32, #tpu.memory_space<hbm>>) target(%dma_start3A_219 : memref<64xf32, #tpu.memory_space<vmem>>) target_semaphore(%arg13 : memref<!tpu.dma_semaphore, #tpu.memory_space<semaphore_mem>>)
      %mul3A_223 = arith.constant 8 : i32
      %mul3A_224 = arith.muli %scan3A_26, %mul3A_223 : i32
      %add3A_225 = arith.constant 3 : i32
      %add3A_226 = arith.addi %mul3A_224, %add3A_225 : i32
      %slice3A_227 = vector.extract_strided_slice %get3A_29 {offsets = [6], sizes = [1], strides = [1]} : vector<16xi32> to vector<1xi32>
      %squeeze3A_228 = vector.extract %slice3A_227[0] : i32 from vector<1xi32>
      %dma_start3A_229 = arith.constant 0 : i32
      %dma_start3A_230 = tpu.memref_slice %arg9[%add3A_226, %dma_start3A_229] : memref<256x128xf32, #tpu.memory_space<vmem>> -> memref<1x64xf32, #tpu.memory_space<vmem>>
      %dma_start3A_231 = tpu.memref_squeeze %dma_start3A_230 : memref<1x64xf32, #tpu.memory_space<vmem>> -> memref<64xf32, #tpu.memory_space<vmem>>
      %dma_start3A_232 = arith.constant 0 : i32
      %dma_start3A_233 = tpu.memref_slice %arg4[%squeeze3A_228, %dma_start3A_232] : memref<1000000x64xf32, #tpu.memory_space<hbm>> -> memref<1x64xf32, #tpu.memory_space<hbm>>
      %dma_start3A_234 = tpu.memref_squeeze %dma_start3A_233 : memref<1x64xf32, #tpu.memory_space<hbm>> -> memref<64xf32, #tpu.memory_space<hbm>>
      %dma_start3A_235 = arith.constant 0 : i32
      %dma_start3A_236 = tpu.memref_slice %arg9[%add3A_226, %dma_start3A_235] : memref<256x128xf32, #tpu.memory_space<vmem>> -> memref<1x64xf32, #tpu.memory_space<vmem>>
      %dma_start3A_237 = tpu.memref_squeeze %dma_start3A_236 : memref<1x64xf32, #tpu.memory_space<vmem>> -> memref<64xf32, #tpu.memory_space<vmem>>
      %dma_start3A_238 = arith.constant 0 : i32
      %dma_start3A_239 = tpu.memref_slice %arg4[%squeeze3A_228, %dma_start3A_238] : memref<1000000x64xf32, #tpu.memory_space<hbm>> -> memref<1x64xf32, #tpu.memory_space<hbm>>
      %dma_start3A_240 = tpu.memref_squeeze %dma_start3A_239 : memref<1x64xf32, #tpu.memory_space<hbm>> -> memref<64xf32, #tpu.memory_space<hbm>>
      tpu.enqueue_dma source(%dma_start3A_240 : memref<64xf32, #tpu.memory_space<hbm>>) target(%dma_start3A_237 : memref<64xf32, #tpu.memory_space<vmem>>) target_semaphore(%arg12 : memref<!tpu.dma_semaphore, #tpu.memory_space<semaphore_mem>>)
      %slice3A_241 = vector.extract_strided_slice %get3A_33 {offsets = [6], sizes = [1], strides = [1]} : vector<16xi32> to vector<1xi32>
      %squeeze3A_242 = vector.extract %slice3A_241[0] : i32 from vector<1xi32>
      %dma_start3A_243 = arith.constant 0 : i32
      %dma_start3A_244 = tpu.memref_slice %arg10[%add3A_226, %dma_start3A_243] : memref<256x128xf32, #tpu.memory_space<vmem>> -> memref<1x64xf32, #tpu.memory_space<vmem>>
      %dma_start3A_245 = tpu.memref_squeeze %dma_start3A_244 : memref<1x64xf32, #tpu.memory_space<vmem>> -> memref<64xf32, #tpu.memory_space<vmem>>
      %dma_start3A_246 = arith.constant 0 : i32
      %dma_start3A_247 = tpu.memref_slice %arg5[%squeeze3A_242, %dma_start3A_246] : memref<1000000x64xf32, #tpu.memory_space<hbm>> -> memref<1x64xf32, #tpu.memory_space<hbm>>
      %dma_start3A_248 = tpu.memref_squeeze %dma_start3A_247 : memref<1x64xf32, #tpu.memory_space<hbm>> -> memref<64xf32, #tpu.memory_space<hbm>>
      %dma_start3A_249 = arith.constant 0 : i32
      %dma_start3A_250 = tpu.memref_slice %arg10[%add3A_226, %dma_start3A_249] : memref<256x128xf32, #tpu.memory_space<vmem>> -> memref<1x64xf32, #tpu.memory_space<vmem>>
      %dma_start3A_251 = tpu.memref_squeeze %dma_start3A_250 : memref<1x64xf32, #tpu.memory_space<vmem>> -> memref<64xf32, #tpu.memory_space<vmem>>
      %dma_start3A_252 = arith.constant 0 : i32
      %dma_start3A_253 = tpu.memref_slice %arg5[%squeeze3A_242, %dma_start3A_252] : memref<1000000x64xf32, #tpu.memory_space<hbm>> -> memref<1x64xf32, #tpu.memory_space<hbm>>
      %dma_start3A_254 = tpu.memref_squeeze %dma_start3A_253 : memref<1x64xf32, #tpu.memory_space<hbm>> -> memref<64xf32, #tpu.memory_space<hbm>>
      tpu.enqueue_dma source(%dma_start3A_254 : memref<64xf32, #tpu.memory_space<hbm>>) target(%dma_start3A_251 : memref<64xf32, #tpu.memory_space<vmem>>) target_semaphore(%arg13 : memref<!tpu.dma_semaphore, #tpu.memory_space<semaphore_mem>>)
      %mul3A_255 = arith.constant 8 : i32
      %mul3A_256 = arith.muli %scan3A_26, %mul3A_255 : i32
      %add3A_257 = arith.constant 3 : i32
      %add3A_258 = arith.addi %mul3A_256, %add3A_257 : i32
      %slice3A_259 = vector.extract_strided_slice %get3A_29 {offsets = [7], sizes = [1], strides = [1]} : vector<16xi32> to vector<1xi32>
      %squeeze3A_260 = vector.extract %slice3A_259[0] : i32 from vector<1xi32>
      %dma_start3A_261 = arith.constant 64 : i32
      %dma_start3A_262 = tpu.memref_slice %arg9[%add3A_258, %dma_start3A_261] : memref<256x128xf32, #tpu.memory_space<vmem>> -> memref<1x64xf32, #tpu.memory_space<vmem>>
      %dma_start3A_263 = tpu.memref_squeeze %dma_start3A_262 : memref<1x64xf32, #tpu.memory_space<vmem>> -> memref<64xf32, #tpu.memory_space<vmem>>
      %dma_start3A_264 = arith.constant 0 : i32
      %dma_start3A_265 = tpu.memref_slice %arg4[%squeeze3A_260, %dma_start3A_264] : memref<1000000x64xf32, #tpu.memory_space<hbm>> -> memref<1x64xf32, #tpu.memory_space<hbm>>
      %dma_start3A_266 = tpu.memref_squeeze %dma_start3A_265 : memref<1x64xf32, #tpu.memory_space<hbm>> -> memref<64xf32, #tpu.memory_space<hbm>>
      %dma_start3A_267 = arith.constant 64 : i32
      %dma_start3A_268 = tpu.memref_slice %arg9[%add3A_258, %dma_start3A_267] : memref<256x128xf32, #tpu.memory_space<vmem>> -> memref<1x64xf32, #tpu.memory_space<vmem>>
      %dma_start3A_269 = tpu.memref_squeeze %dma_start3A_268 : memref<1x64xf32, #tpu.memory_space<vmem>> -> memref<64xf32, #tpu.memory_space<vmem>>
      %dma_start3A_270 = arith.constant 0 : i32
      %dma_start3A_271 = tpu.memref_slice %arg4[%squeeze3A_260, %dma_start3A_270] : memref<1000000x64xf32, #tpu.memory_space<hbm>> -> memref<1x64xf32, #tpu.memory_space<hbm>>
      %dma_start3A_272 = tpu.memref_squeeze %dma_start3A_271 : memref<1x64xf32, #tpu.memory_space<hbm>> -> memref<64xf32, #tpu.memory_space<hbm>>
      tpu.enqueue_dma source(%dma_start3A_272 : memref<64xf32, #tpu.memory_space<hbm>>) target(%dma_start3A_269 : memref<64xf32, #tpu.memory_space<vmem>>) target_semaphore(%arg12 : memref<!tpu.dma_semaphore, #tpu.memory_space<semaphore_mem>>)
      %slice3A_273 = vector.extract_strided_slice %get3A_33 {offsets = [7], sizes = [1], strides = [1]} : vector<16xi32> to vector<1xi32>
      %squeeze3A_274 = vector.extract %slice3A_273[0] : i32 from vector<1xi32>
      %dma_start3A_275 = arith.constant 64 : i32
      %dma_start3A_276 = tpu.memref_slice %arg10[%add3A_258, %dma_start3A_275] : memref<256x128xf32, #tpu.memory_space<vmem>> -> memref<1x64xf32, #tpu.memory_space<vmem>>
      %dma_start3A_277 = tpu.memref_squeeze %dma_start3A_276 : memref<1x64xf32, #tpu.memory_space<vmem>> -> memref<64xf32, #tpu.memory_space<vmem>>
      %dma_start3A_278 = arith.constant 0 : i32
      %dma_start3A_279 = tpu.memref_slice %arg5[%squeeze3A_274, %dma_start3A_278] : memref<1000000x64xf32, #tpu.memory_space<hbm>> -> memref<1x64xf32, #tpu.memory_space<hbm>>
      %dma_start3A_280 = tpu.memref_squeeze %dma_start3A_279 : memref<1x64xf32, #tpu.memory_space<hbm>> -> memref<64xf32, #tpu.memory_space<hbm>>
      %dma_start3A_281 = arith.constant 64 : i32
      %dma_start3A_282 = tpu.memref_slice %arg10[%add3A_258, %dma_start3A_281] : memref<256x128xf32, #tpu.memory_space<vmem>> -> memref<1x64xf32, #tpu.memory_space<vmem>>
      %dma_start3A_283 = tpu.memref_squeeze %dma_start3A_282 : memref<1x64xf32, #tpu.memory_space<vmem>> -> memref<64xf32, #tpu.memory_space<vmem>>
      %dma_start3A_284 = arith.constant 0 : i32
      %dma_start3A_285 = tpu.memref_slice %arg5[%squeeze3A_274, %dma_start3A_284] : memref<1000000x64xf32, #tpu.memory_space<hbm>> -> memref<1x64xf32, #tpu.memory_space<hbm>>
      %dma_start3A_286 = tpu.memref_squeeze %dma_start3A_285 : memref<1x64xf32, #tpu.memory_space<hbm>> -> memref<64xf32, #tpu.memory_space<hbm>>
      tpu.enqueue_dma source(%dma_start3A_286 : memref<64xf32, #tpu.memory_space<hbm>>) target(%dma_start3A_283 : memref<64xf32, #tpu.memory_space<vmem>>) target_semaphore(%arg13 : memref<!tpu.dma_semaphore, #tpu.memory_space<semaphore_mem>>)
      %mul3A_287 = arith.constant 8 : i32
      %mul3A_288 = arith.muli %scan3A_26, %mul3A_287 : i32
      %add3A_289 = arith.constant 4 : i32
      %add3A_290 = arith.addi %mul3A_288, %add3A_289 : i32
      %slice3A_291 = vector.extract_strided_slice %get3A_29 {offsets = [8], sizes = [1], strides = [1]} : vector<16xi32> to vector<1xi32>
      %squeeze3A_292 = vector.extract %slice3A_291[0] : i32 from vector<1xi32>
      %dma_start3A_293 = arith.constant 0 : i32
      %dma_start3A_294 = tpu.memref_slice %arg9[%add3A_290, %dma_start3A_293] : memref<256x128xf32, #tpu.memory_space<vmem>> -> memref<1x64xf32, #tpu.memory_space<vmem>>
      %dma_start3A_295 = tpu.memref_squeeze %dma_start3A_294 : memref<1x64xf32, #tpu.memory_space<vmem>> -> memref<64xf32, #tpu.memory_space<vmem>>
      %dma_start3A_296 = arith.constant 0 : i32
      %dma_start3A_297 = tpu.memref_slice %arg4[%squeeze3A_292, %dma_start3A_296] : memref<1000000x64xf32, #tpu.memory_space<hbm>> -> memref<1x64xf32, #tpu.memory_space<hbm>>
      %dma_start3A_298 = tpu.memref_squeeze %dma_start3A_297 : memref<1x64xf32, #tpu.memory_space<hbm>> -> memref<64xf32, #tpu.memory_space<hbm>>
      %dma_start3A_299 = arith.constant 0 : i32
      %dma_start3A_300 = tpu.memref_slice %arg9[%add3A_290, %dma_start3A_299] : memref<256x128xf32, #tpu.memory_space<vmem>> -> memref<1x64xf32, #tpu.memory_space<vmem>>
      %dma_start3A_301 = tpu.memref_squeeze %dma_start3A_300 : memref<1x64xf32, #tpu.memory_space<vmem>> -> memref<64xf32, #tpu.memory_space<vmem>>
      %dma_start3A_302 = arith.constant 0 : i32
      %dma_start3A_303 = tpu.memref_slice %arg4[%squeeze3A_292, %dma_start3A_302] : memref<1000000x64xf32, #tpu.memory_space<hbm>> -> memref<1x64xf32, #tpu.memory_space<hbm>>
      %dma_start3A_304 = tpu.memref_squeeze %dma_start3A_303 : memref<1x64xf32, #tpu.memory_space<hbm>> -> memref<64xf32, #tpu.memory_space<hbm>>
      tpu.enqueue_dma source(%dma_start3A_304 : memref<64xf32, #tpu.memory_space<hbm>>) target(%dma_start3A_301 : memref<64xf32, #tpu.memory_space<vmem>>) target_semaphore(%arg12 : memref<!tpu.dma_semaphore, #tpu.memory_space<semaphore_mem>>)
      %slice3A_305 = vector.extract_strided_slice %get3A_33 {offsets = [8], sizes = [1], strides = [1]} : vector<16xi32> to vector<1xi32>
      %squeeze3A_306 = vector.extract %slice3A_305[0] : i32 from vector<1xi32>
      %dma_start3A_307 = arith.constant 0 : i32
      %dma_start3A_308 = tpu.memref_slice %arg10[%add3A_290, %dma_start3A_307] : memref<256x128xf32, #tpu.memory_space<vmem>> -> memref<1x64xf32, #tpu.memory_space<vmem>>
      %dma_start3A_309 = tpu.memref_squeeze %dma_start3A_308 : memref<1x64xf32, #tpu.memory_space<vmem>> -> memref<64xf32, #tpu.memory_space<vmem>>
      %dma_start3A_310 = arith.constant 0 : i32
      %dma_start3A_311 = tpu.memref_slice %arg5[%squeeze3A_306, %dma_start3A_310] : memref<1000000x64xf32, #tpu.memory_space<hbm>> -> memref<1x64xf32, #tpu.memory_space<hbm>>
      %dma_start3A_312 = tpu.memref_squeeze %dma_start3A_311 : memref<1x64xf32, #tpu.memory_space<hbm>> -> memref<64xf32, #tpu.memory_space<hbm>>
      %dma_start3A_313 = arith.constant 0 : i32
      %dma_start3A_314 = tpu.memref_slice %arg10[%add3A_290, %dma_start3A_313] : memref<256x128xf32, #tpu.memory_space<vmem>> -> memref<1x64xf32, #tpu.memory_space<vmem>>
      %dma_start3A_315 = tpu.memref_squeeze %dma_start3A_314 : memref<1x64xf32, #tpu.memory_space<vmem>> -> memref<64xf32, #tpu.memory_space<vmem>>
      %dma_start3A_316 = arith.constant 0 : i32
      %dma_start3A_317 = tpu.memref_slice %arg5[%squeeze3A_306, %dma_start3A_316] : memref<1000000x64xf32, #tpu.memory_space<hbm>> -> memref<1x64xf32, #tpu.memory_space<hbm>>
      %dma_start3A_318 = tpu.memref_squeeze %dma_start3A_317 : memref<1x64xf32, #tpu.memory_space<hbm>> -> memref<64xf32, #tpu.memory_space<hbm>>
      tpu.enqueue_dma source(%dma_start3A_318 : memref<64xf32, #tpu.memory_space<hbm>>) target(%dma_start3A_315 : memref<64xf32, #tpu.memory_space<vmem>>) target_semaphore(%arg13 : memref<!tpu.dma_semaphore, #tpu.memory_space<semaphore_mem>>)
      %mul3A_319 = arith.constant 8 : i32
      %mul3A_320 = arith.muli %scan3A_26, %mul3A_319 : i32
      %add3A_321 = arith.constant 4 : i32
      %add3A_322 = arith.addi %mul3A_320, %add3A_321 : i32
      %slice3A_323 = vector.extract_strided_slice %get3A_29 {offsets = [9], sizes = [1], strides = [1]} : vector<16xi32> to vector<1xi32>
      %squeeze3A_324 = vector.extract %slice3A_323[0] : i32 from vector<1xi32>
      %dma_start3A_325 = arith.constant 64 : i32
      %dma_start3A_326 = tpu.memref_slice %arg9[%add3A_322, %dma_start3A_325] : memref<256x128xf32, #tpu.memory_space<vmem>> -> memref<1x64xf32, #tpu.memory_space<vmem>>
      %dma_start3A_327 = tpu.memref_squeeze %dma_start3A_326 : memref<1x64xf32, #tpu.memory_space<vmem>> -> memref<64xf32, #tpu.memory_space<vmem>>
      %dma_start3A_328 = arith.constant 0 : i32
      %dma_start3A_329 = tpu.memref_slice %arg4[%squeeze3A_324, %dma_start3A_328] : memref<1000000x64xf32, #tpu.memory_space<hbm>> -> memref<1x64xf32, #tpu.memory_space<hbm>>
      %dma_start3A_330 = tpu.memref_squeeze %dma_start3A_329 : memref<1x64xf32, #tpu.memory_space<hbm>> -> memref<64xf32, #tpu.memory_space<hbm>>
      %dma_start3A_331 = arith.constant 64 : i32
      %dma_start3A_332 = tpu.memref_slice %arg9[%add3A_322, %dma_start3A_331] : memref<256x128xf32, #tpu.memory_space<vmem>> -> memref<1x64xf32, #tpu.memory_space<vmem>>
      %dma_start3A_333 = tpu.memref_squeeze %dma_start3A_332 : memref<1x64xf32, #tpu.memory_space<vmem>> -> memref<64xf32, #tpu.memory_space<vmem>>
      %dma_start3A_334 = arith.constant 0 : i32
      %dma_start3A_335 = tpu.memref_slice %arg4[%squeeze3A_324, %dma_start3A_334] : memref<1000000x64xf32, #tpu.memory_space<hbm>> -> memref<1x64xf32, #tpu.memory_space<hbm>>
      %dma_start3A_336 = tpu.memref_squeeze %dma_start3A_335 : memref<1x64xf32, #tpu.memory_space<hbm>> -> memref<64xf32, #tpu.memory_space<hbm>>
      tpu.enqueue_dma source(%dma_start3A_336 : memref<64xf32, #tpu.memory_space<hbm>>) target(%dma_start3A_333 : memref<64xf32, #tpu.memory_space<vmem>>) target_semaphore(%arg12 : memref<!tpu.dma_semaphore, #tpu.memory_space<semaphore_mem>>)
      %slice3A_337 = vector.extract_strided_slice %get3A_33 {offsets = [9], sizes = [1], strides = [1]} : vector<16xi32> to vector<1xi32>
      %squeeze3A_338 = vector.extract %slice3A_337[0] : i32 from vector<1xi32>
      %dma_start3A_339 = arith.constant 64 : i32
      %dma_start3A_340 = tpu.memref_slice %arg10[%add3A_322, %dma_start3A_339] : memref<256x128xf32, #tpu.memory_space<vmem>> -> memref<1x64xf32, #tpu.memory_space<vmem>>
      %dma_start3A_341 = tpu.memref_squeeze %dma_start3A_340 : memref<1x64xf32, #tpu.memory_space<vmem>> -> memref<64xf32, #tpu.memory_space<vmem>>
      %dma_start3A_342 = arith.constant 0 : i32
      %dma_start3A_343 = tpu.memref_slice %arg5[%squeeze3A_338, %dma_start3A_342] : memref<1000000x64xf32, #tpu.memory_space<hbm>> -> memref<1x64xf32, #tpu.memory_space<hbm>>
      %dma_start3A_344 = tpu.memref_squeeze %dma_start3A_343 : memref<1x64xf32, #tpu.memory_space<hbm>> -> memref<64xf32, #tpu.memory_space<hbm>>
      %dma_start3A_345 = arith.constant 64 : i32
      %dma_start3A_346 = tpu.memref_slice %arg10[%add3A_322, %dma_start3A_345] : memref<256x128xf32, #tpu.memory_space<vmem>> -> memref<1x64xf32, #tpu.memory_space<vmem>>
      %dma_start3A_347 = tpu.memref_squeeze %dma_start3A_346 : memref<1x64xf32, #tpu.memory_space<vmem>> -> memref<64xf32, #tpu.memory_space<vmem>>
      %dma_start3A_348 = arith.constant 0 : i32
      %dma_start3A_349 = tpu.memref_slice %arg5[%squeeze3A_338, %dma_start3A_348] : memref<1000000x64xf32, #tpu.memory_space<hbm>> -> memref<1x64xf32, #tpu.memory_space<hbm>>
      %dma_start3A_350 = tpu.memref_squeeze %dma_start3A_349 : memref<1x64xf32, #tpu.memory_space<hbm>> -> memref<64xf32, #tpu.memory_space<hbm>>
      tpu.enqueue_dma source(%dma_start3A_350 : memref<64xf32, #tpu.memory_space<hbm>>) target(%dma_start3A_347 : memref<64xf32, #tpu.memory_space<vmem>>) target_semaphore(%arg13 : memref<!tpu.dma_semaphore, #tpu.memory_space<semaphore_mem>>)
      %mul3A_351 = arith.constant 8 : i32
      %mul3A_352 = arith.muli %scan3A_26, %mul3A_351 : i32
      %add3A_353 = arith.constant 5 : i32
      %add3A_354 = arith.addi %mul3A_352, %add3A_353 : i32
      %slice3A_355 = vector.extract_strided_slice %get3A_29 {offsets = [10], sizes = [1], strides = [1]} : vector<16xi32> to vector<1xi32>
      %squeeze3A_356 = vector.extract %slice3A_355[0] : i32 from vector<1xi32>
      %dma_start3A_357 = arith.constant 0 : i32
      %dma_start3A_358 = tpu.memref_slice %arg9[%add3A_354, %dma_start3A_357] : memref<256x128xf32, #tpu.memory_space<vmem>> -> memref<1x64xf32, #tpu.memory_space<vmem>>
      %dma_start3A_359 = tpu.memref_squeeze %dma_start3A_358 : memref<1x64xf32, #tpu.memory_space<vmem>> -> memref<64xf32, #tpu.memory_space<vmem>>
      %dma_start3A_360 = arith.constant 0 : i32
      %dma_start3A_361 = tpu.memref_slice %arg4[%squeeze3A_356, %dma_start3A_360] : memref<1000000x64xf32, #tpu.memory_space<hbm>> -> memref<1x64xf32, #tpu.memory_space<hbm>>
      %dma_start3A_362 = tpu.memref_squeeze %dma_start3A_361 : memref<1x64xf32, #tpu.memory_space<hbm>> -> memref<64xf32, #tpu.memory_space<hbm>>
      %dma_start3A_363 = arith.constant 0 : i32
      %dma_start3A_364 = tpu.memref_slice %arg9[%add3A_354, %dma_start3A_363] : memref<256x128xf32, #tpu.memory_space<vmem>> -> memref<1x64xf32, #tpu.memory_space<vmem>>
      %dma_start3A_365 = tpu.memref_squeeze %dma_start3A_364 : memref<1x64xf32, #tpu.memory_space<vmem>> -> memref<64xf32, #tpu.memory_space<vmem>>
      %dma_start3A_366 = arith.constant 0 : i32
      %dma_start3A_367 = tpu.memref_slice %arg4[%squeeze3A_356, %dma_start3A_366] : memref<1000000x64xf32, #tpu.memory_space<hbm>> -> memref<1x64xf32, #tpu.memory_space<hbm>>
      %dma_start3A_368 = tpu.memref_squeeze %dma_start3A_367 : memref<1x64xf32, #tpu.memory_space<hbm>> -> memref<64xf32, #tpu.memory_space<hbm>>
      tpu.enqueue_dma source(%dma_start3A_368 : memref<64xf32, #tpu.memory_space<hbm>>) target(%dma_start3A_365 : memref<64xf32, #tpu.memory_space<vmem>>) target_semaphore(%arg12 : memref<!tpu.dma_semaphore, #tpu.memory_space<semaphore_mem>>)
      %slice3A_369 = vector.extract_strided_slice %get3A_33 {offsets = [10], sizes = [1], strides = [1]} : vector<16xi32> to vector<1xi32>
      %squeeze3A_370 = vector.extract %slice3A_369[0] : i32 from vector<1xi32>
      %dma_start3A_371 = arith.constant 0 : i32
      %dma_start3A_372 = tpu.memref_slice %arg10[%add3A_354, %dma_start3A_371] : memref<256x128xf32, #tpu.memory_space<vmem>> -> memref<1x64xf32, #tpu.memory_space<vmem>>
      %dma_start3A_373 = tpu.memref_squeeze %dma_start3A_372 : memref<1x64xf32, #tpu.memory_space<vmem>> -> memref<64xf32, #tpu.memory_space<vmem>>
      %dma_start3A_374 = arith.constant 0 : i32
      %dma_start3A_375 = tpu.memref_slice %arg5[%squeeze3A_370, %dma_start3A_374] : memref<1000000x64xf32, #tpu.memory_space<hbm>> -> memref<1x64xf32, #tpu.memory_space<hbm>>
      %dma_start3A_376 = tpu.memref_squeeze %dma_start3A_375 : memref<1x64xf32, #tpu.memory_space<hbm>> -> memref<64xf32, #tpu.memory_space<hbm>>
      %dma_start3A_377 = arith.constant 0 : i32
      %dma_start3A_378 = tpu.memref_slice %arg10[%add3A_354, %dma_start3A_377] : memref<256x128xf32, #tpu.memory_space<vmem>> -> memref<1x64xf32, #tpu.memory_space<vmem>>
      %dma_start3A_379 = tpu.memref_squeeze %dma_start3A_378 : memref<1x64xf32, #tpu.memory_space<vmem>> -> memref<64xf32, #tpu.memory_space<vmem>>
      %dma_start3A_380 = arith.constant 0 : i32
      %dma_start3A_381 = tpu.memref_slice %arg5[%squeeze3A_370, %dma_start3A_380] : memref<1000000x64xf32, #tpu.memory_space<hbm>> -> memref<1x64xf32, #tpu.memory_space<hbm>>
      %dma_start3A_382 = tpu.memref_squeeze %dma_start3A_381 : memref<1x64xf32, #tpu.memory_space<hbm>> -> memref<64xf32, #tpu.memory_space<hbm>>
      tpu.enqueue_dma source(%dma_start3A_382 : memref<64xf32, #tpu.memory_space<hbm>>) target(%dma_start3A_379 : memref<64xf32, #tpu.memory_space<vmem>>) target_semaphore(%arg13 : memref<!tpu.dma_semaphore, #tpu.memory_space<semaphore_mem>>)
      %mul3A_383 = arith.constant 8 : i32
      %mul3A_384 = arith.muli %scan3A_26, %mul3A_383 : i32
      %add3A_385 = arith.constant 5 : i32
      %add3A_386 = arith.addi %mul3A_384, %add3A_385 : i32
      %slice3A_387 = vector.extract_strided_slice %get3A_29 {offsets = [11], sizes = [1], strides = [1]} : vector<16xi32> to vector<1xi32>
      %squeeze3A_388 = vector.extract %slice3A_387[0] : i32 from vector<1xi32>
      %dma_start3A_389 = arith.constant 64 : i32
      %dma_start3A_390 = tpu.memref_slice %arg9[%add3A_386, %dma_start3A_389] : memref<256x128xf32, #tpu.memory_space<vmem>> -> memref<1x64xf32, #tpu.memory_space<vmem>>
      %dma_start3A_391 = tpu.memref_squeeze %dma_start3A_390 : memref<1x64xf32, #tpu.memory_space<vmem>> -> memref<64xf32, #tpu.memory_space<vmem>>
      %dma_start3A_392 = arith.constant 0 : i32
      %dma_start3A_393 = tpu.memref_slice %arg4[%squeeze3A_388, %dma_start3A_392] : memref<1000000x64xf32, #tpu.memory_space<hbm>> -> memref<1x64xf32, #tpu.memory_space<hbm>>
      %dma_start3A_394 = tpu.memref_squeeze %dma_start3A_393 : memref<1x64xf32, #tpu.memory_space<hbm>> -> memref<64xf32, #tpu.memory_space<hbm>>
      %dma_start3A_395 = arith.constant 64 : i32
      %dma_start3A_396 = tpu.memref_slice %arg9[%add3A_386, %dma_start3A_395] : memref<256x128xf32, #tpu.memory_space<vmem>> -> memref<1x64xf32, #tpu.memory_space<vmem>>
      %dma_start3A_397 = tpu.memref_squeeze %dma_start3A_396 : memref<1x64xf32, #tpu.memory_space<vmem>> -> memref<64xf32, #tpu.memory_space<vmem>>
      %dma_start3A_398 = arith.constant 0 : i32
      %dma_start3A_399 = tpu.memref_slice %arg4[%squeeze3A_388, %dma_start3A_398] : memref<1000000x64xf32, #tpu.memory_space<hbm>> -> memref<1x64xf32, #tpu.memory_space<hbm>>
      %dma_start3A_400 = tpu.memref_squeeze %dma_start3A_399 : memref<1x64xf32, #tpu.memory_space<hbm>> -> memref<64xf32, #tpu.memory_space<hbm>>
      tpu.enqueue_dma source(%dma_start3A_400 : memref<64xf32, #tpu.memory_space<hbm>>) target(%dma_start3A_397 : memref<64xf32, #tpu.memory_space<vmem>>) target_semaphore(%arg12 : memref<!tpu.dma_semaphore, #tpu.memory_space<semaphore_mem>>)
      %slice3A_401 = vector.extract_strided_slice %get3A_33 {offsets = [11], sizes = [1], strides = [1]} : vector<16xi32> to vector<1xi32>
      %squeeze3A_402 = vector.extract %slice3A_401[0] : i32 from vector<1xi32>
      %dma_start3A_403 = arith.constant 64 : i32
      %dma_start3A_404 = tpu.memref_slice %arg10[%add3A_386, %dma_start3A_403] : memref<256x128xf32, #tpu.memory_space<vmem>> -> memref<1x64xf32, #tpu.memory_space<vmem>>
      %dma_start3A_405 = tpu.memref_squeeze %dma_start3A_404 : memref<1x64xf32, #tpu.memory_space<vmem>> -> memref<64xf32, #tpu.memory_space<vmem>>
      %dma_start3A_406 = arith.constant 0 : i32
      %dma_start3A_407 = tpu.memref_slice %arg5[%squeeze3A_402, %dma_start3A_406] : memref<1000000x64xf32, #tpu.memory_space<hbm>> -> memref<1x64xf32, #tpu.memory_space<hbm>>
      %dma_start3A_408 = tpu.memref_squeeze %dma_start3A_407 : memref<1x64xf32, #tpu.memory_space<hbm>> -> memref<64xf32, #tpu.memory_space<hbm>>
      %dma_start3A_409 = arith.constant 64 : i32
      %dma_start3A_410 = tpu.memref_slice %arg10[%add3A_386, %dma_start3A_409] : memref<256x128xf32, #tpu.memory_space<vmem>> -> memref<1x64xf32, #tpu.memory_space<vmem>>
      %dma_start3A_411 = tpu.memref_squeeze %dma_start3A_410 : memref<1x64xf32, #tpu.memory_space<vmem>> -> memref<64xf32, #tpu.memory_space<vmem>>
      %dma_start3A_412 = arith.constant 0 : i32
      %dma_start3A_413 = tpu.memref_slice %arg5[%squeeze3A_402, %dma_start3A_412] : memref<1000000x64xf32, #tpu.memory_space<hbm>> -> memref<1x64xf32, #tpu.memory_space<hbm>>
      %dma_start3A_414 = tpu.memref_squeeze %dma_start3A_413 : memref<1x64xf32, #tpu.memory_space<hbm>> -> memref<64xf32, #tpu.memory_space<hbm>>
      tpu.enqueue_dma source(%dma_start3A_414 : memref<64xf32, #tpu.memory_space<hbm>>) target(%dma_start3A_411 : memref<64xf32, #tpu.memory_space<vmem>>) target_semaphore(%arg13 : memref<!tpu.dma_semaphore, #tpu.memory_space<semaphore_mem>>)
      %mul3A_415 = arith.constant 8 : i32
      %mul3A_416 = arith.muli %scan3A_26, %mul3A_415 : i32
      %add3A_417 = arith.constant 6 : i32
      %add3A_418 = arith.addi %mul3A_416, %add3A_417 : i32
      %slice3A_419 = vector.extract_strided_slice %get3A_29 {offsets = [12], sizes = [1], strides = [1]} : vector<16xi32> to vector<1xi32>
      %squeeze3A_420 = vector.extract %slice3A_419[0] : i32 from vector<1xi32>
      %dma_start3A_421 = arith.constant 0 : i32
      %dma_start3A_422 = tpu.memref_slice %arg9[%add3A_418, %dma_start3A_421] : memref<256x128xf32, #tpu.memory_space<vmem>> -> memref<1x64xf32, #tpu.memory_space<vmem>>
      %dma_start3A_423 = tpu.memref_squeeze %dma_start3A_422 : memref<1x64xf32, #tpu.memory_space<vmem>> -> memref<64xf32, #tpu.memory_space<vmem>>
      %dma_start3A_424 = arith.constant 0 : i32
      %dma_start3A_425 = tpu.memref_slice %arg4[%squeeze3A_420, %dma_start3A_424] : memref<1000000x64xf32, #tpu.memory_space<hbm>> -> memref<1x64xf32, #tpu.memory_space<hbm>>
      %dma_start3A_426 = tpu.memref_squeeze %dma_start3A_425 : memref<1x64xf32, #tpu.memory_space<hbm>> -> memref<64xf32, #tpu.memory_space<hbm>>
      %dma_start3A_427 = arith.constant 0 : i32
      %dma_start3A_428 = tpu.memref_slice %arg9[%add3A_418, %dma_start3A_427] : memref<256x128xf32, #tpu.memory_space<vmem>> -> memref<1x64xf32, #tpu.memory_space<vmem>>
      %dma_start3A_429 = tpu.memref_squeeze %dma_start3A_428 : memref<1x64xf32, #tpu.memory_space<vmem>> -> memref<64xf32, #tpu.memory_space<vmem>>
      %dma_start3A_430 = arith.constant 0 : i32
      %dma_start3A_431 = tpu.memref_slice %arg4[%squeeze3A_420, %dma_start3A_430] : memref<1000000x64xf32, #tpu.memory_space<hbm>> -> memref<1x64xf32, #tpu.memory_space<hbm>>
      %dma_start3A_432 = tpu.memref_squeeze %dma_start3A_431 : memref<1x64xf32, #tpu.memory_space<hbm>> -> memref<64xf32, #tpu.memory_space<hbm>>
      tpu.enqueue_dma source(%dma_start3A_432 : memref<64xf32, #tpu.memory_space<hbm>>) target(%dma_start3A_429 : memref<64xf32, #tpu.memory_space<vmem>>) target_semaphore(%arg12 : memref<!tpu.dma_semaphore, #tpu.memory_space<semaphore_mem>>)
      %slice3A_433 = vector.extract_strided_slice %get3A_33 {offsets = [12], sizes = [1], strides = [1]} : vector<16xi32> to vector<1xi32>
      %squeeze3A_434 = vector.extract %slice3A_433[0] : i32 from vector<1xi32>
      %dma_start3A_435 = arith.constant 0 : i32
      %dma_start3A_436 = tpu.memref_slice %arg10[%add3A_418, %dma_start3A_435] : memref<256x128xf32, #tpu.memory_space<vmem>> -> memref<1x64xf32, #tpu.memory_space<vmem>>
      %dma_start3A_437 = tpu.memref_squeeze %dma_start3A_436 : memref<1x64xf32, #tpu.memory_space<vmem>> -> memref<64xf32, #tpu.memory_space<vmem>>
      %dma_start3A_438 = arith.constant 0 : i32
      %dma_start3A_439 = tpu.memref_slice %arg5[%squeeze3A_434, %dma_start3A_438] : memref<1000000x64xf32, #tpu.memory_space<hbm>> -> memref<1x64xf32, #tpu.memory_space<hbm>>
      %dma_start3A_440 = tpu.memref_squeeze %dma_start3A_439 : memref<1x64xf32, #tpu.memory_space<hbm>> -> memref<64xf32, #tpu.memory_space<hbm>>
      %dma_start3A_441 = arith.constant 0 : i32
      %dma_start3A_442 = tpu.memref_slice %arg10[%add3A_418, %dma_start3A_441] : memref<256x128xf32, #tpu.memory_space<vmem>> -> memref<1x64xf32, #tpu.memory_space<vmem>>
      %dma_start3A_443 = tpu.memref_squeeze %dma_start3A_442 : memref<1x64xf32, #tpu.memory_space<vmem>> -> memref<64xf32, #tpu.memory_space<vmem>>
      %dma_start3A_444 = arith.constant 0 : i32
      %dma_start3A_445 = tpu.memref_slice %arg5[%squeeze3A_434, %dma_start3A_444] : memref<1000000x64xf32, #tpu.memory_space<hbm>> -> memref<1x64xf32, #tpu.memory_space<hbm>>
      %dma_start3A_446 = tpu.memref_squeeze %dma_start3A_445 : memref<1x64xf32, #tpu.memory_space<hbm>> -> memref<64xf32, #tpu.memory_space<hbm>>
      tpu.enqueue_dma source(%dma_start3A_446 : memref<64xf32, #tpu.memory_space<hbm>>) target(%dma_start3A_443 : memref<64xf32, #tpu.memory_space<vmem>>) target_semaphore(%arg13 : memref<!tpu.dma_semaphore, #tpu.memory_space<semaphore_mem>>)
      %mul3A_447 = arith.constant 8 : i32
      %mul3A_448 = arith.muli %scan3A_26, %mul3A_447 : i32
      %add3A_449 = arith.constant 6 : i32
      %add3A_450 = arith.addi %mul3A_448, %add3A_449 : i32
      %slice3A_451 = vector.extract_strided_slice %get3A_29 {offsets = [13], sizes = [1], strides = [1]} : vector<16xi32> to vector<1xi32>
      %squeeze3A_452 = vector.extract %slice3A_451[0] : i32 from vector<1xi32>
      %dma_start3A_453 = arith.constant 64 : i32
      %dma_start3A_454 = tpu.memref_slice %arg9[%add3A_450, %dma_start3A_453] : memref<256x128xf32, #tpu.memory_space<vmem>> -> memref<1x64xf32, #tpu.memory_space<vmem>>
      %dma_start3A_455 = tpu.memref_squeeze %dma_start3A_454 : memref<1x64xf32, #tpu.memory_space<vmem>> -> memref<64xf32, #tpu.memory_space<vmem>>
      %dma_start3A_456 = arith.constant 0 : i32
      %dma_start3A_457 = tpu.memref_slice %arg4[%squeeze3A_452, %dma_start3A_456] : memref<1000000x64xf32, #tpu.memory_space<hbm>> -> memref<1x64xf32, #tpu.memory_space<hbm>>
      %dma_start3A_458 = tpu.memref_squeeze %dma_start3A_457 : memref<1x64xf32, #tpu.memory_space<hbm>> -> memref<64xf32, #tpu.memory_space<hbm>>
      %dma_start3A_459 = arith.constant 64 : i32
      %dma_start3A_460 = tpu.memref_slice %arg9[%add3A_450, %dma_start3A_459] : memref<256x128xf32, #tpu.memory_space<vmem>> -> memref<1x64xf32, #tpu.memory_space<vmem>>
      %dma_start3A_461 = tpu.memref_squeeze %dma_start3A_460 : memref<1x64xf32, #tpu.memory_space<vmem>> -> memref<64xf32, #tpu.memory_space<vmem>>
      %dma_start3A_462 = arith.constant 0 : i32
      %dma_start3A_463 = tpu.memref_slice %arg4[%squeeze3A_452, %dma_start3A_462] : memref<1000000x64xf32, #tpu.memory_space<hbm>> -> memref<1x64xf32, #tpu.memory_space<hbm>>
      %dma_start3A_464 = tpu.memref_squeeze %dma_start3A_463 : memref<1x64xf32, #tpu.memory_space<hbm>> -> memref<64xf32, #tpu.memory_space<hbm>>
      tpu.enqueue_dma source(%dma_start3A_464 : memref<64xf32, #tpu.memory_space<hbm>>) target(%dma_start3A_461 : memref<64xf32, #tpu.memory_space<vmem>>) target_semaphore(%arg12 : memref<!tpu.dma_semaphore, #tpu.memory_space<semaphore_mem>>)
      %slice3A_465 = vector.extract_strided_slice %get3A_33 {offsets = [13], sizes = [1], strides = [1]} : vector<16xi32> to vector<1xi32>
      %squeeze3A_466 = vector.extract %slice3A_465[0] : i32 from vector<1xi32>
      %dma_start3A_467 = arith.constant 64 : i32
      %dma_start3A_468 = tpu.memref_slice %arg10[%add3A_450, %dma_start3A_467] : memref<256x128xf32, #tpu.memory_space<vmem>> -> memref<1x64xf32, #tpu.memory_space<vmem>>
      %dma_start3A_469 = tpu.memref_squeeze %dma_start3A_468 : memref<1x64xf32, #tpu.memory_space<vmem>> -> memref<64xf32, #tpu.memory_space<vmem>>
      %dma_start3A_470 = arith.constant 0 : i32
      %dma_start3A_471 = tpu.memref_slice %arg5[%squeeze3A_466, %dma_start3A_470] : memref<1000000x64xf32, #tpu.memory_space<hbm>> -> memref<1x64xf32, #tpu.memory_space<hbm>>
      %dma_start3A_472 = tpu.memref_squeeze %dma_start3A_471 : memref<1x64xf32, #tpu.memory_space<hbm>> -> memref<64xf32, #tpu.memory_space<hbm>>
      %dma_start3A_473 = arith.constant 64 : i32
      %dma_start3A_474 = tpu.memref_slice %arg10[%add3A_450, %dma_start3A_473] : memref<256x128xf32, #tpu.memory_space<vmem>> -> memref<1x64xf32, #tpu.memory_space<vmem>>
      %dma_start3A_475 = tpu.memref_squeeze %dma_start3A_474 : memref<1x64xf32, #tpu.memory_space<vmem>> -> memref<64xf32, #tpu.memory_space<vmem>>
      %dma_start3A_476 = arith.constant 0 : i32
      %dma_start3A_477 = tpu.memref_slice %arg5[%squeeze3A_466, %dma_start3A_476] : memref<1000000x64xf32, #tpu.memory_space<hbm>> -> memref<1x64xf32, #tpu.memory_space<hbm>>
      %dma_start3A_478 = tpu.memref_squeeze %dma_start3A_477 : memref<1x64xf32, #tpu.memory_space<hbm>> -> memref<64xf32, #tpu.memory_space<hbm>>
      tpu.enqueue_dma source(%dma_start3A_478 : memref<64xf32, #tpu.memory_space<hbm>>) target(%dma_start3A_475 : memref<64xf32, #tpu.memory_space<vmem>>) target_semaphore(%arg13 : memref<!tpu.dma_semaphore, #tpu.memory_space<semaphore_mem>>)
      %mul3A_479 = arith.constant 8 : i32
      %mul3A_480 = arith.muli %scan3A_26, %mul3A_479 : i32
      %add3A_481 = arith.constant 7 : i32
      %add3A_482 = arith.addi %mul3A_480, %add3A_481 : i32
      %slice3A_483 = vector.extract_strided_slice %get3A_29 {offsets = [14], sizes = [1], strides = [1]} : vector<16xi32> to vector<1xi32>
      %squeeze3A_484 = vector.extract %slice3A_483[0] : i32 from vector<1xi32>
      %dma_start3A_485 = arith.constant 0 : i32
      %dma_start3A_486 = tpu.memref_slice %arg9[%add3A_482, %dma_start3A_485] : memref<256x128xf32, #tpu.memory_space<vmem>> -> memref<1x64xf32, #tpu.memory_space<vmem>>
      %dma_start3A_487 = tpu.memref_squeeze %dma_start3A_486 : memref<1x64xf32, #tpu.memory_space<vmem>> -> memref<64xf32, #tpu.memory_space<vmem>>
      %dma_start3A_488 = arith.constant 0 : i32
      %dma_start3A_489 = tpu.memref_slice %arg4[%squeeze3A_484, %dma_start3A_488] : memref<1000000x64xf32, #tpu.memory_space<hbm>> -> memref<1x64xf32, #tpu.memory_space<hbm>>
      %dma_start3A_490 = tpu.memref_squeeze %dma_start3A_489 : memref<1x64xf32, #tpu.memory_space<hbm>> -> memref<64xf32, #tpu.memory_space<hbm>>
      %dma_start3A_491 = arith.constant 0 : i32
      %dma_start3A_492 = tpu.memref_slice %arg9[%add3A_482, %dma_start3A_491] : memref<256x128xf32, #tpu.memory_space<vmem>> -> memref<1x64xf32, #tpu.memory_space<vmem>>
      %dma_start3A_493 = tpu.memref_squeeze %dma_start3A_492 : memref<1x64xf32, #tpu.memory_space<vmem>> -> memref<64xf32, #tpu.memory_space<vmem>>
      %dma_start3A_494 = arith.constant 0 : i32
      %dma_start3A_495 = tpu.memref_slice %arg4[%squeeze3A_484, %dma_start3A_494] : memref<1000000x64xf32, #tpu.memory_space<hbm>> -> memref<1x64xf32, #tpu.memory_space<hbm>>
      %dma_start3A_496 = tpu.memref_squeeze %dma_start3A_495 : memref<1x64xf32, #tpu.memory_space<hbm>> -> memref<64xf32, #tpu.memory_space<hbm>>
      tpu.enqueue_dma source(%dma_start3A_496 : memref<64xf32, #tpu.memory_space<hbm>>) target(%dma_start3A_493 : memref<64xf32, #tpu.memory_space<vmem>>) target_semaphore(%arg12 : memref<!tpu.dma_semaphore, #tpu.memory_space<semaphore_mem>>)
      %slice3A_497 = vector.extract_strided_slice %get3A_33 {offsets = [14], sizes = [1], strides = [1]} : vector<16xi32> to vector<1xi32>
      %squeeze3A_498 = vector.extract %slice3A_497[0] : i32 from vector<1xi32>
      %dma_start3A_499 = arith.constant 0 : i32
      %dma_start3A_500 = tpu.memref_slice %arg10[%add3A_482, %dma_start3A_499] : memref<256x128xf32, #tpu.memory_space<vmem>> -> memref<1x64xf32, #tpu.memory_space<vmem>>
      %dma_start3A_501 = tpu.memref_squeeze %dma_start3A_500 : memref<1x64xf32, #tpu.memory_space<vmem>> -> memref<64xf32, #tpu.memory_space<vmem>>
      %dma_start3A_502 = arith.constant 0 : i32
      %dma_start3A_503 = tpu.memref_slice %arg5[%squeeze3A_498, %dma_start3A_502] : memref<1000000x64xf32, #tpu.memory_space<hbm>> -> memref<1x64xf32, #tpu.memory_space<hbm>>
      %dma_start3A_504 = tpu.memref_squeeze %dma_start3A_503 : memref<1x64xf32, #tpu.memory_space<hbm>> -> memref<64xf32, #tpu.memory_space<hbm>>
      %dma_start3A_505 = arith.constant 0 : i32
      %dma_start3A_506 = tpu.memref_slice %arg10[%add3A_482, %dma_start3A_505] : memref<256x128xf32, #tpu.memory_space<vmem>> -> memref<1x64xf32, #tpu.memory_space<vmem>>
      %dma_start3A_507 = tpu.memref_squeeze %dma_start3A_506 : memref<1x64xf32, #tpu.memory_space<vmem>> -> memref<64xf32, #tpu.memory_space<vmem>>
      %dma_start3A_508 = arith.constant 0 : i32
      %dma_start3A_509 = tpu.memref_slice %arg5[%squeeze3A_498, %dma_start3A_508] : memref<1000000x64xf32, #tpu.memory_space<hbm>> -> memref<1x64xf32, #tpu.memory_space<hbm>>
      %dma_start3A_510 = tpu.memref_squeeze %dma_start3A_509 : memref<1x64xf32, #tpu.memory_space<hbm>> -> memref<64xf32, #tpu.memory_space<hbm>>
      tpu.enqueue_dma source(%dma_start3A_510 : memref<64xf32, #tpu.memory_space<hbm>>) target(%dma_start3A_507 : memref<64xf32, #tpu.memory_space<vmem>>) target_semaphore(%arg13 : memref<!tpu.dma_semaphore, #tpu.memory_space<semaphore_mem>>)
      %mul3A_511 = arith.constant 8 : i32
      %mul3A_512 = arith.muli %scan3A_26, %mul3A_511 : i32
      %add3A_513 = arith.constant 7 : i32
      %add3A_514 = arith.addi %mul3A_512, %add3A_513 : i32
      %slice3A_515 = vector.extract_strided_slice %get3A_29 {offsets = [15], sizes = [1], strides = [1]} : vector<16xi32> to vector<1xi32>
      %squeeze3A_516 = vector.extract %slice3A_515[0] : i32 from vector<1xi32>
      %dma_start3A_517 = arith.constant 64 : i32
      %dma_start3A_518 = tpu.memref_slice %arg9[%add3A_514, %dma_start3A_517] : memref<256x128xf32, #tpu.memory_space<vmem>> -> memref<1x64xf32, #tpu.memory_space<vmem>>
      %dma_start3A_519 = tpu.memref_squeeze %dma_start3A_518 : memref<1x64xf32, #tpu.memory_space<vmem>> -> memref<64xf32, #tpu.memory_space<vmem>>
      %dma_start3A_520 = arith.constant 0 : i32
      %dma_start3A_521 = tpu.memref_slice %arg4[%squeeze3A_516, %dma_start3A_520] : memref<1000000x64xf32, #tpu.memory_space<hbm>> -> memref<1x64xf32, #tpu.memory_space<hbm>>
      %dma_start3A_522 = tpu.memref_squeeze %dma_start3A_521 : memref<1x64xf32, #tpu.memory_space<hbm>> -> memref<64xf32, #tpu.memory_space<hbm>>
      %dma_start3A_523 = arith.constant 64 : i32
      %dma_start3A_524 = tpu.memref_slice %arg9[%add3A_514, %dma_start3A_523] : memref<256x128xf32, #tpu.memory_space<vmem>> -> memref<1x64xf32, #tpu.memory_space<vmem>>
      %dma_start3A_525 = tpu.memref_squeeze %dma_start3A_524 : memref<1x64xf32, #tpu.memory_space<vmem>> -> memref<64xf32, #tpu.memory_space<vmem>>
      %dma_start3A_526 = arith.constant 0 : i32
      %dma_start3A_527 = tpu.memref_slice %arg4[%squeeze3A_516, %dma_start3A_526] : memref<1000000x64xf32, #tpu.memory_space<hbm>> -> memref<1x64xf32, #tpu.memory_space<hbm>>
      %dma_start3A_528 = tpu.memref_squeeze %dma_start3A_527 : memref<1x64xf32, #tpu.memory_space<hbm>> -> memref<64xf32, #tpu.memory_space<hbm>>
      tpu.enqueue_dma source(%dma_start3A_528 : memref<64xf32, #tpu.memory_space<hbm>>) target(%dma_start3A_525 : memref<64xf32, #tpu.memory_space<vmem>>) target_semaphore(%arg12 : memref<!tpu.dma_semaphore, #tpu.memory_space<semaphore_mem>>)
      %slice3A_529 = vector.extract_strided_slice %get3A_33 {offsets = [15], sizes = [1], strides = [1]} : vector<16xi32> to vector<1xi32>
      %squeeze3A_530 = vector.extract %slice3A_529[0] : i32 from vector<1xi32>
      %dma_start3A_531 = arith.constant 64 : i32
      %dma_start3A_532 = tpu.memref_slice %arg10[%add3A_514, %dma_start3A_531] : memref<256x128xf32, #tpu.memory_space<vmem>> -> memref<1x64xf32, #tpu.memory_space<vmem>>
      %dma_start3A_533 = tpu.memref_squeeze %dma_start3A_532 : memref<1x64xf32, #tpu.memory_space<vmem>> -> memref<64xf32, #tpu.memory_space<vmem>>
      %dma_start3A_534 = arith.constant 0 : i32
      %dma_start3A_535 = tpu.memref_slice %arg5[%squeeze3A_530, %dma_start3A_534] : memref<1000000x64xf32, #tpu.memory_space<hbm>> -> memref<1x64xf32, #tpu.memory_space<hbm>>
      %dma_start3A_536 = tpu.memref_squeeze %dma_start3A_535 : memref<1x64xf32, #tpu.memory_space<hbm>> -> memref<64xf32, #tpu.memory_space<hbm>>
      %dma_start3A_537 = arith.constant 64 : i32
      %dma_start3A_538 = tpu.memref_slice %arg10[%add3A_514, %dma_start3A_537] : memref<256x128xf32, #tpu.memory_space<vmem>> -> memref<1x64xf32, #tpu.memory_space<vmem>>
      %dma_start3A_539 = tpu.memref_squeeze %dma_start3A_538 : memref<1x64xf32, #tpu.memory_space<vmem>> -> memref<64xf32, #tpu.memory_space<vmem>>
      %dma_start3A_540 = arith.constant 0 : i32
      %dma_start3A_541 = tpu.memref_slice %arg5[%squeeze3A_530, %dma_start3A_540] : memref<1000000x64xf32, #tpu.memory_space<hbm>> -> memref<1x64xf32, #tpu.memory_space<hbm>>
      %dma_start3A_542 = tpu.memref_squeeze %dma_start3A_541 : memref<1x64xf32, #tpu.memory_space<hbm>> -> memref<64xf32, #tpu.memory_space<hbm>>
      tpu.enqueue_dma source(%dma_start3A_542 : memref<64xf32, #tpu.memory_space<hbm>>) target(%dma_start3A_539 : memref<64xf32, #tpu.memory_space<vmem>>) target_semaphore(%arg13 : memref<!tpu.dma_semaphore, #tpu.memory_space<semaphore_mem>>)
    }
    %scan3A_7 = arith.constant 32 : i32
    %dma_wait3A = arith.constant 0 : i32
    %dma_wait3A_8 = arith.constant 0 : i32
    %dma_wait3A_9 = tpu.memref_slice %arg4[%dma_wait3A, %dma_wait3A_8] : memref<1000000x64xf32, #tpu.memory_space<hbm>> -> memref<256x64xf32, #tpu.memory_space<hbm>>
    %dma_wait3A_10 = arith.constant 0 : i32
    %dma_wait3A_11 = arith.constant 0 : i32
    %dma_wait3A_12 = tpu.memref_slice %arg4[%dma_wait3A_10, %dma_wait3A_11] : memref<1000000x64xf32, #tpu.memory_space<hbm>> -> memref<256x64xf32, #tpu.memory_space<hbm>>
    tpu.wait_dma2 semaphore(%arg12 : memref<!tpu.dma_semaphore, #tpu.memory_space<semaphore_mem>>) src(%dma_wait3A_12 : memref<256x64xf32, #tpu.memory_space<hbm>>) dst(%arg9 : memref<256x128xf32, #tpu.memory_space<vmem>>)
    %dma_wait3A_13 = arith.constant 0 : i32
    %dma_wait3A_14 = arith.constant 0 : i32
    %dma_wait3A_15 = tpu.memref_slice %arg5[%dma_wait3A_13, %dma_wait3A_14] : memref<1000000x64xf32, #tpu.memory_space<hbm>> -> memref<256x64xf32, #tpu.memory_space<hbm>>
    %dma_wait3A_16 = arith.constant 0 : i32
    %dma_wait3A_17 = arith.constant 0 : i32
    %dma_wait3A_18 = tpu.memref_slice %arg5[%dma_wait3A_16, %dma_wait3A_17] : memref<1000000x64xf32, #tpu.memory_space<hbm>> -> memref<256x64xf32, #tpu.memory_space<hbm>>
    tpu.wait_dma2 semaphore(%arg13 : memref<!tpu.dma_semaphore, #tpu.memory_space<semaphore_mem>>) src(%dma_wait3A_18 : memref<256x64xf32, #tpu.memory_space<hbm>>) dst(%arg10 : memref<256x128xf32, #tpu.memory_space<vmem>>)
    %iota3A = tpu.iota {dimensions = array<i32: 0>} : vector<16xi32>
    %broadcast_in_dim3A = arith.constant 15 : i32
    %broadcast_in_dim3A_19 = vector.broadcast %broadcast_in_dim3A : i32 to vector<16xi32>
    %scan3A_20 = arith.constant 0 : i32
    %scan3A_21 = arith.constant 0 : i32
    %scan3A_22 = arith.constant 32 : i32
    %scan3A_23 = arith.addi %scan3A_21, %scan3A_22 : i32
    %scan3A_24 = arith.constant 1 : i32
    scf.for %scan3A_26 = %scan3A_21 to %scan3A_23 step %scan3A_24  : i32 {
      %broadcast_in_dim3A_27 = arith.constant 0.000000e+00 : f32
      %broadcast_in_dim3A_28 = vector.broadcast %broadcast_in_dim3A_27 : f32 to vector<16xf32>
      %mul3A_29 = arith.constant 8 : i32
      %mul3A_30 = arith.muli %scan3A_26, %mul3A_29 : i32
      %add3A_31 = arith.constant 0 : i32
      %add3A_32 = arith.addi %mul3A_30, %add3A_31 : i32
      %get3A = arith.index_cast %add3A_32 : i32 to index
      %get3A_33 = arith.constant 0 : index
      %get3A_34 = tpu.vector_load %arg9[%get3A, %get3A_33] {strides = array<i32>} : memref<256x128xf32, #tpu.memory_space<vmem>>, vector<16xf32>,
      %get3A_35 = arith.index_cast %add3A_32 : i32 to index
      %get3A_36 = arith.constant 0 : index
      %get3A_37 = tpu.vector_load %arg10[%get3A_35, %get3A_36] {strides = array<i32>} : memref<256x128xf32, #tpu.memory_space<vmem>>, vector<16xf32>,
      %mul3A_38 = arith.mulf %get3A_34, %get3A_37 : vector<16xf32>
      %get3A_39 = arith.index_cast %add3A_32 : i32 to index
      %get3A_40 = arith.constant 16 : index
      %get3A_41 = tpu.vector_load %arg9[%get3A_39, %get3A_40] {strides = array<i32>} : memref<256x128xf32, #tpu.memory_space<vmem>>, vector<16xf32>,
      %get3A_42 = arith.index_cast %add3A_32 : i32 to index
      %get3A_43 = arith.constant 16 : index
      %get3A_44 = tpu.vector_load %arg10[%get3A_42, %get3A_43] {strides = array<i32>} : memref<256x128xf32, #tpu.memory_space<vmem>>, vector<16xf32>,
      %mul3A_45 = arith.mulf %get3A_41, %get3A_44 : vector<16xf32>
      %add3A_46 = arith.addf %mul3A_38, %mul3A_45 : vector<16xf32>
      %get3A_47 = arith.index_cast %add3A_32 : i32 to index
      %get3A_48 = arith.constant 32 : index
      %get3A_49 = tpu.vector_load %arg9[%get3A_47, %get3A_48] {strides = array<i32>} : memref<256x128xf32, #tpu.memory_space<vmem>>, vector<16xf32>,
      %get3A_50 = arith.index_cast %add3A_32 : i32 to index
      %get3A_51 = arith.constant 32 : index
      %get3A_52 = tpu.vector_load %arg10[%get3A_50, %get3A_51] {strides = array<i32>} : memref<256x128xf32, #tpu.memory_space<vmem>>, vector<16xf32>,
      %mul3A_53 = arith.mulf %get3A_49, %get3A_52 : vector<16xf32>
      %add3A_54 = arith.addf %add3A_46, %mul3A_53 : vector<16xf32>
      %get3A_55 = arith.index_cast %add3A_32 : i32 to index
      %get3A_56 = arith.constant 48 : index
      %get3A_57 = tpu.vector_load %arg9[%get3A_55, %get3A_56] {strides = array<i32>} : memref<256x128xf32, #tpu.memory_space<vmem>>, vector<16xf32>,
      %get3A_58 = arith.index_cast %add3A_32 : i32 to index
      %get3A_59 = arith.constant 48 : index
      %get3A_60 = tpu.vector_load %arg10[%get3A_58, %get3A_59] {strides = array<i32>} : memref<256x128xf32, #tpu.memory_space<vmem>>, vector<16xf32>,
      %mul3A_61 = arith.mulf %get3A_57, %get3A_60 : vector<16xf32>
      %add3A_62 = arith.addf %add3A_54, %mul3A_61 : vector<16xf32>
      %cumsum3A = arith.constant true
      %cumsum3A_63 = vector.broadcast %cumsum3A : i1 to vector<16xi1>
      %cumsum3A_64 = tpu.scan <sum>, %add3A_62 masked %cumsum3A_63 : vector<16xf32>, vector<16xi1> -> vector<16xf32>
      %lt3A = arith.constant 0 : i32
      %lt3A_65 = vector.broadcast %lt3A : i32 to vector<16xi32>
      %lt3A_66 = arith.cmpi slt, %broadcast_in_dim3A_19, %lt3A_65 : vector<16xi32>
      %add3A_67 = arith.constant 16 : i32
      %add3A_68 = vector.broadcast %add3A_67 : i32 to vector<16xi32>
      %add3A_69 = arith.addi %broadcast_in_dim3A_19, %add3A_68 : vector<16xi32>
      %select_n3A = arith.select %lt3A_66, %add3A_69, %broadcast_in_dim3A_19 : vector<16xi1>, vector<16xi32>
      %broadcast_in_dim3A_70 = vector.shape_cast %select_n3A : vector<16xi32> to vector<16x1xi32>
      %gather3A = vector.shape_cast %broadcast_in_dim3A_70 : vector<16x1xi32> to vector<16xi32>
      %gather3A_71 = tpu.dynamic_gather %cumsum3A_64[%gather3A] in [0] : vector<16xf32>, vector<16xi32> -> vector<16xf32>
      %eq3A = arith.constant 0 : i32
      %eq3A_72 = vector.broadcast %eq3A : i32 to vector<16xi32>
      %eq3A_73 = arith.cmpi eq, %iota3A, %eq3A_72 : vector<16xi32>
      %select_n3A_74 = arith.select %eq3A_73, %gather3A_71, %broadcast_in_dim3A_28 : vector<16xi1>, vector<16xf32>
      %mul3A_75 = arith.constant 8 : i32
      %mul3A_76 = arith.muli %scan3A_26, %mul3A_75 : i32
      %add3A_77 = arith.constant 0 : i32
      %add3A_78 = arith.addi %mul3A_76, %add3A_77 : i32
      %get3A_79 = arith.index_cast %add3A_78 : i32 to index
      %get3A_80 = arith.constant 64 : index
      %get3A_81 = tpu.vector_load %arg9[%get3A_79, %get3A_80] {strides = array<i32>} : memref<256x128xf32, #tpu.memory_space<vmem>>, vector<16xf32>,
      %get3A_82 = arith.index_cast %add3A_78 : i32 to index
      %get3A_83 = arith.constant 64 : index
      %get3A_84 = tpu.vector_load %arg10[%get3A_82, %get3A_83] {strides = array<i32>} : memref<256x128xf32, #tpu.memory_space<vmem>>, vector<16xf32>,
      %mul3A_85 = arith.mulf %get3A_81, %get3A_84 : vector<16xf32>
      %get3A_86 = arith.index_cast %add3A_78 : i32 to index
      %get3A_87 = arith.constant 80 : index
      %get3A_88 = tpu.vector_load %arg9[%get3A_86, %get3A_87] {strides = array<i32>} : memref<256x128xf32, #tpu.memory_space<vmem>>, vector<16xf32>,
      %get3A_89 = arith.index_cast %add3A_78 : i32 to index
      %get3A_90 = arith.constant 80 : index
      %get3A_91 = tpu.vector_load %arg10[%get3A_89, %get3A_90] {strides = array<i32>} : memref<256x128xf32, #tpu.memory_space<vmem>>, vector<16xf32>,
      %mul3A_92 = arith.mulf %get3A_88, %get3A_91 : vector<16xf32>
      %add3A_93 = arith.addf %mul3A_85, %mul3A_92 : vector<16xf32>
      %get3A_94 = arith.index_cast %add3A_78 : i32 to index
      %get3A_95 = arith.constant 96 : index
      %get3A_96 = tpu.vector_load %arg9[%get3A_94, %get3A_95] {strides = array<i32>} : memref<256x128xf32, #tpu.memory_space<vmem>>, vector<16xf32>,
      %get3A_97 = arith.index_cast %add3A_78 : i32 to index
      %get3A_98 = arith.constant 96 : index
      %get3A_99 = tpu.vector_load %arg10[%get3A_97, %get3A_98] {strides = array<i32>} : memref<256x128xf32, #tpu.memory_space<vmem>>, vector<16xf32>,
      %mul3A_100 = arith.mulf %get3A_96, %get3A_99 : vector<16xf32>
      %add3A_101 = arith.addf %add3A_93, %mul3A_100 : vector<16xf32>
      %get3A_102 = arith.index_cast %add3A_78 : i32 to index
      %get3A_103 = arith.constant 112 : index
      %get3A_104 = tpu.vector_load %arg9[%get3A_102, %get3A_103] {strides = array<i32>} : memref<256x128xf32, #tpu.memory_space<vmem>>, vector<16xf32>,
      %get3A_105 = arith.index_cast %add3A_78 : i32 to index
      %get3A_106 = arith.constant 112 : index
      %get3A_107 = tpu.vector_load %arg10[%get3A_105, %get3A_106] {strides = array<i32>} : memref<256x128xf32, #tpu.memory_space<vmem>>, vector<16xf32>,
      %mul3A_108 = arith.mulf %get3A_104, %get3A_107 : vector<16xf32>
      %add3A_109 = arith.addf %add3A_101, %mul3A_108 : vector<16xf32>
      %cumsum3A_110 = arith.constant true
      %cumsum3A_111 = vector.broadcast %cumsum3A_110 : i1 to vector<16xi1>
      %cumsum3A_112 = tpu.scan <sum>, %add3A_109 masked %cumsum3A_111 : vector<16xf32>, vector<16xi1> -> vector<16xf32>
      %lt3A_113 = arith.constant 0 : i32
      %lt3A_114 = vector.broadcast %lt3A_113 : i32 to vector<16xi32>
      %lt3A_115 = arith.cmpi slt, %broadcast_in_dim3A_19, %lt3A_114 : vector<16xi32>
      %add3A_116 = arith.constant 16 : i32
      %add3A_117 = vector.broadcast %add3A_116 : i32 to vector<16xi32>
      %add3A_118 = arith.addi %broadcast_in_dim3A_19, %add3A_117 : vector<16xi32>
      %select_n3A_119 = arith.select %lt3A_115, %add3A_118, %broadcast_in_dim3A_19 : vector<16xi1>, vector<16xi32>
      %broadcast_in_dim3A_120 = vector.shape_cast %select_n3A_119 : vector<16xi32> to vector<16x1xi32>
      %gather3A_121 = vector.shape_cast %broadcast_in_dim3A_120 : vector<16x1xi32> to vector<16xi32>
      %gather3A_122 = tpu.dynamic_gather %cumsum3A_112[%gather3A_121] in [0] : vector<16xf32>, vector<16xi32> -> vector<16xf32>
      %eq3A_123 = arith.constant 1 : i32
      %eq3A_124 = vector.broadcast %eq3A_123 : i32 to vector<16xi32>
      %eq3A_125 = arith.cmpi eq, %iota3A, %eq3A_124 : vector<16xi32>
      %select_n3A_126 = arith.select %eq3A_125, %gather3A_122, %select_n3A_74 : vector<16xi1>, vector<16xf32>
      %mul3A_127 = arith.constant 8 : i32
      %mul3A_128 = arith.muli %scan3A_26, %mul3A_127 : i32
      %add3A_129 = arith.constant 1 : i32
      %add3A_130 = arith.addi %mul3A_128, %add3A_129 : i32
      %get3A_131 = arith.index_cast %add3A_130 : i32 to index
      %get3A_132 = arith.constant 0 : index
      %get3A_133 = tpu.vector_load %arg9[%get3A_131, %get3A_132] {strides = array<i32>} : memref<256x128xf32, #tpu.memory_space<vmem>>, vector<16xf32>,
      %get3A_134 = arith.index_cast %add3A_130 : i32 to index
      %get3A_135 = arith.constant 0 : index
      %get3A_136 = tpu.vector_load %arg10[%get3A_134, %get3A_135] {strides = array<i32>} : memref<256x128xf32, #tpu.memory_space<vmem>>, vector<16xf32>,
      %mul3A_137 = arith.mulf %get3A_133, %get3A_136 : vector<16xf32>
      %get3A_138 = arith.index_cast %add3A_130 : i32 to index
      %get3A_139 = arith.constant 16 : index
      %get3A_140 = tpu.vector_load %arg9[%get3A_138, %get3A_139] {strides = array<i32>} : memref<256x128xf32, #tpu.memory_space<vmem>>, vector<16xf32>,
      %get3A_141 = arith.index_cast %add3A_130 : i32 to index
      %get3A_142 = arith.constant 16 : index
      %get3A_143 = tpu.vector_load %arg10[%get3A_141, %get3A_142] {strides = array<i32>} : memref<256x128xf32, #tpu.memory_space<vmem>>, vector<16xf32>,
      %mul3A_144 = arith.mulf %get3A_140, %get3A_143 : vector<16xf32>
      %add3A_145 = arith.addf %mul3A_137, %mul3A_144 : vector<16xf32>
      %get3A_146 = arith.index_cast %add3A_130 : i32 to index
      %get3A_147 = arith.constant 32 : index
      %get3A_148 = tpu.vector_load %arg9[%get3A_146, %get3A_147] {strides = array<i32>} : memref<256x128xf32, #tpu.memory_space<vmem>>, vector<16xf32>,
      %get3A_149 = arith.index_cast %add3A_130 : i32 to index
      %get3A_150 = arith.constant 32 : index
      %get3A_151 = tpu.vector_load %arg10[%get3A_149, %get3A_150] {strides = array<i32>} : memref<256x128xf32, #tpu.memory_space<vmem>>, vector<16xf32>,
      %mul3A_152 = arith.mulf %get3A_148, %get3A_151 : vector<16xf32>
      %add3A_153 = arith.addf %add3A_145, %mul3A_152 : vector<16xf32>
      %get3A_154 = arith.index_cast %add3A_130 : i32 to index
      %get3A_155 = arith.constant 48 : index
      %get3A_156 = tpu.vector_load %arg9[%get3A_154, %get3A_155] {strides = array<i32>} : memref<256x128xf32, #tpu.memory_space<vmem>>, vector<16xf32>,
      %get3A_157 = arith.index_cast %add3A_130 : i32 to index
      %get3A_158 = arith.constant 48 : index
      %get3A_159 = tpu.vector_load %arg10[%get3A_157, %get3A_158] {strides = array<i32>} : memref<256x128xf32, #tpu.memory_space<vmem>>, vector<16xf32>,
      %mul3A_160 = arith.mulf %get3A_156, %get3A_159 : vector<16xf32>
      %add3A_161 = arith.addf %add3A_153, %mul3A_160 : vector<16xf32>
      %cumsum3A_162 = arith.constant true
      %cumsum3A_163 = vector.broadcast %cumsum3A_162 : i1 to vector<16xi1>
      %cumsum3A_164 = tpu.scan <sum>, %add3A_161 masked %cumsum3A_163 : vector<16xf32>, vector<16xi1> -> vector<16xf32>
      %lt3A_165 = arith.constant 0 : i32
      %lt3A_166 = vector.broadcast %lt3A_165 : i32 to vector<16xi32>
      %lt3A_167 = arith.cmpi slt, %broadcast_in_dim3A_19, %lt3A_166 : vector<16xi32>
      %add3A_168 = arith.constant 16 : i32
      %add3A_169 = vector.broadcast %add3A_168 : i32 to vector<16xi32>
      %add3A_170 = arith.addi %broadcast_in_dim3A_19, %add3A_169 : vector<16xi32>
      %select_n3A_171 = arith.select %lt3A_167, %add3A_170, %broadcast_in_dim3A_19 : vector<16xi1>, vector<16xi32>
      %broadcast_in_dim3A_172 = vector.shape_cast %select_n3A_171 : vector<16xi32> to vector<16x1xi32>
      %gather3A_173 = vector.shape_cast %broadcast_in_dim3A_172 : vector<16x1xi32> to vector<16xi32>
      %gather3A_174 = tpu.dynamic_gather %cumsum3A_164[%gather3A_173] in [0] : vector<16xf32>, vector<16xi32> -> vector<16xf32>
      %eq3A_175 = arith.constant 2 : i32
      %eq3A_176 = vector.broadcast %eq3A_175 : i32 to vector<16xi32>
      %eq3A_177 = arith.cmpi eq, %iota3A, %eq3A_176 : vector<16xi32>
      %select_n3A_178 = arith.select %eq3A_177, %gather3A_174, %select_n3A_126 : vector<16xi1>, vector<16xf32>
      %mul3A_179 = arith.constant 8 : i32
      %mul3A_180 = arith.muli %scan3A_26, %mul3A_179 : i32
      %add3A_181 = arith.constant 1 : i32
      %add3A_182 = arith.addi %mul3A_180, %add3A_181 : i32
      %get3A_183 = arith.index_cast %add3A_182 : i32 to index
      %get3A_184 = arith.constant 64 : index
      %get3A_185 = tpu.vector_load %arg9[%get3A_183, %get3A_184] {strides = array<i32>} : memref<256x128xf32, #tpu.memory_space<vmem>>, vector<16xf32>,
      %get3A_186 = arith.index_cast %add3A_182 : i32 to index
      %get3A_187 = arith.constant 64 : index
      %get3A_188 = tpu.vector_load %arg10[%get3A_186, %get3A_187] {strides = array<i32>} : memref<256x128xf32, #tpu.memory_space<vmem>>, vector<16xf32>,
      %mul3A_189 = arith.mulf %get3A_185, %get3A_188 : vector<16xf32>
      %get3A_190 = arith.index_cast %add3A_182 : i32 to index
      %get3A_191 = arith.constant 80 : index
      %get3A_192 = tpu.vector_load %arg9[%get3A_190, %get3A_191] {strides = array<i32>} : memref<256x128xf32, #tpu.memory_space<vmem>>, vector<16xf32>,
      %get3A_193 = arith.index_cast %add3A_182 : i32 to index
      %get3A_194 = arith.constant 80 : index
      %get3A_195 = tpu.vector_load %arg10[%get3A_193, %get3A_194] {strides = array<i32>} : memref<256x128xf32, #tpu.memory_space<vmem>>, vector<16xf32>,
      %mul3A_196 = arith.mulf %get3A_192, %get3A_195 : vector<16xf32>
      %add3A_197 = arith.addf %mul3A_189, %mul3A_196 : vector<16xf32>
      %get3A_198 = arith.index_cast %add3A_182 : i32 to index
      %get3A_199 = arith.constant 96 : index
      %get3A_200 = tpu.vector_load %arg9[%get3A_198, %get3A_199] {strides = array<i32>} : memref<256x128xf32, #tpu.memory_space<vmem>>, vector<16xf32>,
      %get3A_201 = arith.index_cast %add3A_182 : i32 to index
      %get3A_202 = arith.constant 96 : index
      %get3A_203 = tpu.vector_load %arg10[%get3A_201, %get3A_202] {strides = array<i32>} : memref<256x128xf32, #tpu.memory_space<vmem>>, vector<16xf32>,
      %mul3A_204 = arith.mulf %get3A_200, %get3A_203 : vector<16xf32>
      %add3A_205 = arith.addf %add3A_197, %mul3A_204 : vector<16xf32>
      %get3A_206 = arith.index_cast %add3A_182 : i32 to index
      %get3A_207 = arith.constant 112 : index
      %get3A_208 = tpu.vector_load %arg9[%get3A_206, %get3A_207] {strides = array<i32>} : memref<256x128xf32, #tpu.memory_space<vmem>>, vector<16xf32>,
      %get3A_209 = arith.index_cast %add3A_182 : i32 to index
      %get3A_210 = arith.constant 112 : index
      %get3A_211 = tpu.vector_load %arg10[%get3A_209, %get3A_210] {strides = array<i32>} : memref<256x128xf32, #tpu.memory_space<vmem>>, vector<16xf32>,
      %mul3A_212 = arith.mulf %get3A_208, %get3A_211 : vector<16xf32>
      %add3A_213 = arith.addf %add3A_205, %mul3A_212 : vector<16xf32>
      %cumsum3A_214 = arith.constant true
      %cumsum3A_215 = vector.broadcast %cumsum3A_214 : i1 to vector<16xi1>
      %cumsum3A_216 = tpu.scan <sum>, %add3A_213 masked %cumsum3A_215 : vector<16xf32>, vector<16xi1> -> vector<16xf32>
      %lt3A_217 = arith.constant 0 : i32
      %lt3A_218 = vector.broadcast %lt3A_217 : i32 to vector<16xi32>
      %lt3A_219 = arith.cmpi slt, %broadcast_in_dim3A_19, %lt3A_218 : vector<16xi32>
      %add3A_220 = arith.constant 16 : i32
      %add3A_221 = vector.broadcast %add3A_220 : i32 to vector<16xi32>
      %add3A_222 = arith.addi %broadcast_in_dim3A_19, %add3A_221 : vector<16xi32>
      %select_n3A_223 = arith.select %lt3A_219, %add3A_222, %broadcast_in_dim3A_19 : vector<16xi1>, vector<16xi32>
      %broadcast_in_dim3A_224 = vector.shape_cast %select_n3A_223 : vector<16xi32> to vector<16x1xi32>
      %gather3A_225 = vector.shape_cast %broadcast_in_dim3A_224 : vector<16x1xi32> to vector<16xi32>
      %gather3A_226 = tpu.dynamic_gather %cumsum3A_216[%gather3A_225] in [0] : vector<16xf32>, vector<16xi32> -> vector<16xf32>
      %eq3A_227 = arith.constant 3 : i32
      %eq3A_228 = vector.broadcast %eq3A_227 : i32 to vector<16xi32>
      %eq3A_229 = arith.cmpi eq, %iota3A, %eq3A_228 : vector<16xi32>
      %select_n3A_230 = arith.select %eq3A_229, %gather3A_226, %select_n3A_178 : vector<16xi1>, vector<16xf32>
      %mul3A_231 = arith.constant 8 : i32
      %mul3A_232 = arith.muli %scan3A_26, %mul3A_231 : i32
      %add3A_233 = arith.constant 2 : i32
      %add3A_234 = arith.addi %mul3A_232, %add3A_233 : i32
      %get3A_235 = arith.index_cast %add3A_234 : i32 to index
      %get3A_236 = arith.constant 0 : index
      %get3A_237 = tpu.vector_load %arg9[%get3A_235, %get3A_236] {strides = array<i32>} : memref<256x128xf32, #tpu.memory_space<vmem>>, vector<16xf32>,
      %get3A_238 = arith.index_cast %add3A_234 : i32 to index
      %get3A_239 = arith.constant 0 : index
      %get3A_240 = tpu.vector_load %arg10[%get3A_238, %get3A_239] {strides = array<i32>} : memref<256x128xf32, #tpu.memory_space<vmem>>, vector<16xf32>,
      %mul3A_241 = arith.mulf %get3A_237, %get3A_240 : vector<16xf32>
      %get3A_242 = arith.index_cast %add3A_234 : i32 to index
      %get3A_243 = arith.constant 16 : index
      %get3A_244 = tpu.vector_load %arg9[%get3A_242, %get3A_243] {strides = array<i32>} : memref<256x128xf32, #tpu.memory_space<vmem>>, vector<16xf32>,
      %get3A_245 = arith.index_cast %add3A_234 : i32 to index
      %get3A_246 = arith.constant 16 : index
      %get3A_247 = tpu.vector_load %arg10[%get3A_245, %get3A_246] {strides = array<i32>} : memref<256x128xf32, #tpu.memory_space<vmem>>, vector<16xf32>,
      %mul3A_248 = arith.mulf %get3A_244, %get3A_247 : vector<16xf32>
      %add3A_249 = arith.addf %mul3A_241, %mul3A_248 : vector<16xf32>
      %get3A_250 = arith.index_cast %add3A_234 : i32 to index
      %get3A_251 = arith.constant 32 : index
      %get3A_252 = tpu.vector_load %arg9[%get3A_250, %get3A_251] {strides = array<i32>} : memref<256x128xf32, #tpu.memory_space<vmem>>, vector<16xf32>,
      %get3A_253 = arith.index_cast %add3A_234 : i32 to index
      %get3A_254 = arith.constant 32 : index
      %get3A_255 = tpu.vector_load %arg10[%get3A_253, %get3A_254] {strides = array<i32>} : memref<256x128xf32, #tpu.memory_space<vmem>>, vector<16xf32>,
      %mul3A_256 = arith.mulf %get3A_252, %get3A_255 : vector<16xf32>
      %add3A_257 = arith.addf %add3A_249, %mul3A_256 : vector<16xf32>
      %get3A_258 = arith.index_cast %add3A_234 : i32 to index
      %get3A_259 = arith.constant 48 : index
      %get3A_260 = tpu.vector_load %arg9[%get3A_258, %get3A_259] {strides = array<i32>} : memref<256x128xf32, #tpu.memory_space<vmem>>, vector<16xf32>,
      %get3A_261 = arith.index_cast %add3A_234 : i32 to index
      %get3A_262 = arith.constant 48 : index
      %get3A_263 = tpu.vector_load %arg10[%get3A_261, %get3A_262] {strides = array<i32>} : memref<256x128xf32, #tpu.memory_space<vmem>>, vector<16xf32>,
      %mul3A_264 = arith.mulf %get3A_260, %get3A_263 : vector<16xf32>
      %add3A_265 = arith.addf %add3A_257, %mul3A_264 : vector<16xf32>
      %cumsum3A_266 = arith.constant true
      %cumsum3A_267 = vector.broadcast %cumsum3A_266 : i1 to vector<16xi1>
      %cumsum3A_268 = tpu.scan <sum>, %add3A_265 masked %cumsum3A_267 : vector<16xf32>, vector<16xi1> -> vector<16xf32>
      %lt3A_269 = arith.constant 0 : i32
      %lt3A_270 = vector.broadcast %lt3A_269 : i32 to vector<16xi32>
      %lt3A_271 = arith.cmpi slt, %broadcast_in_dim3A_19, %lt3A_270 : vector<16xi32>
      %add3A_272 = arith.constant 16 : i32
      %add3A_273 = vector.broadcast %add3A_272 : i32 to vector<16xi32>
      %add3A_274 = arith.addi %broadcast_in_dim3A_19, %add3A_273 : vector<16xi32>
      %select_n3A_275 = arith.select %lt3A_271, %add3A_274, %broadcast_in_dim3A_19 : vector<16xi1>, vector<16xi32>
      %broadcast_in_dim3A_276 = vector.shape_cast %select_n3A_275 : vector<16xi32> to vector<16x1xi32>
      %gather3A_277 = vector.shape_cast %broadcast_in_dim3A_276 : vector<16x1xi32> to vector<16xi32>
      %gather3A_278 = tpu.dynamic_gather %cumsum3A_268[%gather3A_277] in [0] : vector<16xf32>, vector<16xi32> -> vector<16xf32>
      %eq3A_279 = arith.constant 4 : i32
      %eq3A_280 = vector.broadcast %eq3A_279 : i32 to vector<16xi32>
      %eq3A_281 = arith.cmpi eq, %iota3A, %eq3A_280 : vector<16xi32>
      %select_n3A_282 = arith.select %eq3A_281, %gather3A_278, %select_n3A_230 : vector<16xi1>, vector<16xf32>
      %mul3A_283 = arith.constant 8 : i32
      %mul3A_284 = arith.muli %scan3A_26, %mul3A_283 : i32
      %add3A_285 = arith.constant 2 : i32
      %add3A_286 = arith.addi %mul3A_284, %add3A_285 : i32
      %get3A_287 = arith.index_cast %add3A_286 : i32 to index
      %get3A_288 = arith.constant 64 : index
      %get3A_289 = tpu.vector_load %arg9[%get3A_287, %get3A_288] {strides = array<i32>} : memref<256x128xf32, #tpu.memory_space<vmem>>, vector<16xf32>,
      %get3A_290 = arith.index_cast %add3A_286 : i32 to index
      %get3A_291 = arith.constant 64 : index
      %get3A_292 = tpu.vector_load %arg10[%get3A_290, %get3A_291] {strides = array<i32>} : memref<256x128xf32, #tpu.memory_space<vmem>>, vector<16xf32>,
      %mul3A_293 = arith.mulf %get3A_289, %get3A_292 : vector<16xf32>
      %get3A_294 = arith.index_cast %add3A_286 : i32 to index
      %get3A_295 = arith.constant 80 : index
      %get3A_296 = tpu.vector_load %arg9[%get3A_294, %get3A_295] {strides = array<i32>} : memref<256x128xf32, #tpu.memory_space<vmem>>, vector<16xf32>,
      %get3A_297 = arith.index_cast %add3A_286 : i32 to index
      %get3A_298 = arith.constant 80 : index
      %get3A_299 = tpu.vector_load %arg10[%get3A_297, %get3A_298] {strides = array<i32>} : memref<256x128xf32, #tpu.memory_space<vmem>>, vector<16xf32>,
      %mul3A_300 = arith.mulf %get3A_296, %get3A_299 : vector<16xf32>
      %add3A_301 = arith.addf %mul3A_293, %mul3A_300 : vector<16xf32>
      %get3A_302 = arith.index_cast %add3A_286 : i32 to index
      %get3A_303 = arith.constant 96 : index
      %get3A_304 = tpu.vector_load %arg9[%get3A_302, %get3A_303] {strides = array<i32>} : memref<256x128xf32, #tpu.memory_space<vmem>>, vector<16xf32>,
      %get3A_305 = arith.index_cast %add3A_286 : i32 to index
      %get3A_306 = arith.constant 96 : index
      %get3A_307 = tpu.vector_load %arg10[%get3A_305, %get3A_306] {strides = array<i32>} : memref<256x128xf32, #tpu.memory_space<vmem>>, vector<16xf32>,
      %mul3A_308 = arith.mulf %get3A_304, %get3A_307 : vector<16xf32>
      %add3A_309 = arith.addf %add3A_301, %mul3A_308 : vector<16xf32>
      %get3A_310 = arith.index_cast %add3A_286 : i32 to index
      %get3A_311 = arith.constant 112 : index
      %get3A_312 = tpu.vector_load %arg9[%get3A_310, %get3A_311] {strides = array<i32>} : memref<256x128xf32, #tpu.memory_space<vmem>>, vector<16xf32>,
      %get3A_313 = arith.index_cast %add3A_286 : i32 to index
      %get3A_314 = arith.constant 112 : index
      %get3A_315 = tpu.vector_load %arg10[%get3A_313, %get3A_314] {strides = array<i32>} : memref<256x128xf32, #tpu.memory_space<vmem>>, vector<16xf32>,
      %mul3A_316 = arith.mulf %get3A_312, %get3A_315 : vector<16xf32>
      %add3A_317 = arith.addf %add3A_309, %mul3A_316 : vector<16xf32>
      %cumsum3A_318 = arith.constant true
      %cumsum3A_319 = vector.broadcast %cumsum3A_318 : i1 to vector<16xi1>
      %cumsum3A_320 = tpu.scan <sum>, %add3A_317 masked %cumsum3A_319 : vector<16xf32>, vector<16xi1> -> vector<16xf32>
      %lt3A_321 = arith.constant 0 : i32
      %lt3A_322 = vector.broadcast %lt3A_321 : i32 to vector<16xi32>
      %lt3A_323 = arith.cmpi slt, %broadcast_in_dim3A_19, %lt3A_322 : vector<16xi32>
      %add3A_324 = arith.constant 16 : i32
      %add3A_325 = vector.broadcast %add3A_324 : i32 to vector<16xi32>
      %add3A_326 = arith.addi %broadcast_in_dim3A_19, %add3A_325 : vector<16xi32>
      %select_n3A_327 = arith.select %lt3A_323, %add3A_326, %broadcast_in_dim3A_19 : vector<16xi1>, vector<16xi32>
      %broadcast_in_dim3A_328 = vector.shape_cast %select_n3A_327 : vector<16xi32> to vector<16x1xi32>
      %gather3A_329 = vector.shape_cast %broadcast_in_dim3A_328 : vector<16x1xi32> to vector<16xi32>
      %gather3A_330 = tpu.dynamic_gather %cumsum3A_320[%gather3A_329] in [0] : vector<16xf32>, vector<16xi32> -> vector<16xf32>
      %eq3A_331 = arith.constant 5 : i32
      %eq3A_332 = vector.broadcast %eq3A_331 : i32 to vector<16xi32>
      %eq3A_333 = arith.cmpi eq, %iota3A, %eq3A_332 : vector<16xi32>
      %select_n3A_334 = arith.select %eq3A_333, %gather3A_330, %select_n3A_282 : vector<16xi1>, vector<16xf32>
      %mul3A_335 = arith.constant 8 : i32
      %mul3A_336 = arith.muli %scan3A_26, %mul3A_335 : i32
      %add3A_337 = arith.constant 3 : i32
      %add3A_338 = arith.addi %mul3A_336, %add3A_337 : i32
      %get3A_339 = arith.index_cast %add3A_338 : i32 to index
      %get3A_340 = arith.constant 0 : index
      %get3A_341 = tpu.vector_load %arg9[%get3A_339, %get3A_340] {strides = array<i32>} : memref<256x128xf32, #tpu.memory_space<vmem>>, vector<16xf32>,
      %get3A_342 = arith.index_cast %add3A_338 : i32 to index
      %get3A_343 = arith.constant 0 : index
      %get3A_344 = tpu.vector_load %arg10[%get3A_342, %get3A_343] {strides = array<i32>} : memref<256x128xf32, #tpu.memory_space<vmem>>, vector<16xf32>,
      %mul3A_345 = arith.mulf %get3A_341, %get3A_344 : vector<16xf32>
      %get3A_346 = arith.index_cast %add3A_338 : i32 to index
      %get3A_347 = arith.constant 16 : index
      %get3A_348 = tpu.vector_load %arg9[%get3A_346, %get3A_347] {strides = array<i32>} : memref<256x128xf32, #tpu.memory_space<vmem>>, vector<16xf32>,
      %get3A_349 = arith.index_cast %add3A_338 : i32 to index
      %get3A_350 = arith.constant 16 : index
      %get3A_351 = tpu.vector_load %arg10[%get3A_349, %get3A_350] {strides = array<i32>} : memref<256x128xf32, #tpu.memory_space<vmem>>, vector<16xf32>,
      %mul3A_352 = arith.mulf %get3A_348, %get3A_351 : vector<16xf32>
      %add3A_353 = arith.addf %mul3A_345, %mul3A_352 : vector<16xf32>
      %get3A_354 = arith.index_cast %add3A_338 : i32 to index
      %get3A_355 = arith.constant 32 : index
      %get3A_356 = tpu.vector_load %arg9[%get3A_354, %get3A_355] {strides = array<i32>} : memref<256x128xf32, #tpu.memory_space<vmem>>, vector<16xf32>,
      %get3A_357 = arith.index_cast %add3A_338 : i32 to index
      %get3A_358 = arith.constant 32 : index
      %get3A_359 = tpu.vector_load %arg10[%get3A_357, %get3A_358] {strides = array<i32>} : memref<256x128xf32, #tpu.memory_space<vmem>>, vector<16xf32>,
      %mul3A_360 = arith.mulf %get3A_356, %get3A_359 : vector<16xf32>
      %add3A_361 = arith.addf %add3A_353, %mul3A_360 : vector<16xf32>
      %get3A_362 = arith.index_cast %add3A_338 : i32 to index
      %get3A_363 = arith.constant 48 : index
      %get3A_364 = tpu.vector_load %arg9[%get3A_362, %get3A_363] {strides = array<i32>} : memref<256x128xf32, #tpu.memory_space<vmem>>, vector<16xf32>,
      %get3A_365 = arith.index_cast %add3A_338 : i32 to index
      %get3A_366 = arith.constant 48 : index
      %get3A_367 = tpu.vector_load %arg10[%get3A_365, %get3A_366] {strides = array<i32>} : memref<256x128xf32, #tpu.memory_space<vmem>>, vector<16xf32>,
      %mul3A_368 = arith.mulf %get3A_364, %get3A_367 : vector<16xf32>
      %add3A_369 = arith.addf %add3A_361, %mul3A_368 : vector<16xf32>
      %cumsum3A_370 = arith.constant true
      %cumsum3A_371 = vector.broadcast %cumsum3A_370 : i1 to vector<16xi1>
      %cumsum3A_372 = tpu.scan <sum>, %add3A_369 masked %cumsum3A_371 : vector<16xf32>, vector<16xi1> -> vector<16xf32>
      %lt3A_373 = arith.constant 0 : i32
      %lt3A_374 = vector.broadcast %lt3A_373 : i32 to vector<16xi32>
      %lt3A_375 = arith.cmpi slt, %broadcast_in_dim3A_19, %lt3A_374 : vector<16xi32>
      %add3A_376 = arith.constant 16 : i32
      %add3A_377 = vector.broadcast %add3A_376 : i32 to vector<16xi32>
      %add3A_378 = arith.addi %broadcast_in_dim3A_19, %add3A_377 : vector<16xi32>
      %select_n3A_379 = arith.select %lt3A_375, %add3A_378, %broadcast_in_dim3A_19 : vector<16xi1>, vector<16xi32>
      %broadcast_in_dim3A_380 = vector.shape_cast %select_n3A_379 : vector<16xi32> to vector<16x1xi32>
      %gather3A_381 = vector.shape_cast %broadcast_in_dim3A_380 : vector<16x1xi32> to vector<16xi32>
      %gather3A_382 = tpu.dynamic_gather %cumsum3A_372[%gather3A_381] in [0] : vector<16xf32>, vector<16xi32> -> vector<16xf32>
      %eq3A_383 = arith.constant 6 : i32
      %eq3A_384 = vector.broadcast %eq3A_383 : i32 to vector<16xi32>
      %eq3A_385 = arith.cmpi eq, %iota3A, %eq3A_384 : vector<16xi32>
      %select_n3A_386 = arith.select %eq3A_385, %gather3A_382, %select_n3A_334 : vector<16xi1>, vector<16xf32>
      %mul3A_387 = arith.constant 8 : i32
      %mul3A_388 = arith.muli %scan3A_26, %mul3A_387 : i32
      %add3A_389 = arith.constant 3 : i32
      %add3A_390 = arith.addi %mul3A_388, %add3A_389 : i32
      %get3A_391 = arith.index_cast %add3A_390 : i32 to index
      %get3A_392 = arith.constant 64 : index
      %get3A_393 = tpu.vector_load %arg9[%get3A_391, %get3A_392] {strides = array<i32>} : memref<256x128xf32, #tpu.memory_space<vmem>>, vector<16xf32>,
      %get3A_394 = arith.index_cast %add3A_390 : i32 to index
      %get3A_395 = arith.constant 64 : index
      %get3A_396 = tpu.vector_load %arg10[%get3A_394, %get3A_395] {strides = array<i32>} : memref<256x128xf32, #tpu.memory_space<vmem>>, vector<16xf32>,
      %mul3A_397 = arith.mulf %get3A_393, %get3A_396 : vector<16xf32>
      %get3A_398 = arith.index_cast %add3A_390 : i32 to index
      %get3A_399 = arith.constant 80 : index
      %get3A_400 = tpu.vector_load %arg9[%get3A_398, %get3A_399] {strides = array<i32>} : memref<256x128xf32, #tpu.memory_space<vmem>>, vector<16xf32>,
      %get3A_401 = arith.index_cast %add3A_390 : i32 to index
      %get3A_402 = arith.constant 80 : index
      %get3A_403 = tpu.vector_load %arg10[%get3A_401, %get3A_402] {strides = array<i32>} : memref<256x128xf32, #tpu.memory_space<vmem>>, vector<16xf32>,
      %mul3A_404 = arith.mulf %get3A_400, %get3A_403 : vector<16xf32>
      %add3A_405 = arith.addf %mul3A_397, %mul3A_404 : vector<16xf32>
      %get3A_406 = arith.index_cast %add3A_390 : i32 to index
      %get3A_407 = arith.constant 96 : index
      %get3A_408 = tpu.vector_load %arg9[%get3A_406, %get3A_407] {strides = array<i32>} : memref<256x128xf32, #tpu.memory_space<vmem>>, vector<16xf32>,
      %get3A_409 = arith.index_cast %add3A_390 : i32 to index
      %get3A_410 = arith.constant 96 : index
      %get3A_411 = tpu.vector_load %arg10[%get3A_409, %get3A_410] {strides = array<i32>} : memref<256x128xf32, #tpu.memory_space<vmem>>, vector<16xf32>,
      %mul3A_412 = arith.mulf %get3A_408, %get3A_411 : vector<16xf32>
      %add3A_413 = arith.addf %add3A_405, %mul3A_412 : vector<16xf32>
      %get3A_414 = arith.index_cast %add3A_390 : i32 to index
      %get3A_415 = arith.constant 112 : index
      %get3A_416 = tpu.vector_load %arg9[%get3A_414, %get3A_415] {strides = array<i32>} : memref<256x128xf32, #tpu.memory_space<vmem>>, vector<16xf32>,
      %get3A_417 = arith.index_cast %add3A_390 : i32 to index
      %get3A_418 = arith.constant 112 : index
      %get3A_419 = tpu.vector_load %arg10[%get3A_417, %get3A_418] {strides = array<i32>} : memref<256x128xf32, #tpu.memory_space<vmem>>, vector<16xf32>,
      %mul3A_420 = arith.mulf %get3A_416, %get3A_419 : vector<16xf32>
      %add3A_421 = arith.addf %add3A_413, %mul3A_420 : vector<16xf32>
      %cumsum3A_422 = arith.constant true
      %cumsum3A_423 = vector.broadcast %cumsum3A_422 : i1 to vector<16xi1>
      %cumsum3A_424 = tpu.scan <sum>, %add3A_421 masked %cumsum3A_423 : vector<16xf32>, vector<16xi1> -> vector<16xf32>
      %lt3A_425 = arith.constant 0 : i32
      %lt3A_426 = vector.broadcast %lt3A_425 : i32 to vector<16xi32>
      %lt3A_427 = arith.cmpi slt, %broadcast_in_dim3A_19, %lt3A_426 : vector<16xi32>
      %add3A_428 = arith.constant 16 : i32
      %add3A_429 = vector.broadcast %add3A_428 : i32 to vector<16xi32>
      %add3A_430 = arith.addi %broadcast_in_dim3A_19, %add3A_429 : vector<16xi32>
      %select_n3A_431 = arith.select %lt3A_427, %add3A_430, %broadcast_in_dim3A_19 : vector<16xi1>, vector<16xi32>
      %broadcast_in_dim3A_432 = vector.shape_cast %select_n3A_431 : vector<16xi32> to vector<16x1xi32>
      %gather3A_433 = vector.shape_cast %broadcast_in_dim3A_432 : vector<16x1xi32> to vector<16xi32>
      %gather3A_434 = tpu.dynamic_gather %cumsum3A_424[%gather3A_433] in [0] : vector<16xf32>, vector<16xi32> -> vector<16xf32>
      %eq3A_435 = arith.constant 7 : i32
      %eq3A_436 = vector.broadcast %eq3A_435 : i32 to vector<16xi32>
      %eq3A_437 = arith.cmpi eq, %iota3A, %eq3A_436 : vector<16xi32>
      %select_n3A_438 = arith.select %eq3A_437, %gather3A_434, %select_n3A_386 : vector<16xi1>, vector<16xf32>
      %mul3A_439 = arith.constant 8 : i32
      %mul3A_440 = arith.muli %scan3A_26, %mul3A_439 : i32
      %add3A_441 = arith.constant 4 : i32
      %add3A_442 = arith.addi %mul3A_440, %add3A_441 : i32
      %get3A_443 = arith.index_cast %add3A_442 : i32 to index
      %get3A_444 = arith.constant 0 : index
      %get3A_445 = tpu.vector_load %arg9[%get3A_443, %get3A_444] {strides = array<i32>} : memref<256x128xf32, #tpu.memory_space<vmem>>, vector<16xf32>,
      %get3A_446 = arith.index_cast %add3A_442 : i32 to index
      %get3A_447 = arith.constant 0 : index
      %get3A_448 = tpu.vector_load %arg10[%get3A_446, %get3A_447] {strides = array<i32>} : memref<256x128xf32, #tpu.memory_space<vmem>>, vector<16xf32>,
      %mul3A_449 = arith.mulf %get3A_445, %get3A_448 : vector<16xf32>
      %get3A_450 = arith.index_cast %add3A_442 : i32 to index
      %get3A_451 = arith.constant 16 : index
      %get3A_452 = tpu.vector_load %arg9[%get3A_450, %get3A_451] {strides = array<i32>} : memref<256x128xf32, #tpu.memory_space<vmem>>, vector<16xf32>,
      %get3A_453 = arith.index_cast %add3A_442 : i32 to index
      %get3A_454 = arith.constant 16 : index
      %get3A_455 = tpu.vector_load %arg10[%get3A_453, %get3A_454] {strides = array<i32>} : memref<256x128xf32, #tpu.memory_space<vmem>>, vector<16xf32>,
      %mul3A_456 = arith.mulf %get3A_452, %get3A_455 : vector<16xf32>
      %add3A_457 = arith.addf %mul3A_449, %mul3A_456 : vector<16xf32>
      %get3A_458 = arith.index_cast %add3A_442 : i32 to index
      %get3A_459 = arith.constant 32 : index
      %get3A_460 = tpu.vector_load %arg9[%get3A_458, %get3A_459] {strides = array<i32>} : memref<256x128xf32, #tpu.memory_space<vmem>>, vector<16xf32>,
      %get3A_461 = arith.index_cast %add3A_442 : i32 to index
      %get3A_462 = arith.constant 32 : index
      %get3A_463 = tpu.vector_load %arg10[%get3A_461, %get3A_462] {strides = array<i32>} : memref<256x128xf32, #tpu.memory_space<vmem>>, vector<16xf32>,
      %mul3A_464 = arith.mulf %get3A_460, %get3A_463 : vector<16xf32>
      %add3A_465 = arith.addf %add3A_457, %mul3A_464 : vector<16xf32>
      %get3A_466 = arith.index_cast %add3A_442 : i32 to index
      %get3A_467 = arith.constant 48 : index
      %get3A_468 = tpu.vector_load %arg9[%get3A_466, %get3A_467] {strides = array<i32>} : memref<256x128xf32, #tpu.memory_space<vmem>>, vector<16xf32>,
      %get3A_469 = arith.index_cast %add3A_442 : i32 to index
      %get3A_470 = arith.constant 48 : index
      %get3A_471 = tpu.vector_load %arg10[%get3A_469, %get3A_470] {strides = array<i32>} : memref<256x128xf32, #tpu.memory_space<vmem>>, vector<16xf32>,
      %mul3A_472 = arith.mulf %get3A_468, %get3A_471 : vector<16xf32>
      %add3A_473 = arith.addf %add3A_465, %mul3A_472 : vector<16xf32>
      %cumsum3A_474 = arith.constant true
      %cumsum3A_475 = vector.broadcast %cumsum3A_474 : i1 to vector<16xi1>
      %cumsum3A_476 = tpu.scan <sum>, %add3A_473 masked %cumsum3A_475 : vector<16xf32>, vector<16xi1> -> vector<16xf32>
      %lt3A_477 = arith.constant 0 : i32
      %lt3A_478 = vector.broadcast %lt3A_477 : i32 to vector<16xi32>
      %lt3A_479 = arith.cmpi slt, %broadcast_in_dim3A_19, %lt3A_478 : vector<16xi32>
      %add3A_480 = arith.constant 16 : i32
      %add3A_481 = vector.broadcast %add3A_480 : i32 to vector<16xi32>
      %add3A_482 = arith.addi %broadcast_in_dim3A_19, %add3A_481 : vector<16xi32>
      %select_n3A_483 = arith.select %lt3A_479, %add3A_482, %broadcast_in_dim3A_19 : vector<16xi1>, vector<16xi32>
      %broadcast_in_dim3A_484 = vector.shape_cast %select_n3A_483 : vector<16xi32> to vector<16x1xi32>
      %gather3A_485 = vector.shape_cast %broadcast_in_dim3A_484 : vector<16x1xi32> to vector<16xi32>
      %gather3A_486 = tpu.dynamic_gather %cumsum3A_476[%gather3A_485] in [0] : vector<16xf32>, vector<16xi32> -> vector<16xf32>
      %eq3A_487 = arith.constant 8 : i32
      %eq3A_488 = vector.broadcast %eq3A_487 : i32 to vector<16xi32>
      %eq3A_489 = arith.cmpi eq, %iota3A, %eq3A_488 : vector<16xi32>
      %select_n3A_490 = arith.select %eq3A_489, %gather3A_486, %select_n3A_438 : vector<16xi1>, vector<16xf32>
      %mul3A_491 = arith.constant 8 : i32
      %mul3A_492 = arith.muli %scan3A_26, %mul3A_491 : i32
      %add3A_493 = arith.constant 4 : i32
      %add3A_494 = arith.addi %mul3A_492, %add3A_493 : i32
      %get3A_495 = arith.index_cast %add3A_494 : i32 to index
      %get3A_496 = arith.constant 64 : index
      %get3A_497 = tpu.vector_load %arg9[%get3A_495, %get3A_496] {strides = array<i32>} : memref<256x128xf32, #tpu.memory_space<vmem>>, vector<16xf32>,
      %get3A_498 = arith.index_cast %add3A_494 : i32 to index
      %get3A_499 = arith.constant 64 : index
      %get3A_500 = tpu.vector_load %arg10[%get3A_498, %get3A_499] {strides = array<i32>} : memref<256x128xf32, #tpu.memory_space<vmem>>, vector<16xf32>,
      %mul3A_501 = arith.mulf %get3A_497, %get3A_500 : vector<16xf32>
      %get3A_502 = arith.index_cast %add3A_494 : i32 to index
      %get3A_503 = arith.constant 80 : index
      %get3A_504 = tpu.vector_load %arg9[%get3A_502, %get3A_503] {strides = array<i32>} : memref<256x128xf32, #tpu.memory_space<vmem>>, vector<16xf32>,
      %get3A_505 = arith.index_cast %add3A_494 : i32 to index
      %get3A_506 = arith.constant 80 : index
      %get3A_507 = tpu.vector_load %arg10[%get3A_505, %get3A_506] {strides = array<i32>} : memref<256x128xf32, #tpu.memory_space<vmem>>, vector<16xf32>,
      %mul3A_508 = arith.mulf %get3A_504, %get3A_507 : vector<16xf32>
      %add3A_509 = arith.addf %mul3A_501, %mul3A_508 : vector<16xf32>
      %get3A_510 = arith.index_cast %add3A_494 : i32 to index
      %get3A_511 = arith.constant 96 : index
      %get3A_512 = tpu.vector_load %arg9[%get3A_510, %get3A_511] {strides = array<i32>} : memref<256x128xf32, #tpu.memory_space<vmem>>, vector<16xf32>,
      %get3A_513 = arith.index_cast %add3A_494 : i32 to index
      %get3A_514 = arith.constant 96 : index
      %get3A_515 = tpu.vector_load %arg10[%get3A_513, %get3A_514] {strides = array<i32>} : memref<256x128xf32, #tpu.memory_space<vmem>>, vector<16xf32>,
      %mul3A_516 = arith.mulf %get3A_512, %get3A_515 : vector<16xf32>
      %add3A_517 = arith.addf %add3A_509, %mul3A_516 : vector<16xf32>
      %get3A_518 = arith.index_cast %add3A_494 : i32 to index
      %get3A_519 = arith.constant 112 : index
      %get3A_520 = tpu.vector_load %arg9[%get3A_518, %get3A_519] {strides = array<i32>} : memref<256x128xf32, #tpu.memory_space<vmem>>, vector<16xf32>,
      %get3A_521 = arith.index_cast %add3A_494 : i32 to index
      %get3A_522 = arith.constant 112 : index
      %get3A_523 = tpu.vector_load %arg10[%get3A_521, %get3A_522] {strides = array<i32>} : memref<256x128xf32, #tpu.memory_space<vmem>>, vector<16xf32>,
      %mul3A_524 = arith.mulf %get3A_520, %get3A_523 : vector<16xf32>
      %add3A_525 = arith.addf %add3A_517, %mul3A_524 : vector<16xf32>
      %cumsum3A_526 = arith.constant true
      %cumsum3A_527 = vector.broadcast %cumsum3A_526 : i1 to vector<16xi1>
      %cumsum3A_528 = tpu.scan <sum>, %add3A_525 masked %cumsum3A_527 : vector<16xf32>, vector<16xi1> -> vector<16xf32>
      %lt3A_529 = arith.constant 0 : i32
      %lt3A_530 = vector.broadcast %lt3A_529 : i32 to vector<16xi32>
      %lt3A_531 = arith.cmpi slt, %broadcast_in_dim3A_19, %lt3A_530 : vector<16xi32>
      %add3A_532 = arith.constant 16 : i32
      %add3A_533 = vector.broadcast %add3A_532 : i32 to vector<16xi32>
      %add3A_534 = arith.addi %broadcast_in_dim3A_19, %add3A_533 : vector<16xi32>
      %select_n3A_535 = arith.select %lt3A_531, %add3A_534, %broadcast_in_dim3A_19 : vector<16xi1>, vector<16xi32>
      %broadcast_in_dim3A_536 = vector.shape_cast %select_n3A_535 : vector<16xi32> to vector<16x1xi32>
      %gather3A_537 = vector.shape_cast %broadcast_in_dim3A_536 : vector<16x1xi32> to vector<16xi32>
      %gather3A_538 = tpu.dynamic_gather %cumsum3A_528[%gather3A_537] in [0] : vector<16xf32>, vector<16xi32> -> vector<16xf32>
      %eq3A_539 = arith.constant 9 : i32
      %eq3A_540 = vector.broadcast %eq3A_539 : i32 to vector<16xi32>
      %eq3A_541 = arith.cmpi eq, %iota3A, %eq3A_540 : vector<16xi32>
      %select_n3A_542 = arith.select %eq3A_541, %gather3A_538, %select_n3A_490 : vector<16xi1>, vector<16xf32>
      %mul3A_543 = arith.constant 8 : i32
      %mul3A_544 = arith.muli %scan3A_26, %mul3A_543 : i32
      %add3A_545 = arith.constant 5 : i32
      %add3A_546 = arith.addi %mul3A_544, %add3A_545 : i32
      %get3A_547 = arith.index_cast %add3A_546 : i32 to index
      %get3A_548 = arith.constant 0 : index
      %get3A_549 = tpu.vector_load %arg9[%get3A_547, %get3A_548] {strides = array<i32>} : memref<256x128xf32, #tpu.memory_space<vmem>>, vector<16xf32>,
      %get3A_550 = arith.index_cast %add3A_546 : i32 to index
      %get3A_551 = arith.constant 0 : index
      %get3A_552 = tpu.vector_load %arg10[%get3A_550, %get3A_551] {strides = array<i32>} : memref<256x128xf32, #tpu.memory_space<vmem>>, vector<16xf32>,
      %mul3A_553 = arith.mulf %get3A_549, %get3A_552 : vector<16xf32>
      %get3A_554 = arith.index_cast %add3A_546 : i32 to index
      %get3A_555 = arith.constant 16 : index
      %get3A_556 = tpu.vector_load %arg9[%get3A_554, %get3A_555] {strides = array<i32>} : memref<256x128xf32, #tpu.memory_space<vmem>>, vector<16xf32>,
      %get3A_557 = arith.index_cast %add3A_546 : i32 to index
      %get3A_558 = arith.constant 16 : index
      %get3A_559 = tpu.vector_load %arg10[%get3A_557, %get3A_558] {strides = array<i32>} : memref<256x128xf32, #tpu.memory_space<vmem>>, vector<16xf32>,
      %mul3A_560 = arith.mulf %get3A_556, %get3A_559 : vector<16xf32>
      %add3A_561 = arith.addf %mul3A_553, %mul3A_560 : vector<16xf32>
      %get3A_562 = arith.index_cast %add3A_546 : i32 to index
      %get3A_563 = arith.constant 32 : index
      %get3A_564 = tpu.vector_load %arg9[%get3A_562, %get3A_563] {strides = array<i32>} : memref<256x128xf32, #tpu.memory_space<vmem>>, vector<16xf32>,
      %get3A_565 = arith.index_cast %add3A_546 : i32 to index
      %get3A_566 = arith.constant 32 : index
      %get3A_567 = tpu.vector_load %arg10[%get3A_565, %get3A_566] {strides = array<i32>} : memref<256x128xf32, #tpu.memory_space<vmem>>, vector<16xf32>,
      %mul3A_568 = arith.mulf %get3A_564, %get3A_567 : vector<16xf32>
      %add3A_569 = arith.addf %add3A_561, %mul3A_568 : vector<16xf32>
      %get3A_570 = arith.index_cast %add3A_546 : i32 to index
      %get3A_571 = arith.constant 48 : index
      %get3A_572 = tpu.vector_load %arg9[%get3A_570, %get3A_571] {strides = array<i32>} : memref<256x128xf32, #tpu.memory_space<vmem>>, vector<16xf32>,
      %get3A_573 = arith.index_cast %add3A_546 : i32 to index
      %get3A_574 = arith.constant 48 : index
      %get3A_575 = tpu.vector_load %arg10[%get3A_573, %get3A_574] {strides = array<i32>} : memref<256x128xf32, #tpu.memory_space<vmem>>, vector<16xf32>,
      %mul3A_576 = arith.mulf %get3A_572, %get3A_575 : vector<16xf32>
      %add3A_577 = arith.addf %add3A_569, %mul3A_576 : vector<16xf32>
      %cumsum3A_578 = arith.constant true
      %cumsum3A_579 = vector.broadcast %cumsum3A_578 : i1 to vector<16xi1>
      %cumsum3A_580 = tpu.scan <sum>, %add3A_577 masked %cumsum3A_579 : vector<16xf32>, vector<16xi1> -> vector<16xf32>
      %lt3A_581 = arith.constant 0 : i32
      %lt3A_582 = vector.broadcast %lt3A_581 : i32 to vector<16xi32>
      %lt3A_583 = arith.cmpi slt, %broadcast_in_dim3A_19, %lt3A_582 : vector<16xi32>
      %add3A_584 = arith.constant 16 : i32
      %add3A_585 = vector.broadcast %add3A_584 : i32 to vector<16xi32>
      %add3A_586 = arith.addi %broadcast_in_dim3A_19, %add3A_585 : vector<16xi32>
      %select_n3A_587 = arith.select %lt3A_583, %add3A_586, %broadcast_in_dim3A_19 : vector<16xi1>, vector<16xi32>
      %broadcast_in_dim3A_588 = vector.shape_cast %select_n3A_587 : vector<16xi32> to vector<16x1xi32>
      %gather3A_589 = vector.shape_cast %broadcast_in_dim3A_588 : vector<16x1xi32> to vector<16xi32>
      %gather3A_590 = tpu.dynamic_gather %cumsum3A_580[%gather3A_589] in [0] : vector<16xf32>, vector<16xi32> -> vector<16xf32>
      %eq3A_591 = arith.constant 10 : i32
      %eq3A_592 = vector.broadcast %eq3A_591 : i32 to vector<16xi32>
      %eq3A_593 = arith.cmpi eq, %iota3A, %eq3A_592 : vector<16xi32>
      %select_n3A_594 = arith.select %eq3A_593, %gather3A_590, %select_n3A_542 : vector<16xi1>, vector<16xf32>
      %mul3A_595 = arith.constant 8 : i32
      %mul3A_596 = arith.muli %scan3A_26, %mul3A_595 : i32
      %add3A_597 = arith.constant 5 : i32
      %add3A_598 = arith.addi %mul3A_596, %add3A_597 : i32
      %get3A_599 = arith.index_cast %add3A_598 : i32 to index
      %get3A_600 = arith.constant 64 : index
      %get3A_601 = tpu.vector_load %arg9[%get3A_599, %get3A_600] {strides = array<i32>} : memref<256x128xf32, #tpu.memory_space<vmem>>, vector<16xf32>,
      %get3A_602 = arith.index_cast %add3A_598 : i32 to index
      %get3A_603 = arith.constant 64 : index
      %get3A_604 = tpu.vector_load %arg10[%get3A_602, %get3A_603] {strides = array<i32>} : memref<256x128xf32, #tpu.memory_space<vmem>>, vector<16xf32>,
      %mul3A_605 = arith.mulf %get3A_601, %get3A_604 : vector<16xf32>
      %get3A_606 = arith.index_cast %add3A_598 : i32 to index
      %get3A_607 = arith.constant 80 : index
      %get3A_608 = tpu.vector_load %arg9[%get3A_606, %get3A_607] {strides = array<i32>} : memref<256x128xf32, #tpu.memory_space<vmem>>, vector<16xf32>,
      %get3A_609 = arith.index_cast %add3A_598 : i32 to index
      %get3A_610 = arith.constant 80 : index
      %get3A_611 = tpu.vector_load %arg10[%get3A_609, %get3A_610] {strides = array<i32>} : memref<256x128xf32, #tpu.memory_space<vmem>>, vector<16xf32>,
      %mul3A_612 = arith.mulf %get3A_608, %get3A_611 : vector<16xf32>
      %add3A_613 = arith.addf %mul3A_605, %mul3A_612 : vector<16xf32>
      %get3A_614 = arith.index_cast %add3A_598 : i32 to index
      %get3A_615 = arith.constant 96 : index
      %get3A_616 = tpu.vector_load %arg9[%get3A_614, %get3A_615] {strides = array<i32>} : memref<256x128xf32, #tpu.memory_space<vmem>>, vector<16xf32>,
      %get3A_617 = arith.index_cast %add3A_598 : i32 to index
      %get3A_618 = arith.constant 96 : index
      %get3A_619 = tpu.vector_load %arg10[%get3A_617, %get3A_618] {strides = array<i32>} : memref<256x128xf32, #tpu.memory_space<vmem>>, vector<16xf32>,
      %mul3A_620 = arith.mulf %get3A_616, %get3A_619 : vector<16xf32>
      %add3A_621 = arith.addf %add3A_613, %mul3A_620 : vector<16xf32>
      %get3A_622 = arith.index_cast %add3A_598 : i32 to index
      %get3A_623 = arith.constant 112 : index
      %get3A_624 = tpu.vector_load %arg9[%get3A_622, %get3A_623] {strides = array<i32>} : memref<256x128xf32, #tpu.memory_space<vmem>>, vector<16xf32>,
      %get3A_625 = arith.index_cast %add3A_598 : i32 to index
      %get3A_626 = arith.constant 112 : index
      %get3A_627 = tpu.vector_load %arg10[%get3A_625, %get3A_626] {strides = array<i32>} : memref<256x128xf32, #tpu.memory_space<vmem>>, vector<16xf32>,
      %mul3A_628 = arith.mulf %get3A_624, %get3A_627 : vector<16xf32>
      %add3A_629 = arith.addf %add3A_621, %mul3A_628 : vector<16xf32>
      %cumsum3A_630 = arith.constant true
      %cumsum3A_631 = vector.broadcast %cumsum3A_630 : i1 to vector<16xi1>
      %cumsum3A_632 = tpu.scan <sum>, %add3A_629 masked %cumsum3A_631 : vector<16xf32>, vector<16xi1> -> vector<16xf32>
      %lt3A_633 = arith.constant 0 : i32
      %lt3A_634 = vector.broadcast %lt3A_633 : i32 to vector<16xi32>
      %lt3A_635 = arith.cmpi slt, %broadcast_in_dim3A_19, %lt3A_634 : vector<16xi32>
      %add3A_636 = arith.constant 16 : i32
      %add3A_637 = vector.broadcast %add3A_636 : i32 to vector<16xi32>
      %add3A_638 = arith.addi %broadcast_in_dim3A_19, %add3A_637 : vector<16xi32>
      %select_n3A_639 = arith.select %lt3A_635, %add3A_638, %broadcast_in_dim3A_19 : vector<16xi1>, vector<16xi32>
      %broadcast_in_dim3A_640 = vector.shape_cast %select_n3A_639 : vector<16xi32> to vector<16x1xi32>
      %gather3A_641 = vector.shape_cast %broadcast_in_dim3A_640 : vector<16x1xi32> to vector<16xi32>
      %gather3A_642 = tpu.dynamic_gather %cumsum3A_632[%gather3A_641] in [0] : vector<16xf32>, vector<16xi32> -> vector<16xf32>
      %eq3A_643 = arith.constant 11 : i32
      %eq3A_644 = vector.broadcast %eq3A_643 : i32 to vector<16xi32>
      %eq3A_645 = arith.cmpi eq, %iota3A, %eq3A_644 : vector<16xi32>
      %select_n3A_646 = arith.select %eq3A_645, %gather3A_642, %select_n3A_594 : vector<16xi1>, vector<16xf32>
      %mul3A_647 = arith.constant 8 : i32
      %mul3A_648 = arith.muli %scan3A_26, %mul3A_647 : i32
      %add3A_649 = arith.constant 6 : i32
      %add3A_650 = arith.addi %mul3A_648, %add3A_649 : i32
      %get3A_651 = arith.index_cast %add3A_650 : i32 to index
      %get3A_652 = arith.constant 0 : index
      %get3A_653 = tpu.vector_load %arg9[%get3A_651, %get3A_652] {strides = array<i32>} : memref<256x128xf32, #tpu.memory_space<vmem>>, vector<16xf32>,
      %get3A_654 = arith.index_cast %add3A_650 : i32 to index
      %get3A_655 = arith.constant 0 : index
      %get3A_656 = tpu.vector_load %arg10[%get3A_654, %get3A_655] {strides = array<i32>} : memref<256x128xf32, #tpu.memory_space<vmem>>, vector<16xf32>,
      %mul3A_657 = arith.mulf %get3A_653, %get3A_656 : vector<16xf32>
      %get3A_658 = arith.index_cast %add3A_650 : i32 to index
      %get3A_659 = arith.constant 16 : index
      %get3A_660 = tpu.vector_load %arg9[%get3A_658, %get3A_659] {strides = array<i32>} : memref<256x128xf32, #tpu.memory_space<vmem>>, vector<16xf32>,
      %get3A_661 = arith.index_cast %add3A_650 : i32 to index
      %get3A_662 = arith.constant 16 : index
      %get3A_663 = tpu.vector_load %arg10[%get3A_661, %get3A_662] {strides = array<i32>} : memref<256x128xf32, #tpu.memory_space<vmem>>, vector<16xf32>,
      %mul3A_664 = arith.mulf %get3A_660, %get3A_663 : vector<16xf32>
      %add3A_665 = arith.addf %mul3A_657, %mul3A_664 : vector<16xf32>
      %get3A_666 = arith.index_cast %add3A_650 : i32 to index
      %get3A_667 = arith.constant 32 : index
      %get3A_668 = tpu.vector_load %arg9[%get3A_666, %get3A_667] {strides = array<i32>} : memref<256x128xf32, #tpu.memory_space<vmem>>, vector<16xf32>,
      %get3A_669 = arith.index_cast %add3A_650 : i32 to index
      %get3A_670 = arith.constant 32 : index
      %get3A_671 = tpu.vector_load %arg10[%get3A_669, %get3A_670] {strides = array<i32>} : memref<256x128xf32, #tpu.memory_space<vmem>>, vector<16xf32>,
      %mul3A_672 = arith.mulf %get3A_668, %get3A_671 : vector<16xf32>
      %add3A_673 = arith.addf %add3A_665, %mul3A_672 : vector<16xf32>
      %get3A_674 = arith.index_cast %add3A_650 : i32 to index
      %get3A_675 = arith.constant 48 : index
      %get3A_676 = tpu.vector_load %arg9[%get3A_674, %get3A_675] {strides = array<i32>} : memref<256x128xf32, #tpu.memory_space<vmem>>, vector<16xf32>,
      %get3A_677 = arith.index_cast %add3A_650 : i32 to index
      %get3A_678 = arith.constant 48 : index
      %get3A_679 = tpu.vector_load %arg10[%get3A_677, %get3A_678] {strides = array<i32>} : memref<256x128xf32, #tpu.memory_space<vmem>>, vector<16xf32>,
      %mul3A_680 = arith.mulf %get3A_676, %get3A_679 : vector<16xf32>
      %add3A_681 = arith.addf %add3A_673, %mul3A_680 : vector<16xf32>
      %cumsum3A_682 = arith.constant true
      %cumsum3A_683 = vector.broadcast %cumsum3A_682 : i1 to vector<16xi1>
      %cumsum3A_684 = tpu.scan <sum>, %add3A_681 masked %cumsum3A_683 : vector<16xf32>, vector<16xi1> -> vector<16xf32>
      %lt3A_685 = arith.constant 0 : i32
      %lt3A_686 = vector.broadcast %lt3A_685 : i32 to vector<16xi32>
      %lt3A_687 = arith.cmpi slt, %broadcast_in_dim3A_19, %lt3A_686 : vector<16xi32>
      %add3A_688 = arith.constant 16 : i32
      %add3A_689 = vector.broadcast %add3A_688 : i32 to vector<16xi32>
      %add3A_690 = arith.addi %broadcast_in_dim3A_19, %add3A_689 : vector<16xi32>
      %select_n3A_691 = arith.select %lt3A_687, %add3A_690, %broadcast_in_dim3A_19 : vector<16xi1>, vector<16xi32>
      %broadcast_in_dim3A_692 = vector.shape_cast %select_n3A_691 : vector<16xi32> to vector<16x1xi32>
      %gather3A_693 = vector.shape_cast %broadcast_in_dim3A_692 : vector<16x1xi32> to vector<16xi32>
      %gather3A_694 = tpu.dynamic_gather %cumsum3A_684[%gather3A_693] in [0] : vector<16xf32>, vector<16xi32> -> vector<16xf32>
      %eq3A_695 = arith.constant 12 : i32
      %eq3A_696 = vector.broadcast %eq3A_695 : i32 to vector<16xi32>
      %eq3A_697 = arith.cmpi eq, %iota3A, %eq3A_696 : vector<16xi32>
      %select_n3A_698 = arith.select %eq3A_697, %gather3A_694, %select_n3A_646 : vector<16xi1>, vector<16xf32>
      %mul3A_699 = arith.constant 8 : i32
      %mul3A_700 = arith.muli %scan3A_26, %mul3A_699 : i32
      %add3A_701 = arith.constant 6 : i32
      %add3A_702 = arith.addi %mul3A_700, %add3A_701 : i32
      %get3A_703 = arith.index_cast %add3A_702 : i32 to index
      %get3A_704 = arith.constant 64 : index
      %get3A_705 = tpu.vector_load %arg9[%get3A_703, %get3A_704] {strides = array<i32>} : memref<256x128xf32, #tpu.memory_space<vmem>>, vector<16xf32>,
      %get3A_706 = arith.index_cast %add3A_702 : i32 to index
      %get3A_707 = arith.constant 64 : index
      %get3A_708 = tpu.vector_load %arg10[%get3A_706, %get3A_707] {strides = array<i32>} : memref<256x128xf32, #tpu.memory_space<vmem>>, vector<16xf32>,
      %mul3A_709 = arith.mulf %get3A_705, %get3A_708 : vector<16xf32>
      %get3A_710 = arith.index_cast %add3A_702 : i32 to index
      %get3A_711 = arith.constant 80 : index
      %get3A_712 = tpu.vector_load %arg9[%get3A_710, %get3A_711] {strides = array<i32>} : memref<256x128xf32, #tpu.memory_space<vmem>>, vector<16xf32>,
      %get3A_713 = arith.index_cast %add3A_702 : i32 to index
      %get3A_714 = arith.constant 80 : index
      %get3A_715 = tpu.vector_load %arg10[%get3A_713, %get3A_714] {strides = array<i32>} : memref<256x128xf32, #tpu.memory_space<vmem>>, vector<16xf32>,
      %mul3A_716 = arith.mulf %get3A_712, %get3A_715 : vector<16xf32>
      %add3A_717 = arith.addf %mul3A_709, %mul3A_716 : vector<16xf32>
      %get3A_718 = arith.index_cast %add3A_702 : i32 to index
      %get3A_719 = arith.constant 96 : index
      %get3A_720 = tpu.vector_load %arg9[%get3A_718, %get3A_719] {strides = array<i32>} : memref<256x128xf32, #tpu.memory_space<vmem>>, vector<16xf32>,
      %get3A_721 = arith.index_cast %add3A_702 : i32 to index
      %get3A_722 = arith.constant 96 : index
      %get3A_723 = tpu.vector_load %arg10[%get3A_721, %get3A_722] {strides = array<i32>} : memref<256x128xf32, #tpu.memory_space<vmem>>, vector<16xf32>,
      %mul3A_724 = arith.mulf %get3A_720, %get3A_723 : vector<16xf32>
      %add3A_725 = arith.addf %add3A_717, %mul3A_724 : vector<16xf32>
      %get3A_726 = arith.index_cast %add3A_702 : i32 to index
      %get3A_727 = arith.constant 112 : index
      %get3A_728 = tpu.vector_load %arg9[%get3A_726, %get3A_727] {strides = array<i32>} : memref<256x128xf32, #tpu.memory_space<vmem>>, vector<16xf32>,
      %get3A_729 = arith.index_cast %add3A_702 : i32 to index
      %get3A_730 = arith.constant 112 : index
      %get3A_731 = tpu.vector_load %arg10[%get3A_729, %get3A_730] {strides = array<i32>} : memref<256x128xf32, #tpu.memory_space<vmem>>, vector<16xf32>,
      %mul3A_732 = arith.mulf %get3A_728, %get3A_731 : vector<16xf32>
      %add3A_733 = arith.addf %add3A_725, %mul3A_732 : vector<16xf32>
      %cumsum3A_734 = arith.constant true
      %cumsum3A_735 = vector.broadcast %cumsum3A_734 : i1 to vector<16xi1>
      %cumsum3A_736 = tpu.scan <sum>, %add3A_733 masked %cumsum3A_735 : vector<16xf32>, vector<16xi1> -> vector<16xf32>
      %lt3A_737 = arith.constant 0 : i32
      %lt3A_738 = vector.broadcast %lt3A_737 : i32 to vector<16xi32>
      %lt3A_739 = arith.cmpi slt, %broadcast_in_dim3A_19, %lt3A_738 : vector<16xi32>
      %add3A_740 = arith.constant 16 : i32
      %add3A_741 = vector.broadcast %add3A_740 : i32 to vector<16xi32>
      %add3A_742 = arith.addi %broadcast_in_dim3A_19, %add3A_741 : vector<16xi32>
      %select_n3A_743 = arith.select %lt3A_739, %add3A_742, %broadcast_in_dim3A_19 : vector<16xi1>, vector<16xi32>
      %broadcast_in_dim3A_744 = vector.shape_cast %select_n3A_743 : vector<16xi32> to vector<16x1xi32>
      %gather3A_745 = vector.shape_cast %broadcast_in_dim3A_744 : vector<16x1xi32> to vector<16xi32>
      %gather3A_746 = tpu.dynamic_gather %cumsum3A_736[%gather3A_745] in [0] : vector<16xf32>, vector<16xi32> -> vector<16xf32>
      %eq3A_747 = arith.constant 13 : i32
      %eq3A_748 = vector.broadcast %eq3A_747 : i32 to vector<16xi32>
      %eq3A_749 = arith.cmpi eq, %iota3A, %eq3A_748 : vector<16xi32>
      %select_n3A_750 = arith.select %eq3A_749, %gather3A_746, %select_n3A_698 : vector<16xi1>, vector<16xf32>
      %mul3A_751 = arith.constant 8 : i32
      %mul3A_752 = arith.muli %scan3A_26, %mul3A_751 : i32
      %add3A_753 = arith.constant 7 : i32
      %add3A_754 = arith.addi %mul3A_752, %add3A_753 : i32
      %get3A_755 = arith.index_cast %add3A_754 : i32 to index
      %get3A_756 = arith.constant 0 : index
      %get3A_757 = tpu.vector_load %arg9[%get3A_755, %get3A_756] {strides = array<i32>} : memref<256x128xf32, #tpu.memory_space<vmem>>, vector<16xf32>,
      %get3A_758 = arith.index_cast %add3A_754 : i32 to index
      %get3A_759 = arith.constant 0 : index
      %get3A_760 = tpu.vector_load %arg10[%get3A_758, %get3A_759] {strides = array<i32>} : memref<256x128xf32, #tpu.memory_space<vmem>>, vector<16xf32>,
      %mul3A_761 = arith.mulf %get3A_757, %get3A_760 : vector<16xf32>
      %get3A_762 = arith.index_cast %add3A_754 : i32 to index
      %get3A_763 = arith.constant 16 : index
      %get3A_764 = tpu.vector_load %arg9[%get3A_762, %get3A_763] {strides = array<i32>} : memref<256x128xf32, #tpu.memory_space<vmem>>, vector<16xf32>,
      %get3A_765 = arith.index_cast %add3A_754 : i32 to index
      %get3A_766 = arith.constant 16 : index
      %get3A_767 = tpu.vector_load %arg10[%get3A_765, %get3A_766] {strides = array<i32>} : memref<256x128xf32, #tpu.memory_space<vmem>>, vector<16xf32>,
      %mul3A_768 = arith.mulf %get3A_764, %get3A_767 : vector<16xf32>
      %add3A_769 = arith.addf %mul3A_761, %mul3A_768 : vector<16xf32>
      %get3A_770 = arith.index_cast %add3A_754 : i32 to index
      %get3A_771 = arith.constant 32 : index
      %get3A_772 = tpu.vector_load %arg9[%get3A_770, %get3A_771] {strides = array<i32>} : memref<256x128xf32, #tpu.memory_space<vmem>>, vector<16xf32>,
      %get3A_773 = arith.index_cast %add3A_754 : i32 to index
      %get3A_774 = arith.constant 32 : index
      %get3A_775 = tpu.vector_load %arg10[%get3A_773, %get3A_774] {strides = array<i32>} : memref<256x128xf32, #tpu.memory_space<vmem>>, vector<16xf32>,
      %mul3A_776 = arith.mulf %get3A_772, %get3A_775 : vector<16xf32>
      %add3A_777 = arith.addf %add3A_769, %mul3A_776 : vector<16xf32>
      %get3A_778 = arith.index_cast %add3A_754 : i32 to index
      %get3A_779 = arith.constant 48 : index
      %get3A_780 = tpu.vector_load %arg9[%get3A_778, %get3A_779] {strides = array<i32>} : memref<256x128xf32, #tpu.memory_space<vmem>>, vector<16xf32>,
      %get3A_781 = arith.index_cast %add3A_754 : i32 to index
      %get3A_782 = arith.constant 48 : index
      %get3A_783 = tpu.vector_load %arg10[%get3A_781, %get3A_782] {strides = array<i32>} : memref<256x128xf32, #tpu.memory_space<vmem>>, vector<16xf32>,
      %mul3A_784 = arith.mulf %get3A_780, %get3A_783 : vector<16xf32>
      %add3A_785 = arith.addf %add3A_777, %mul3A_784 : vector<16xf32>
      %cumsum3A_786 = arith.constant true
      %cumsum3A_787 = vector.broadcast %cumsum3A_786 : i1 to vector<16xi1>
      %cumsum3A_788 = tpu.scan <sum>, %add3A_785 masked %cumsum3A_787 : vector<16xf32>, vector<16xi1> -> vector<16xf32>
      %lt3A_789 = arith.constant 0 : i32
      %lt3A_790 = vector.broadcast %lt3A_789 : i32 to vector<16xi32>
      %lt3A_791 = arith.cmpi slt, %broadcast_in_dim3A_19, %lt3A_790 : vector<16xi32>
      %add3A_792 = arith.constant 16 : i32
      %add3A_793 = vector.broadcast %add3A_792 : i32 to vector<16xi32>
      %add3A_794 = arith.addi %broadcast_in_dim3A_19, %add3A_793 : vector<16xi32>
      %select_n3A_795 = arith.select %lt3A_791, %add3A_794, %broadcast_in_dim3A_19 : vector<16xi1>, vector<16xi32>
      %broadcast_in_dim3A_796 = vector.shape_cast %select_n3A_795 : vector<16xi32> to vector<16x1xi32>
      %gather3A_797 = vector.shape_cast %broadcast_in_dim3A_796 : vector<16x1xi32> to vector<16xi32>
      %gather3A_798 = tpu.dynamic_gather %cumsum3A_788[%gather3A_797] in [0] : vector<16xf32>, vector<16xi32> -> vector<16xf32>
      %eq3A_799 = arith.constant 14 : i32
      %eq3A_800 = vector.broadcast %eq3A_799 : i32 to vector<16xi32>
      %eq3A_801 = arith.cmpi eq, %iota3A, %eq3A_800 : vector<16xi32>
      %select_n3A_802 = arith.select %eq3A_801, %gather3A_798, %select_n3A_750 : vector<16xi1>, vector<16xf32>
      %mul3A_803 = arith.constant 8 : i32
      %mul3A_804 = arith.muli %scan3A_26, %mul3A_803 : i32
      %add3A_805 = arith.constant 7 : i32
      %add3A_806 = arith.addi %mul3A_804, %add3A_805 : i32
      %get3A_807 = arith.index_cast %add3A_806 : i32 to index
      %get3A_808 = arith.constant 64 : index
      %get3A_809 = tpu.vector_load %arg9[%get3A_807, %get3A_808] {strides = array<i32>} : memref<256x128xf32, #tpu.memory_space<vmem>>, vector<16xf32>,
      %get3A_810 = arith.index_cast %add3A_806 : i32 to index
      %get3A_811 = arith.constant 64 : index
      %get3A_812 = tpu.vector_load %arg10[%get3A_810, %get3A_811] {strides = array<i32>} : memref<256x128xf32, #tpu.memory_space<vmem>>, vector<16xf32>,
      %mul3A_813 = arith.mulf %get3A_809, %get3A_812 : vector<16xf32>
      %get3A_814 = arith.index_cast %add3A_806 : i32 to index
      %get3A_815 = arith.constant 80 : index
      %get3A_816 = tpu.vector_load %arg9[%get3A_814, %get3A_815] {strides = array<i32>} : memref<256x128xf32, #tpu.memory_space<vmem>>, vector<16xf32>,
      %get3A_817 = arith.index_cast %add3A_806 : i32 to index
      %get3A_818 = arith.constant 80 : index
      %get3A_819 = tpu.vector_load %arg10[%get3A_817, %get3A_818] {strides = array<i32>} : memref<256x128xf32, #tpu.memory_space<vmem>>, vector<16xf32>,
      %mul3A_820 = arith.mulf %get3A_816, %get3A_819 : vector<16xf32>
      %add3A_821 = arith.addf %mul3A_813, %mul3A_820 : vector<16xf32>
      %get3A_822 = arith.index_cast %add3A_806 : i32 to index
      %get3A_823 = arith.constant 96 : index
      %get3A_824 = tpu.vector_load %arg9[%get3A_822, %get3A_823] {strides = array<i32>} : memref<256x128xf32, #tpu.memory_space<vmem>>, vector<16xf32>,
      %get3A_825 = arith.index_cast %add3A_806 : i32 to index
      %get3A_826 = arith.constant 96 : index
      %get3A_827 = tpu.vector_load %arg10[%get3A_825, %get3A_826] {strides = array<i32>} : memref<256x128xf32, #tpu.memory_space<vmem>>, vector<16xf32>,
      %mul3A_828 = arith.mulf %get3A_824, %get3A_827 : vector<16xf32>
      %add3A_829 = arith.addf %add3A_821, %mul3A_828 : vector<16xf32>
      %get3A_830 = arith.index_cast %add3A_806 : i32 to index
      %get3A_831 = arith.constant 112 : index
      %get3A_832 = tpu.vector_load %arg9[%get3A_830, %get3A_831] {strides = array<i32>} : memref<256x128xf32, #tpu.memory_space<vmem>>, vector<16xf32>,
      %get3A_833 = arith.index_cast %add3A_806 : i32 to index
      %get3A_834 = arith.constant 112 : index
      %get3A_835 = tpu.vector_load %arg10[%get3A_833, %get3A_834] {strides = array<i32>} : memref<256x128xf32, #tpu.memory_space<vmem>>, vector<16xf32>,
      %mul3A_836 = arith.mulf %get3A_832, %get3A_835 : vector<16xf32>
      %add3A_837 = arith.addf %add3A_829, %mul3A_836 : vector<16xf32>
      %cumsum3A_838 = arith.constant true
      %cumsum3A_839 = vector.broadcast %cumsum3A_838 : i1 to vector<16xi1>
      %cumsum3A_840 = tpu.scan <sum>, %add3A_837 masked %cumsum3A_839 : vector<16xf32>, vector<16xi1> -> vector<16xf32>
      %lt3A_841 = arith.constant 0 : i32
      %lt3A_842 = vector.broadcast %lt3A_841 : i32 to vector<16xi32>
      %lt3A_843 = arith.cmpi slt, %broadcast_in_dim3A_19, %lt3A_842 : vector<16xi32>
      %add3A_844 = arith.constant 16 : i32
      %add3A_845 = vector.broadcast %add3A_844 : i32 to vector<16xi32>
      %add3A_846 = arith.addi %broadcast_in_dim3A_19, %add3A_845 : vector<16xi32>
      %select_n3A_847 = arith.select %lt3A_843, %add3A_846, %broadcast_in_dim3A_19 : vector<16xi1>, vector<16xi32>
      %broadcast_in_dim3A_848 = vector.shape_cast %select_n3A_847 : vector<16xi32> to vector<16x1xi32>
      %gather3A_849 = vector.shape_cast %broadcast_in_dim3A_848 : vector<16x1xi32> to vector<16xi32>
      %gather3A_850 = tpu.dynamic_gather %cumsum3A_840[%gather3A_849] in [0] : vector<16xf32>, vector<16xi32> -> vector<16xf32>
      %eq3A_851 = arith.constant 15 : i32
      %eq3A_852 = vector.broadcast %eq3A_851 : i32 to vector<16xi32>
      %eq3A_853 = arith.cmpi eq, %iota3A, %eq3A_852 : vector<16xi32>
      %select_n3A_854 = arith.select %eq3A_853, %gather3A_850, %select_n3A_802 : vector<16xi1>, vector<16xf32>
      %mul3A_855 = arith.constant 16 : i32
      %mul3A_856 = arith.muli %scan3A_26, %mul3A_855 : i32
      %swap3A = arith.index_cast %mul3A_856 : i32 to index
      %swap3A_857 = tpu.vector_load %arg11[%swap3A] {strides = array<i32>} : memref<512xf32, #tpu.memory_space<vmem>>, vector<16xf32>,
      tpu.vector_store %arg11[%swap3A], %select_n3A_854 {strides = array<i32>} : memref<512xf32, #tpu.memory_space<vmem>>, vector<16xf32>,
    }
    %scan3A_25 = arith.constant 32 : i32
    "tpu.region"() ({
      %run_scoped3A = tpu.sem_alloc : memref<!tpu.dma_semaphore, #tpu.memory_space<semaphore_mem>>
      %dma_start3A = tpu.memref_slice %arg6[%mul3A_2] : memref<16384xf32, #tpu.memory_space<hbm>> -> memref<512xf32, #tpu.memory_space<hbm>>
      %dma_start3A_26 = tpu.memref_slice %arg6[%mul3A_2] : memref<16384xf32, #tpu.memory_space<hbm>> -> memref<512xf32, #tpu.memory_space<hbm>>
      tpu.enqueue_dma source(%arg11 : memref<512xf32, #tpu.memory_space<vmem>>) target(%dma_start3A_26 : memref<512xf32, #tpu.memory_space<hbm>>) target_semaphore(%run_scoped3A : memref<!tpu.dma_semaphore, #tpu.memory_space<semaphore_mem>>)
      %dma_wait3A_27 = tpu.memref_slice %arg6[%mul3A_2] : memref<16384xf32, #tpu.memory_space<hbm>> -> memref<512xf32, #tpu.memory_space<hbm>>
      %dma_wait3A_28 = tpu.memref_slice %arg6[%mul3A_2] : memref<16384xf32, #tpu.memory_space<hbm>> -> memref<512xf32, #tpu.memory_space<hbm>>
      tpu.wait_dma2 semaphore(%run_scoped3A : memref<!tpu.dma_semaphore, #tpu.memory_space<semaphore_mem>>) src(%arg11 : memref<512xf32, #tpu.memory_space<vmem>>) dst(%dma_wait3A_28 : memref<512xf32, #tpu.memory_space<hbm>>)
      tpu.yield
    }) : () -> ()
    return
  }
}

</mosaic_0001>

<sc_bundles>
// kernel: kernel.3.cloned.1.call-start
scs
__scs_entry_jumppad:
0x0: {  	(pc) =	sbr.rel $0x88, $3  }
0x1: {  	(tag) =	ssettag $0x0;
	lr =	simm.s32 $0x1  }
0x2: {  	[smem:$0x3F9D] =	sst lr;
	_ =	strace $0xD0000000  }
0x3: {  	_ = 	snop  }
0x4: {  	_ = 	snop  }
0x5: {  	_ = 	snop  }
0x6: {  	_ = 	snop  }
0x7: {  	_ = 	snop  }
__scs_overlays_trampoline_lowered:
0x8: {  	[smem:$0x3FAC] =	sst s0  }
0x9: {  	[smem:$0x3FAD] =	sst s1  }
0xa: {  	[smem:$0x3FAE] =	sst s2  }
0xb: {  	[smem:$0x3FAF] =	sst s3  }
0xc: {  	[smem:$0x3FB0] =	sst s4  }
0xd: {  	[smem:$0x3FB1] =	sst s5  }
0xe: {  	[smem:$0x3FB2] =	sst s6  }
0xf: {  	[smem:$0x3FB3] =	sst s7  }
0x10: {  	[smem:$0x3FB4] =	sst s8  }
0x11: {  	[smem:$0x3FB5] =	sst s9;
	s0 =	simm.s32 @!p0 $0x0  }
0x12: {  	s1 =	sld [smem:$0x3F9B];
	s0 =	simm.s32 @p0 $0x1  }
0x13: {  	[smem:$0x3FB6] =	sst s0;
	s0 =	simm.s32 @!p1 $0x0  }
0x14: {  	s2 =	sld [smem:$0x3F9A];
	s0 =	simm.s32 @p1 $0x1  }
0x15: {  	[smem:$0x3FB7] =	sst s0;
	s0 =	simm.s32 @!p2 $0x0  }
0x16: {  	s3 =	sld [smem:$0x3FDB];
	s0 =	simm.s32 @p2 $0x1  }
0x17: {  	s4 =	simm.s32 $0x1BF5;
	[smem:$0x3FB9] =	sst s0  }
0x18: {  	s0 =	sld [smem:$0x3F9C];
	_ =	swait.ge [sflag:s4], $0x0  }
0x19: {  	s7 =	sld [smem:$0x3F9D]  }
0x1a: {  	s8 =	sadd.s32 $0xFFFFE003, lr  }
0x1b: {  	s9 =	sadd.s32 $0xFFFFFEF7, lr;
	s5 =	simm.s32 $0xFFFFFFFF;
	p2 =	slt.u32 s8, $0xFFFFF086  }
0x1c: {  	p1 =	slt.u32 s9, $0xF7A;
	s5 =	simm.s32 @!p2 $0x0  }
0x1d: {  	s5 =	simm.s32 @p1 $0x1;
	p0 =	seq.s32 s7, s2  }
0x1e: {  	s7 =	smul.u32 @!p0 $0xF7A, s2;
	p2 =	seq.s32 @!p0 s5, $0x0  }
0x1f: {  	s9 =	smul.u32 $0xF7A, s1;
	s8 =	simm.s32 @!p0 $0x1BF5;
	p2 =	por !p2, p0  }
0x20: {  	[sflag:s8] =	ssyncset.s32 @!p0 $0xFFFFF086;
	s6 =	sadd.s32 @!p0 s3, s7;
	s7 =	simm.s32 @!p0 $0x108  }
0x21: {  	s3 =	sadd.s32 s3, s9;
	s6 =	sadd.s32 @!p0 $0x88, s6;
	s7 =	simm.s32 @p2 $0x1082  }
0x22: {  	[simem:s7], [sflag:s8] =	dma.local @!p0 [hbm:s6], $0xF7A  }
0x23: {  	s9 =	sor.u32 $0xD0000000, s2;
	s6 =	simm.s32 $0x108;
	_ =	swait.ge @!p0 [sflag:s8], $0x0  }
0x24: {  	s3 =	sadd.s32 $0x88, s3;
	s6 =	simm.s32 @!p1 $0x1082;
	[sflag:s4] =	ssyncset.s32 $0xFFFFF086  }
0x25: {  	[simem:s6], [sflag:s4] =	dma.local [hbm:s3], $0xF7A  }
0x26: {  	[smem:$0x3F9D] =	sst s1;
	(tag) =	ssettag s2;
	_ =	strace s9  }
0x27: {  	s1 =	sld [smem:$0x3FAD]  }
0x28: {  	s2 =	sld [smem:$0x3FAE]  }
0x29: {  	s4 =	sld [smem:$0x3FB0]  }
0x2a: {  	p0 =	seq.s32 s5, $0x0;
	s5 =	sld [smem:$0x3FB1]  }
0x2b: {  	s6 =	sld [smem:$0x3FB2]  }
0x2c: {  	s7 =	sld [smem:$0x3FB3]  }
0x2d: {  	s3 =	simm.s32 $0x108;
	s8 =	sld [smem:$0x3FB4]  }
0x2e: {  	s3 =	simm.s32 @!p0 $0x1082;
	s9 =	sld [smem:$0x3FB5]  }
0x2f: {  	lr =	sadd.s32 s0, s3;
	s0 =	sld [smem:$0x3FAC]  }
0x30: {  	s3 =	sld [smem:$0x3FAF]  }
0x31: {  	[smem:$0x3FB8] =	sst s10  }
0x32: {  	s10 =	sld [smem:$0x3FB6];
	_ =	sdelay $0x3  }
0x33: {  	p0 =	seq.s32 s10, $0x1;
	s10 =	sld [smem:$0x3FB8];
	_ =	sdelay $0x3  }
0x34: {  	[smem:$0x3FB8] =	sst s10  }
0x35: {  	s10 =	sld [smem:$0x3FB7];
	_ =	sdelay $0x3  }
0x36: {  	p1 =	seq.s32 s10, $0x1;
	s10 =	sld [smem:$0x3FB8];
	_ =	sdelay $0x3  }
0x37: {  	[smem:$0x3FB8] =	sst s10  }
0x38: {  	s10 =	sld [smem:$0x3FB9]  }
0x39: {  	_ = 	snop;
	(pc) =	sbr.ind lr, $3  }
0x3a: {  	_ = 	snop  }
0x3b: {  	_ = 	snop  }
0x3c: {  	p2 =	seq.s32 s10, $0x1;
	s10 =	sld [smem:$0x3FB8]  }
0x3d: {  	_ =	shalt  }
0x3e: {  	_ =	shalt  }
0x3f: {  	_ =	shalt  }
0x40: {  	_ =	shalt  }
0x41: {  	_ =	shalt  }
0x42: {  	_ =	shalt  }
0x43: {  	_ =	shalt  }
0x44: {  	_ =	shalt  }
0x45: {  	_ =	shalt  }
0x46: {  	_ =	shalt  }
0x47: {  	_ =	shalt  }
0x48: {  	_ =	shalt  }
0x49: {  	_ =	shalt  }
0x4a: {  	_ =	shalt  }
0x4b: {  	_ =	shalt  }
0x4c: {  	_ =	shalt  }
0x4d: {  	_ =	shalt  }
0x4e: {  	_ =	shalt  }
0x4f: {  	_ =	shalt  }
0x50: {  	_ =	shalt  }
0x51: {  	_ =	shalt  }
0x52: {  	_ =	shalt  }
0x53: {  	_ =	shalt  }
0x54: {  	_ =	shalt  }
0x55: {  	_ =	shalt  }
0x56: {  	_ =	shalt  }
0x57: {  	_ =	shalt  }
0x58: {  	_ =	shalt  }
0x59: {  	_ =	shalt  }
0x5a: {  	_ =	shalt  }
0x5b: {  	_ =	shalt  }
0x5c: {  	_ =	shalt  }
0x5d: {  	_ =	shalt  }
0x5e: {  	_ =	shalt  }
0x5f: {  	_ =	shalt  }
0x60: {  	_ =	shalt  }
0x61: {  	_ =	shalt  }
0x62: {  	_ =	shalt  }
0x63: {  	_ =	shalt  }
0x64: {  	_ =	shalt  }
0x65: {  	_ =	shalt  }
0x66: {  	_ =	shalt  }
0x67: {  	_ =	shalt  }
0x68: {  	_ =	shalt  }
0x69: {  	_ =	shalt  }
0x6a: {  	_ =	shalt  }
0x6b: {  	_ =	shalt  }
0x6c: {  	_ =	shalt  }
0x6d: {  	_ =	shalt  }
0x6e: {  	_ =	shalt  }
0x6f: {  	_ =	shalt  }
0x70: {  	_ =	shalt  }
0x71: {  	_ =	shalt  }
0x72: {  	_ =	shalt  }
0x73: {  	_ =	shalt  }
0x74: {  	_ =	shalt  }
0x75: {  	_ =	shalt  }
0x76: {  	_ =	shalt  }
0x77: {  	_ =	shalt  }
0x78: {  	_ =	shalt  }
0x79: {  	_ =	shalt  }
0x7a: {  	_ =	shalt  }
0x7b: {  	_ =	shalt  }
0x7c: {  	_ =	shalt  }
0x7d: {  	_ =	shalt  }
0x7e: {  	_ =	shalt  }
0x7f: {  	_ =	shalt  }
0x80: {  	_ =	shalt  }
0x81: {  	_ =	shalt  }
0x82: {  	_ =	shalt  }
0x83: {  	_ =	shalt  }
0x84: {  	_ =	shalt  }
0x85: {  	_ =	shalt  }
0x86: {  	_ =	shalt  }
0x87: {  	_ =	shalt  }
.Lfunc_end0:
.L_simem_size_0:
called_computation_lowered:
.L_overlay_start_0:
0x88: {  	s2 =	sld [smem:$0x3FD9]  }
0x89: {  	s3 =	sld [smem:$0x3FFE];
	_ =	sdelay $0x1  }
0x8a: {  	s1 =	srdreg.scid  }
0x8b: {  	s0 =	sand.u32 $0x1, s1  }
0x8c: {  	s17 =	sshll.u32 s0, $0xA;
	s2 =	sadd.s32 s3, s2  }
0x8d: {  	s2 =	sadd.s32 s2, s17  }
0x8e: {  	[smem:$0x3FC4] =	sst s2  }
0x8f: {  	_ = 	snop  }
0x90: {  	s2 =	sld [smem:$0x3FC9]  }
0x91: {  	s18 =	sld [smem:$0x3FC8]  }
0x92: {  	s4 =	sld [smem:$0x3FD0];
	(tm) =	ssettm $0x1  }
0x93: {  	s5 =	sld [smem:$0x3FFB];
	_ =	sdelay $0x3  }
0x94: {  	_ =	strace s5  }
0x95: {  	s5 =	sld [smem:$0x3FFC];
	_ =	sdelay $0x3  }
0x96: {  	_ =	strace s5  }
0x97: {  	s5 =	sld [smem:$0x3FFD];
	_ =	sdelay $0x3  }
0x98: {  	_ =	strace s5  }
0x99: {  	_ =	strace $0x8FFFFFFF  }
0x9a: {  	s19 =	sld [smem:$0x3FDB];
	_ =	sdelay $0x1  }
0x9b: {  	s6 =	simm.s32 $_scs_section_size  }
0x9c: {  	s7 =	simm.s32 $_size__tile_overlayer_lowered;
	s8 =	simm.s32 $_tile_overlayer_lowered  }
0x9d: {  	s22 =	simm.s32 $0x1BFF;
	s21 =	sshll.u32 s8, $0x1;
	s5 =	sadd.s32 s6, s19  }
0x9e: {  	s9 =	simm.s32 $0x0;
	s20 =	sshll.u32 s7, $0x1;
	s7 =	sadd.s32 s21, s5  }
0x9f: {  	[timem:s9], [sflag:s22] =	dma.local [hbm:s7], s20  }
0xa0: {  	_ =	swait.ge [sflag:s22], s20  }
0xa1: {  	s6 =	ssub.s32 $0x0, s20;
	[sflag:s22] =	ssyncset.done $0x0  }
0xa2: {  	[sflag:s22] =	ssyncadd.s32 s6;
	_ =	sdelay $0x1  }
0xa3: {  	s23 =	simm.s32 $0x1B8B  }
0xa4: {  	_ =	swait.ge [sflag:s23], $0x1  }
0xa5: {  	[sflag:s23] =	ssyncset.done $0x0  }
0xa6: {  	s25 =	simm.s32 $0x1B8E;
	s24 =	sld [smem:$0x3FFE];
	[sflag:s23] =	ssyncadd.s32 $0xFFFFFFFF  }
0xa7: {  	s26 =	simm.s32 $execute0_lowered;
	[smem:$0x3FD2] =	sst s25  }
0xa8: {  	s7 =	sshll.u32 s26, $0x1;
	_ =	strace $0x80000046;
	[dreg:$0x1] =	wrdreg $0xFFFFFFFF  }
0xa9: {  	s28 =	simm.s32 $_size_execute0_lowered;
	s5 =	sadd.s32 s5, s7;
	[dreg:$0x0] =	wrdreg $0x0  }
0xaa: {  	s7 =	sshll.u32 s28, $0x1;
	[dreg:$0x2] =	wrdreg s5  }
0xab: {  	[dreg:$0x3] =	wrdreg s7  }
0xac: {  	[dreg:$0x4] =	wrdreg $0xC0  }
0xad: {  	_ =	task [dreg:s9], $0x5FFFF  }
0xae: {  	[dreg:$0x1] =	wrdreg $0xFFFFFFFF  }
0xaf: {  	[dreg:$0x0] =	wrdreg $0x60  }
0xb0: {  	[dreg:$0x2] =	wrdreg s2  }
0xb1: {  	[dreg:$0x3] =	wrdreg s18  }
0xb2: {  	[dreg:$0x4] =	wrdreg s24  }
0xb3: {  	[dreg:$0x5] =	wrdreg s4  }
0xb4: {  	[dreg:$0x6] =	wrdreg $0x9  }
0xb5: {  	_ =	task.clear_ibuf [dreg:s9], $0x7FFFF;
	_ =	strace $0x90000046  }
0xb6: {  	s29 =	simm.s32 $0x9;
	_ =	strace $0x80000048  }
0xb7: {  	_ =	swait.ge [sflag:s29], $0x1  }
0xb8: {  	[sflag:s29] =	ssyncadd.s32 $0xFFFFFFFF  }
0xb9: {  	_ =	strace $0x90000048  }
0xba: {  	_ =	sfence  }
0xbb: {  	s30 =	sld [smem:$0x0];
	_ =	sdelay $0x2  }
0xbc: {  	s31 =	sshll.u32 s1, $0xD;
	s1 =	sshrl.u32 s1, $0x2  }
0xbd: {  	s3 =	sand.u32 $0x4000, s31;
	s1 =	sadd.s32 s1, s30  }
0xbe: {  	s0 =	sor.u32 s3, s0;
	s1 =	sshll.u32 s1, $0x11  }
0xbf: {  	s0 =	sor.u32 s1, s0  }
0xc0: {  	s0 =	sadd.s32 $0x8F2B, s0  }
0xc1: {  	[sflag:s0] =	ssyncadd.remote.s32 $0x1  }
0xc2: {  	_ =	sfence.sel $0xFFFF  }
0xc3: {  	[dreg:$0x0] =	wrdreg $0xFFFFFFFF;
	(pc) =	sbr.abs _section_cstart, $3  }
0xc4: {  	[dreg:$0x1] =	wrdreg $0xFFFFFFFF  }
0xc5: {  	_ =	task.clear_ibuf [dreg:s9], $0x2FFFF;
	_ =	strace $0x9FFFFFFF  }
0xc6: {  	(tm) =	ssettm $0x7FFFFFFF  }
0xc7: {  	_ =	shalt  }
tec
execute0_lowered:
.L_overlay_start_1:
0x0: {  	(tag) =	ssettag $0x1  }
0x1: {  	s0 =	rddreg [dreg:$0x0]  }
0x2: {  	s2 =	rddreg [dreg:$0x1]  }
0x3: {  	s4 =	rddreg [dreg:$0x2]  }
0x4: {  	s5 =	rddreg [dreg:$0x3];
	s1 =	simm.s32 $0x0  }
0x5: {  	s6 =	srdreg.scid;
	s8 =	stileid.u32;
	s10 =	simm.s32 $0x80  }
0x6: {  	s11 =	simm.s32 $0x400;
	s12 =	simm.s32 $0x1;
	s6 =	sand.u32 $0x1, s6  }
0x7: {  	s8 =	sshll.u32 s8, $0x7;
	s7 =	ssub.s32 $0x2, s6;
	s6 =	sshll.u32 s6, $0x6  }
0x8: {  	s13 =	simm.s32 $0x2;
	[smem:$0x7FF] =	sst s1;
	s8 =	sor.u32 s6, s8  }
0x9: {  	vm0 =	vmmov $0x1;
	vm1 =	vmmov $0x3;
	vm2 =	vmmov $0x7;
	s15 =	simm.s32 $0x0;
	_ =	strace $0x80000047;
	s0 =	sadd.s32 s0, s8  }
0xa: {  	vm3 =	vmmov $0xf;
	vm4 =	vmmov $0x1f;
	vm5 =	vmmov $0x3f;
	s9 =	sshrl.u32 s7, $0x1;
	s29 =	sadd.s32 s2, s8;
	[dreg:$0x5] =	wrdreg s0  }
0xb: {  	vm6 =	vmmov $0x7f;
	vm7 =	vmmov $0xff;
	vm8 =	vmmov $0x1ff;
	s9 =	ssub.s32 s7, s9;
	s30 =	sadd.s32 s5, s8;
	[dreg:$0x6] =	wrdreg s29  }
0xc: {  	vm9 =	vmmov $0x3ff;
	vm10 =	vmmov $0x7ff;
	vm11 =	vmmov $0xfff;
	s3 =	sadd.s32 $0x400, s4;
	[dreg:$0x7] =	wrdreg s30;
	s31 =	smax.u32 s9, $0x1  }
0xd: {  	vm12 =	vmmov $0x1fff;
	vm13 =	vmmov $0x3fff;
	vm14 =	vmmov $0x7fff;
	s4 =	sadd.s32 $0xF42800, s4;
	s9 =	simm.s32 $0x3;
	[dreg:$0x8] =	wrdreg s31  }
.LBB2_1:
0xe: {  	s0 =	rddreg [dreg:$0x5]  }
0xf: {  	[tilespmem:s1], [sflag:$0x3] =	stream.linear.gather [hbm4b:s0+s1], $0x200, $0x38;
	[tilespmem:$0x10600] =	vst v63  }
0x10: {  	_ =	swait.ge [sflag:s9], $0x200  }
0x11: {  	[sflag:s9] =	ssyncset.done $0x0  }
0x12: {  	s16 =	simm.s32 $0x200;
	s23 =	rddreg [dreg:$0x6];
	[sflag:s9] =	ssyncadd.s32 $0xFFFFFE00  }
0x13: {  	[tilespmem:s16], [sflag:$0x3] =	stream.linear.gather [hbm4b:s23+s1], $0x200, $0x38;
	[tilespmem:$0x10600] =	vst v63  }
0x14: {  	_ =	swait.ge [sflag:s9], $0x200  }
0x15: {  	[sflag:s9] =	ssyncset.done $0x0  }
0x16: {  	[sflag:s9] =	ssyncadd.s32 $0xFFFFFE00  }
0x17: {  	v1 =	vld [tilespmem:s1+$0x0];
	_ =	sdelay $0x3  }
0x18: {  	v63 =	vld [tilespmem:s16+$0x0]  }
0x19: {  	v2 =	vshll.u32 v1, $0x4  }
0x1a: {  	(v2sf) =	vpush v2, $0x0  }
0x1b: {  	(v2sf) =	vpush v2, $0x1  }
0x1c: {  	(v2sf) =	vpush v2, $0x2  }
0x1d: {  	v1 =	vshll.u32 v63, $0x4  }
0x1e: {  	(v2sf) =	vpush v1, $0x0;
	_ =	sdelay $0x6  }
0x1f: {  	(v2sf) =	vpush v1, $0x1;
	_ =	sdelay $0x3  }
0x20: {  	s24 =	spop (v2sf)  }
0x21: {  	s0 =	sand.u32 $0x1FFFFFF0, s24;
	s2 =	spop (v2sf)  }
0x22: {  	s5 =	simm.s32 $0x400;
	s0 =	sadd.s32 s3, s0;
	s14 =	spop (v2sf)  }
0x23: {  	[tilespmem:s5], [sflag:$0x1] =	stream.strided.gather [hbm4b:s0+s10], $0x0, s11, s10, $0x38;
	[tilespmem:$0x10600] =	vst v63  }
0x24: {  	(v2sf) =	vpush v1, $0x2;
	s25 =	spop (v2sf)  }
0x25: {  	[tilespmem:s5], [sflag:$0x1] =	stream.linear.gather [hbm4b:s0+s1], $0x40, $0x38;
	[tilespmem:$0x10600] =	vst v63  }
0x26: {  	s0 =	sand.u32 $0x1FFFFFF0, s25  }
0x27: {  	s26 =	simm.s32 $0x8400;
	s0 =	sadd.s32 s4, s0  }
0x28: {  	(v2sf) =	vpush v2, $0x3;
	[tilespmem:s26], [sflag:$0x2] =	stream.strided.gather [hbm4b:s0+s10], $0x0, s11, s10, $0x38;
	[tilespmem:$0x10600] =	vst v63  }
0x29: {  	s2 =	sand.u32 $0x1FFFFFF0, s2  }
0x2a: {  	[tilespmem:s26], [sflag:$0x2] =	stream.linear.gather [hbm4b:s0+s1], $0x40, $0x38;
	[tilespmem:$0x10600] =	vst v63  }
0x2b: {  	s29 =	simm.s32 $0x440;
	s2 =	sadd.s32 s3, s2;
	s28 =	spop (v2sf)  }
0x2c: {  	(v2sf) =	vpush v1, $0x3;
	[tilespmem:s29], [sflag:$0x1] =	stream.strided.gather [hbm4b:s2+s10], $0x0, s11, s10, $0x38;
	[tilespmem:$0x10600] =	vst v63  }
0x2d: {  	s0 =	sand.u32 $0x1FFFFFF0, s28  }
0x2e: {  	[tilespmem:s29], [sflag:$0x1] =	stream.linear.gather [hbm4b:s2+s1], $0x40, $0x38;
	[tilespmem:$0x10600] =	vst v63  }
0x2f: {  	s30 =	simm.s32 $0x8440;
	s0 =	sadd.s32 s4, s0  }
0x30: {  	(v2sf) =	vpush v2, $0x4;
	[tilespmem:s30], [sflag:$0x2] =	stream.strided.gather [hbm4b:s0+s10], $0x0, s11, s10, $0x38;
	[tilespmem:$0x10600] =	vst v63  }
0x31: {  	s31 =	sand.u32 $0x1FFFFFF0, s14  }
0x32: {  	[tilespmem:s30], [sflag:$0x2] =	stream.linear.gather [hbm4b:s0+s1], $0x40, $0x38;
	[tilespmem:$0x10600] =	vst v63  }
0x33: {  	s7 =	simm.s32 $0x480;
	s5 =	sadd.s32 s3, s31;
	s6 =	spop (v2sf)  }
0x34: {  	(v2sf) =	vpush v1, $0x4;
	[tilespmem:s7], [sflag:$0x1] =	stream.strided.gather [hbm4b:s5+s10], $0x0, s11, s10, $0x38;
	[tilespmem:$0x10600] =	vst v63  }
0x35: {  	s0 =	sand.u32 $0x1FFFFFF0, s6  }
0x36: {  	[tilespmem:s7], [sflag:$0x1] =	stream.linear.gather [hbm4b:s5+s1], $0x40, $0x38;
	[tilespmem:$0x10600] =	vst v63  }
0x37: {  	s14 =	simm.s32 $0x8480;
	s8 =	spop (v2sf);
	s0 =	sadd.s32 s4, s0  }
0x38: {  	(v2sf) =	vpush v2, $0x5;
	[tilespmem:s14], [sflag:$0x2] =	stream.strided.gather [hbm4b:s0+s10], $0x0, s11, s10, $0x38;
	[tilespmem:$0x10600] =	vst v63  }
0x39: {  	s2 =	sand.u32 $0x1FFFFFF0, s8  }
0x3a: {  	[tilespmem:s14], [sflag:$0x2] =	stream.linear.gather [hbm4b:s0+s1], $0x40, $0x38;
	[tilespmem:$0x10600] =	vst v63  }
0x3b: {  	s18 =	simm.s32 $0x4C0;
	s17 =	spop (v2sf);
	s2 =	sadd.s32 s3, s2  }
0x3c: {  	(v2sf) =	vpush v1, $0x5;
	[tilespmem:s18], [sflag:$0x1] =	stream.strided.gather [hbm4b:s2+s10], $0x0, s11, s10, $0x38;
	[tilespmem:$0x10600] =	vst v63  }
0x3d: {  	s0 =	sand.u32 $0x1FFFFFF0, s17  }
0x3e: {  	[tilespmem:s18], [sflag:$0x1] =	stream.linear.gather [hbm4b:s2+s1], $0x40, $0x38;
	[tilespmem:$0x10600] =	vst v63  }
0x3f: {  	s20 =	simm.s32 $0x84C0;
	s19 =	spop (v2sf);
	s0 =	sadd.s32 s4, s0  }
0x40: {  	(v2sf) =	vpush v2, $0x6;
	[tilespmem:s20], [sflag:$0x2] =	stream.strided.gather [hbm4b:s0+s10], $0x0, s11, s10, $0x38;
	[tilespmem:$0x10600] =	vst v63  }
0x41: {  	s2 =	sand.u32 $0x1FFFFFF0, s19  }
0x42: {  	[tilespmem:s20], [sflag:$0x2] =	stream.linear.gather [hbm4b:s0+s1], $0x40, $0x38;
	[tilespmem:$0x10600] =	vst v63  }
0x43: {  	s22 =	simm.s32 $0x500;
	s21 =	spop (v2sf);
	s2 =	sadd.s32 s3, s2  }
0x44: {  	(v2sf) =	vpush v1, $0x6;
	[tilespmem:s22], [sflag:$0x1] =	stream.strided.gather [hbm4b:s2+s10], $0x0, s11, s10, $0x38;
	[tilespmem:$0x10600] =	vst v63  }
0x45: {  	s0 =	sand.u32 $0x1FFFFFF0, s21  }
0x46: {  	[tilespmem:s22], [sflag:$0x1] =	stream.linear.gather [hbm4b:s2+s1], $0x40, $0x38;
	[tilespmem:$0x10600] =	vst v63  }
0x47: {  	s24 =	simm.s32 $0x8500;
	s23 =	spop (v2sf);
	s0 =	sadd.s32 s4, s0  }
0x48: {  	(v2sf) =	vpush v2, $0x7;
	[tilespmem:s24], [sflag:$0x2] =	stream.strided.gather [hbm4b:s0+s10], $0x0, s11, s10, $0x38;
	[tilespmem:$0x10600] =	vst v63  }
0x49: {  	s2 =	sand.u32 $0x1FFFFFF0, s23  }
0x4a: {  	[tilespmem:s24], [sflag:$0x2] =	stream.linear.gather [hbm4b:s0+s1], $0x40, $0x38;
	[tilespmem:$0x10600] =	vst v63  }
0x4b: {  	s26 =	simm.s32 $0x540;
	s25 =	spop (v2sf);
	s2 =	sadd.s32 s3, s2  }
0x4c: {  	(v2sf) =	vpush v1, $0x7;
	[tilespmem:s26], [sflag:$0x1] =	stream.strided.gather [hbm4b:s2+s10], $0x0, s11, s10, $0x38;
	[tilespmem:$0x10600] =	vst v63  }
0x4d: {  	s0 =	sand.u32 $0x1FFFFFF0, s25  }
0x4e: {  	[tilespmem:s26], [sflag:$0x1] =	stream.linear.gather [hbm4b:s2+s1], $0x40, $0x38;
	[tilespmem:$0x10600] =	vst v63  }
0x4f: {  	s29 =	simm.s32 $0x8540;
	s28 =	spop (v2sf);
	s0 =	sadd.s32 s4, s0  }
0x50: {  	(v2sf) =	vpush v2, $0x8;
	[tilespmem:s29], [sflag:$0x2] =	stream.strided.gather [hbm4b:s0+s10], $0x0, s11, s10, $0x38;
	[tilespmem:$0x10600] =	vst v63  }
0x51: {  	s2 =	sand.u32 $0x1FFFFFF0, s28  }
0x52: {  	[tilespmem:s29], [sflag:$0x2] =	stream.linear.gather [hbm4b:s0+s1], $0x40, $0x38;
	[tilespmem:$0x10600] =	vst v63  }
0x53: {  	s31 =	simm.s32 $0x580;
	s30 =	spop (v2sf);
	s2 =	sadd.s32 s3, s2  }
0x54: {  	(v2sf) =	vpush v1, $0x8;
	[tilespmem:s31], [sflag:$0x1] =	stream.strided.gather [hbm4b:s2+s10], $0x0, s11, s10, $0x38;
	[tilespmem:$0x10600] =	vst v63  }
0x55: {  	s0 =	sand.u32 $0x1FFFFFF0, s30  }
0x56: {  	[tilespmem:s31], [sflag:$0x1] =	stream.linear.gather [hbm4b:s2+s1], $0x40, $0x38;
	[tilespmem:$0x10600] =	vst v63  }
0x57: {  	s7 =	simm.s32 $0x8580;
	s6 =	spop (v2sf);
	s0 =	sadd.s32 s4, s0  }
0x58: {  	(v2sf) =	vpush v2, $0x9;
	[tilespmem:s7], [sflag:$0x2] =	stream.strided.gather [hbm4b:s0+s10], $0x0, s11, s10, $0x38;
	[tilespmem:$0x10600] =	vst v63  }
0x59: {  	s2 =	sand.u32 $0x1FFFFFF0, s6  }
0x5a: {  	[tilespmem:s7], [sflag:$0x2] =	stream.linear.gather [hbm4b:s0+s1], $0x40, $0x38;
	[tilespmem:$0x10600] =	vst v63  }
0x5b: {  	s14 =	simm.s32 $0x5C0;
	s8 =	spop (v2sf);
	s2 =	sadd.s32 s3, s2  }
0x5c: {  	(v2sf) =	vpush v1, $0x9;
	[tilespmem:s14], [sflag:$0x1] =	stream.strided.gather [hbm4b:s2+s10], $0x0, s11, s10, $0x38;
	[tilespmem:$0x10600] =	vst v63  }
0x5d: {  	s0 =	sand.u32 $0x1FFFFFF0, s8  }
0x5e: {  	[tilespmem:s14], [sflag:$0x1] =	stream.linear.gather [hbm4b:s2+s1], $0x40, $0x38;
	[tilespmem:$0x10600] =	vst v63  }
0x5f: {  	s18 =	simm.s32 $0x85C0;
	s17 =	spop (v2sf);
	s0 =	sadd.s32 s4, s0  }
0x60: {  	(v2sf) =	vpush v2, $0xA;
	[tilespmem:s18], [sflag:$0x2] =	stream.strided.gather [hbm4b:s0+s10], $0x0, s11, s10, $0x38;
	[tilespmem:$0x10600] =	vst v63  }
0x61: {  	s2 =	sand.u32 $0x1FFFFFF0, s17  }
0x62: {  	[tilespmem:s18], [sflag:$0x2] =	stream.linear.gather [hbm4b:s0+s1], $0x40, $0x38;
	[tilespmem:$0x10600] =	vst v63  }
0x63: {  	s20 =	simm.s32 $0x600;
	s19 =	spop (v2sf);
	s2 =	sadd.s32 s3, s2  }
0x64: {  	(v2sf) =	vpush v1, $0xA;
	[tilespmem:s20], [sflag:$0x1] =	stream.strided.gather [hbm4b:s2+s10], $0x0, s11, s10, $0x38;
	[tilespmem:$0x10600] =	vst v63  }
0x65: {  	s0 =	sand.u32 $0x1FFFFFF0, s19  }
0x66: {  	[tilespmem:s20], [sflag:$0x1] =	stream.linear.gather [hbm4b:s2+s1], $0x40, $0x38;
	[tilespmem:$0x10600] =	vst v63  }
0x67: {  	s22 =	simm.s32 $0x8600;
	s21 =	spop (v2sf);
	s0 =	sadd.s32 s4, s0  }
0x68: {  	(v2sf) =	vpush v2, $0xB;
	[tilespmem:s22], [sflag:$0x2] =	stream.strided.gather [hbm4b:s0+s10], $0x0, s11, s10, $0x38;
	[tilespmem:$0x10600] =	vst v63  }
0x69: {  	s2 =	sand.u32 $0x1FFFFFF0, s21  }
0x6a: {  	[tilespmem:s22], [sflag:$0x2] =	stream.linear.gather [hbm4b:s0+s1], $0x40, $0x38;
	[tilespmem:$0x10600] =	vst v63  }
0x6b: {  	s24 =	simm.s32 $0x640;
	s23 =	spop (v2sf);
	s2 =	sadd.s32 s3, s2  }
0x6c: {  	(v2sf) =	vpush v1, $0xB;
	[tilespmem:s24], [sflag:$0x1] =	stream.strided.gather [hbm4b:s2+s10], $0x0, s11, s10, $0x38;
	[tilespmem:$0x10600] =	vst v63  }
0x6d: {  	s0 =	sand.u32 $0x1FFFFFF0, s23  }
0x6e: {  	[tilespmem:s24], [sflag:$0x1] =	stream.linear.gather [hbm4b:s2+s1], $0x40, $0x38;
	[tilespmem:$0x10600] =	vst v63  }
0x6f: {  	s26 =	simm.s32 $0x8640;
	s25 =	spop (v2sf);
	s0 =	sadd.s32 s4, s0  }
0x70: {  	(v2sf) =	vpush v2, $0xC;
	[tilespmem:s26], [sflag:$0x2] =	stream.strided.gather [hbm4b:s0+s10], $0x0, s11, s10, $0x38;
	[tilespmem:$0x10600] =	vst v63  }
0x71: {  	s2 =	sand.u32 $0x1FFFFFF0, s25  }
0x72: {  	[tilespmem:s26], [sflag:$0x2] =	stream.linear.gather [hbm4b:s0+s1], $0x40, $0x38;
	[tilespmem:$0x10600] =	vst v63  }
0x73: {  	s29 =	simm.s32 $0x680;
	s28 =	spop (v2sf);
	s2 =	sadd.s32 s3, s2  }
0x74: {  	(v2sf) =	vpush v1, $0xC;
	[tilespmem:s29], [sflag:$0x1] =	stream.strided.gather [hbm4b:s2+s10], $0x0, s11, s10, $0x38;
	[tilespmem:$0x10600] =	vst v63  }
0x75: {  	s0 =	sand.u32 $0x1FFFFFF0, s28  }
0x76: {  	[tilespmem:s29], [sflag:$0x1] =	stream.linear.gather [hbm4b:s2+s1], $0x40, $0x38;
	[tilespmem:$0x10600] =	vst v63  }
0x77: {  	s31 =	simm.s32 $0x8680;
	s30 =	spop (v2sf);
	s0 =	sadd.s32 s4, s0  }
0x78: {  	(v2sf) =	vpush v2, $0xD;
	[tilespmem:s31], [sflag:$0x2] =	stream.strided.gather [hbm4b:s0+s10], $0x0, s11, s10, $0x38;
	[tilespmem:$0x10600] =	vst v63  }
0x79: {  	s2 =	sand.u32 $0x1FFFFFF0, s30  }
0x7a: {  	[tilespmem:s31], [sflag:$0x2] =	stream.linear.gather [hbm4b:s0+s1], $0x40, $0x38;
	[tilespmem:$0x10600] =	vst v63  }
0x7b: {  	s6 =	simm.s32 $0x6C0;
	s5 =	spop (v2sf);
	s2 =	sadd.s32 s3, s2  }
0x7c: {  	(v2sf) =	vpush v1, $0xD;
	[tilespmem:s6], [sflag:$0x1] =	stream.strided.gather [hbm4b:s2+s10], $0x0, s11, s10, $0x38;
	[tilespmem:$0x10600] =	vst v63  }
0x7d: {  	s0 =	sand.u32 $0x1FFFFFF0, s5  }
0x7e: {  	[tilespmem:s6], [sflag:$0x1] =	stream.linear.gather [hbm4b:s2+s1], $0x40, $0x38;
	[tilespmem:$0x10600] =	vst v63  }
0x7f: {  	s8 =	simm.s32 $0x86C0;
	s7 =	spop (v2sf);
	s0 =	sadd.s32 s4, s0  }
0x80: {  	(v2sf) =	vpush v2, $0xE;
	[tilespmem:s8], [sflag:$0x2] =	stream.strided.gather [hbm4b:s0+s10], $0x0, s11, s10, $0x38;
	[tilespmem:$0x10600] =	vst v63  }
0x81: {  	s2 =	sand.u32 $0x1FFFFFF0, s7  }
0x82: {  	[tilespmem:s8], [sflag:$0x2] =	stream.linear.gather [hbm4b:s0+s1], $0x40, $0x38;
	[tilespmem:$0x10600] =	vst v63  }
0x83: {  	s17 =	simm.s32 $0x700;
	s14 =	spop (v2sf);
	s2 =	sadd.s32 s3, s2  }
0x84: {  	(v2sf) =	vpush v1, $0xE;
	[tilespmem:s17], [sflag:$0x1] =	stream.strided.gather [hbm4b:s2+s10], $0x0, s11, s10, $0x38;
	[tilespmem:$0x10600] =	vst v63  }
0x85: {  	s0 =	sand.u32 $0x1FFFFFF0, s14  }
0x86: {  	[tilespmem:s17], [sflag:$0x1] =	stream.linear.gather [hbm4b:s2+s1], $0x40, $0x38;
	[tilespmem:$0x10600] =	vst v63  }
0x87: {  	s19 =	simm.s32 $0x8700;
	s18 =	spop (v2sf);
	s0 =	sadd.s32 s4, s0  }
0x88: {  	(v2sf) =	vpush v2, $0xF;
	[tilespmem:s19], [sflag:$0x2] =	stream.strided.gather [hbm4b:s0+s10], $0x0, s11, s10, $0x38;
	[tilespmem:$0x10600] =	vst v63  }
0x89: {  	s2 =	sand.u32 $0x1FFFFFF0, s18  }
0x8a: {  	[tilespmem:s19], [sflag:$0x2] =	stream.linear.gather [hbm4b:s0+s1], $0x40, $0x38;
	[tilespmem:$0x10600] =	vst v63  }
0x8b: {  	s21 =	simm.s32 $0x740;
	s20 =	spop (v2sf);
	s2 =	sadd.s32 s3, s2  }
0x8c: {  	(v2sf) =	vpush v1, $0xF;
	[tilespmem:s21], [sflag:$0x1] =	stream.strided.gather [hbm4b:s2+s10], $0x0, s11, s10, $0x38;
	[tilespmem:$0x10600] =	vst v63  }
0x8d: {  	s0 =	sand.u32 $0x1FFFFFF0, s20  }
0x8e: {  	[tilespmem:s21], [sflag:$0x1] =	stream.linear.gather [hbm4b:s2+s1], $0x40, $0x38;
	[tilespmem:$0x10600] =	vst v63  }
0x8f: {  	s23 =	simm.s32 $0x8740;
	s22 =	spop (v2sf);
	s0 =	sadd.s32 s4, s0  }
0x90: {  	[tilespmem:s23], [sflag:$0x2] =	stream.strided.gather [hbm4b:s0+s10], $0x0, s11, s10, $0x38;
	[tilespmem:$0x10600] =	vst v63  }
0x91: {  	s2 =	sand.u32 $0x1FFFFFF0, s22  }
0x92: {  	[tilespmem:s23], [sflag:$0x2] =	stream.linear.gather [hbm4b:s0+s1], $0x40, $0x38;
	[tilespmem:$0x10600] =	vst v63  }
0x93: {  	s25 =	simm.s32 $0x780;
	s24 =	spop (v2sf);
	s2 =	sadd.s32 s3, s2  }
0x94: {  	[tilespmem:s25], [sflag:$0x1] =	stream.strided.gather [hbm4b:s2+s10], $0x0, s11, s10, $0x38;
	[tilespmem:$0x10600] =	vst v63  }
0x95: {  	s0 =	sand.u32 $0x1FFFFFF0, s24  }
0x96: {  	[tilespmem:s25], [sflag:$0x1] =	stream.linear.gather [hbm4b:s2+s1], $0x40, $0x38;
	[tilespmem:$0x10600] =	vst v63  }
0x97: {  	s28 =	simm.s32 $0x8780;
	s26 =	spop (v2sf);
	s0 =	sadd.s32 s4, s0  }
0x98: {  	[tilespmem:s28], [sflag:$0x2] =	stream.strided.gather [hbm4b:s0+s10], $0x0, s11, s10, $0x38;
	[tilespmem:$0x10600] =	vst v63  }
0x99: {  	s2 =	sand.u32 $0x1FFFFFF0, s26  }
0x9a: {  	[tilespmem:s28], [sflag:$0x2] =	stream.linear.gather [hbm4b:s0+s1], $0x40, $0x38;
	[tilespmem:$0x10600] =	vst v63  }
0x9b: {  	s30 =	simm.s32 $0x7C0;
	s29 =	spop (v2sf);
	s2 =	sadd.s32 s3, s2  }
0x9c: {  	[tilespmem:s30], [sflag:$0x1] =	stream.strided.gather [hbm4b:s2+s10], $0x0, s11, s10, $0x38;
	[tilespmem:$0x10600] =	vst v63  }
0x9d: {  	s17 =	simm.s32 $0x1000;
	s31 =	sand.u32 $0x1FFFFFF0, s29  }
0x9e: {  	[tilespmem:s30], [sflag:$0x1] =	stream.linear.gather [hbm4b:s2+s1], $0x40, $0x38;
	[tilespmem:$0x10600] =	vst v63  }
0x9f: {  	s18 =	simm.s32 $0x0;
	s0 =	simm.s32 $0x87C0;
	s2 =	sadd.s32 s4, s31  }
0xa0: {  	[tilespmem:s0], [sflag:$0x2] =	stream.strided.gather [hbm4b:s2+s10], $0x0, s11, s10, $0x38;
	[tilespmem:$0x10600] =	vst v63  }
.LBB2_2:
0xa1: {  	p0 =	sne.s32 s17, $0x1F000;
	s18 =	sadd.s32 $0x10, s18;
	s16 =	sadd.s32 $0x10, s16  }
0xa2: {  	[tilespmem:s0], [sflag:$0x2] =	stream.linear.gather [hbm4b:s2+s1], $0x40, $0x38;
	[tilespmem:$0x10600] =	vst v63  }
0xa3: {  	s0 =	smov.u32 s17;
	s17 =	sadd.s32 $0x1000, s17;
	v1 =	vld [tilespmem:s18+$0x0];
	_ =	sdelay $0x3  }
0xa4: {  	v2 =	vld [tilespmem:s16+$0x0]  }
0xa5: {  	v1 =	vshll.u32 v1, $0x4  }
0xa6: {  	(v2sf) =	vpush v1, $0x0  }
0xa7: {  	(v2sf) =	vpush v1, $0x1  }
0xa8: {  	(v2sf) =	vpush v1, $0x2  }
0xa9: {  	v2 =	vshll.u32 v2, $0x4  }
0xaa: {  	(v2sf) =	vpush v2, $0x0;
	_ =	sdelay $0x1  }
0xab: {  	(v2sf) =	vpush v2, $0x1  }
0xac: {  	(v2sf) =	vpush v2, $0x2;
	_ =	sdelay $0x3  }
0xad: {  	(v2sf) =	vpush v1, $0x3;
	_ =	sdelay $0x3  }
0xae: {  	s2 =	spop (v2sf);
	(v2sf) =	vpush v2, $0x3  }
0xaf: {  	s19 =	sshra.s32 s0, $0x2;
	s0 =	sand.u32 $0x1FFFFFF0, s2;
	s2 =	spop (v2sf)  }
0xb0: {  	s5 =	sadd.s32 $0x400, s19;
	s0 =	sadd.s32 s3, s0;
	s14 =	spop (v2sf)  }
0xb1: {  	[tilespmem:s5], [sflag:$0x1] =	stream.strided.gather [hbm4b:s0+s10], $0x0, s11, s10, $0x38;
	[tilespmem:$0x10600] =	vst v63  }
0xb2: {  	s2 =	sand.u32 $0x1FFFFFF0, s2;
	s14 =	sand.u32 $0x1FFFFFF0, s14;
	s20 =	spop (v2sf);
	(v2sf) =	vpush v1, $0x4  }
0xb3: {  	[tilespmem:s5], [sflag:$0x1] =	stream.linear.gather [hbm4b:s0+s1], $0x40, $0x38;
	[tilespmem:$0x10600] =	vst v63  }
0xb4: {  	s0 =	sadd.s32 $0x8400, s19;
	s5 =	sand.u32 $0x1FFFFFF0, s20;
	s20 =	spop (v2sf);
	(v2sf) =	vpush v2, $0x4  }
0xb5: {  	s5 =	sadd.s32 s4, s5;
	s20 =	sand.u32 $0x1FFFFFF0, s20;
	s21 =	spop (v2sf)  }
0xb6: {  	[tilespmem:s0], [sflag:$0x2] =	stream.strided.gather [hbm4b:s5+s10], $0x0, s11, s10, $0x38;
	(v2sf) =	vpush v1, $0x5;
	[tilespmem:$0x10600] =	vst v63  }
0xb7: {  	s22 =	sadd.s32 $0x440, s19;
	s2 =	sadd.s32 s3, s2;
	s21 =	sand.u32 $0x1FFFFFF0, s21  }
0xb8: {  	[tilespmem:s0], [sflag:$0x2] =	stream.linear.gather [hbm4b:s5+s1], $0x40, $0x38;
	(v2sf) =	vpush v2, $0x5;
	[tilespmem:$0x10600] =	vst v63  }
0xb9: {  	s0 =	spop (v2sf)  }
0xba: {  	[tilespmem:s22], [sflag:$0x1] =	stream.strided.gather [hbm4b:s2+s10], $0x0, s11, s10, $0x38;
	(v2sf) =	vpush v1, $0x6;
	[tilespmem:$0x10600] =	vst v63  }
0xbb: {  	s20 =	sadd.s32 s4, s20;
	s5 =	sadd.s32 $0x8440, s19;
	s0 =	sand.u32 $0x1FFFFFF0, s0  }
0xbc: {  	[tilespmem:s22], [sflag:$0x1] =	stream.linear.gather [hbm4b:s2+s1], $0x40, $0x38;
	(v2sf) =	vpush v2, $0x6;
	[tilespmem:$0x10600] =	vst v63  }
0xbd: {  	s2 =	spop (v2sf)  }
0xbe: {  	[tilespmem:s5], [sflag:$0x2] =	stream.strided.gather [hbm4b:s20+s10], $0x0, s11, s10, $0x38;
	(v2sf) =	vpush v1, $0x7;
	[tilespmem:$0x10600] =	vst v63  }
0xbf: {  	s14 =	sadd.s32 s3, s14;
	s22 =	sadd.s32 $0x480, s19;
	s23 =	sand.u32 $0x1FFFFFF0, s2  }
0xc0: {  	[tilespmem:s5], [sflag:$0x2] =	stream.linear.gather [hbm4b:s20+s1], $0x40, $0x38;
	(v2sf) =	vpush v2, $0x7;
	[tilespmem:$0x10600] =	vst v63  }
0xc1: {  	s2 =	spop (v2sf)  }
0xc2: {  	[tilespmem:s22], [sflag:$0x1] =	stream.strided.gather [hbm4b:s14+s10], $0x0, s11, s10, $0x38;
	(v2sf) =	vpush v1, $0x8;
	[tilespmem:$0x10600] =	vst v63  }
0xc3: {  	s5 =	sadd.s32 $0x8480, s19;
	s20 =	sadd.s32 s4, s21;
	s21 =	spop (v2sf)  }
0xc4: {  	[tilespmem:s22], [sflag:$0x1] =	stream.linear.gather [hbm4b:s14+s1], $0x40, $0x38;
	(v2sf) =	vpush v2, $0x8;
	[tilespmem:$0x10600] =	vst v63  }
0xc5: {  	s14 =	sand.u32 $0x1FFFFFF0, s2;
	s21 =	sand.u32 $0x1FFFFFF0, s21;
	s2 =	spop (v2sf)  }
0xc6: {  	[tilespmem:s5], [sflag:$0x2] =	stream.strided.gather [hbm4b:s20+s10], $0x0, s11, s10, $0x38;
	(v2sf) =	vpush v1, $0x9;
	[tilespmem:$0x10600] =	vst v63  }
0xc7: {  	s0 =	sadd.s32 s3, s0;
	s22 =	sadd.s32 $0x4C0, s19;
	s24 =	spop (v2sf)  }
0xc8: {  	[tilespmem:s5], [sflag:$0x2] =	stream.linear.gather [hbm4b:s20+s1], $0x40, $0x38;
	(v2sf) =	vpush v2, $0x9;
	[tilespmem:$0x10600] =	vst v63  }
0xc9: {  	s5 =	sand.u32 $0x1FFFFFF0, s2;
	s2 =	sand.u32 $0x1FFFFFF0, s24;
	s20 =	spop (v2sf)  }
0xca: {  	[tilespmem:s22], [sflag:$0x1] =	stream.strided.gather [hbm4b:s0+s10], $0x0, s11, s10, $0x38;
	(v2sf) =	vpush v1, $0xA;
	[tilespmem:$0x10600] =	vst v63  }
0xcb: {  	s25 =	sadd.s32 $0x84C0, s19;
	s23 =	sadd.s32 s4, s23;
	s26 =	spop (v2sf)  }
0xcc: {  	[tilespmem:s22], [sflag:$0x1] =	stream.linear.gather [hbm4b:s0+s1], $0x40, $0x38;
	(v2sf) =	vpush v2, $0xA;
	[tilespmem:$0x10600] =	vst v63  }
0xcd: {  	s24 =	sand.u32 $0x1FFFFFF0, s20;
	s22 =	sand.u32 $0x1FFFFFF0, s26;
	s0 =	spop (v2sf)  }
0xce: {  	[tilespmem:s25], [sflag:$0x2] =	stream.strided.gather [hbm4b:s23+s10], $0x0, s11, s10, $0x38;
	(v2sf) =	vpush v1, $0xB;
	[tilespmem:$0x10600] =	vst v63  }
0xcf: {  	s14 =	sadd.s32 s3, s14;
	s26 =	sadd.s32 $0x500, s19;
	s20 =	spop (v2sf)  }
0xd0: {  	[tilespmem:s25], [sflag:$0x2] =	stream.linear.gather [hbm4b:s23+s1], $0x40, $0x38;
	(v2sf) =	vpush v2, $0xB;
	[tilespmem:$0x10600] =	vst v63  }
0xd1: {  	s23 =	sand.u32 $0x1FFFFFF0, s0;
	s20 =	sand.u32 $0x1FFFFFF0, s20;
	s0 =	spop (v2sf)  }
0xd2: {  	[tilespmem:s26], [sflag:$0x1] =	stream.strided.gather [hbm4b:s14+s10], $0x0, s11, s10, $0x38;
	(v2sf) =	vpush v1, $0xC;
	[tilespmem:$0x10600] =	vst v63  }
0xd3: {  	s28 =	sadd.s32 s4, s21;
	s25 =	sadd.s32 $0x8500, s19;
	s29 =	spop (v2sf)  }
0xd4: {  	[tilespmem:s26], [sflag:$0x1] =	stream.linear.gather [hbm4b:s14+s1], $0x40, $0x38;
	(v2sf) =	vpush v2, $0xC;
	[tilespmem:$0x10600] =	vst v63  }
0xd5: {  	s21 =	sand.u32 $0x1FFFFFF0, s0;
	s0 =	sand.u32 $0x1FFFFFF0, s29;
	s14 =	spop (v2sf)  }
0xd6: {  	[tilespmem:s25], [sflag:$0x2] =	stream.strided.gather [hbm4b:s28+s10], $0x0, s11, s10, $0x38;
	(v2sf) =	vpush v1, $0xD;
	[tilespmem:$0x10600] =	vst v63  }
0xd7: {  	s26 =	sadd.s32 $0x540, s19;
	s29 =	sadd.s32 s3, s5;
	s30 =	spop (v2sf)  }
0xd8: {  	[tilespmem:s25], [sflag:$0x2] =	stream.linear.gather [hbm4b:s28+s1], $0x40, $0x38;
	(v2sf) =	vpush v2, $0xD;
	[tilespmem:$0x10600] =	vst v63  }
0xd9: {  	s5 =	sand.u32 $0x1FFFFFF0, s14;
	s31 =	sand.u32 $0x1FFFFFF0, s30;
	s14 =	spop (v2sf)  }
0xda: {  	[tilespmem:s26], [sflag:$0x1] =	stream.strided.gather [hbm4b:s29+s10], $0x0, s11, s10, $0x38;
	(v2sf) =	vpush v1, $0xE;
	[tilespmem:$0x10600] =	vst v63  }
0xdb: {  	s2 =	sadd.s32 s4, s2;
	s25 =	sadd.s32 $0x8540, s19;
	s28 =	spop (v2sf)  }
0xdc: {  	[tilespmem:s26], [sflag:$0x1] =	stream.linear.gather [hbm4b:s29+s1], $0x40, $0x38;
	[tilespmem:$0x10600] =	vst v63  }
0xdd: {  	s14 =	sand.u32 $0x1FFFFFF0, s14;
	s29 =	sand.u32 $0x1FFFFFF0, s28;
	s26 =	spop (v2sf)  }
0xde: {  	[tilespmem:s25], [sflag:$0x2] =	stream.strided.gather [hbm4b:s2+s10], $0x0, s11, s10, $0x38;
	(v2sf) =	vpush v2, $0xE;
	[tilespmem:$0x10600] =	vst v63  }
0xdf: {  	s24 =	sadd.s32 s3, s24;
	s28 =	sadd.s32 $0x580, s19;
	s30 =	spop (v2sf)  }
0xe0: {  	[tilespmem:s25], [sflag:$0x2] =	stream.linear.gather [hbm4b:s2+s1], $0x40, $0x38;
	(v2sf) =	vpush v1, $0xF;
	[tilespmem:$0x10600] =	vst v63  }
0xe1: {  	s2 =	sand.u32 $0x1FFFFFF0, s26;
	s26 =	sand.u32 $0x1FFFFFF0, s30;
	s25 =	spop (v2sf)  }
0xe2: {  	[tilespmem:s28], [sflag:$0x1] =	stream.strided.gather [hbm4b:s24+s10], $0x0, s11, s10, $0x38;
	(v2sf) =	vpush v2, $0xF;
	[tilespmem:$0x10600] =	vst v63  }
0xe3: {  	s6 =	sadd.s32 $0x8580, s19;
	s22 =	sadd.s32 s4, s22;
	s7 =	spop (v2sf)  }
0xe4: {  	[tilespmem:s28], [sflag:$0x1] =	stream.linear.gather [hbm4b:s24+s1], $0x40, $0x38;
	[tilespmem:$0x10600] =	vst v63  }
0xe5: {  	s30 =	sand.u32 $0x1FFFFFF0, s25;
	s25 =	sand.u32 $0x1FFFFFF0, s7;
	s7 =	spop (v2sf)  }
0xe6: {  	[tilespmem:s6], [sflag:$0x2] =	stream.strided.gather [hbm4b:s22+s10], $0x0, s11, s10, $0x38;
	[tilespmem:$0x10600] =	vst v63  }
0xe7: {  	s8 =	sadd.s32 $0x5C0, s19;
	s23 =	sadd.s32 s3, s23;
	s24 =	spop (v2sf)  }
0xe8: {  	[tilespmem:s6], [sflag:$0x2] =	stream.linear.gather [hbm4b:s22+s1], $0x40, $0x38;
	[tilespmem:$0x10600] =	vst v63  }
0xe9: {  	s28 =	sand.u32 $0x1FFFFFF0, s7;
	s24 =	sand.u32 $0x1FFFFFF0, s24;
	s6 =	spop (v2sf)  }
0xea: {  	[tilespmem:s8], [sflag:$0x1] =	stream.strided.gather [hbm4b:s23+s10], $0x0, s11, s10, $0x38;
	[tilespmem:$0x10600] =	vst v63  }
0xeb: {  	s20 =	sadd.s32 s4, s20;
	s7 =	sadd.s32 $0x85C0, s19;
	s22 =	sand.u32 $0x1FFFFFF0, s6  }
0xec: {  	[tilespmem:s8], [sflag:$0x1] =	stream.linear.gather [hbm4b:s23+s1], $0x40, $0x38;
	[tilespmem:$0x10600] =	vst v63  }
0xed: {  	s23 =	spop (v2sf)  }
0xee: {  	[tilespmem:s7], [sflag:$0x2] =	stream.strided.gather [hbm4b:s20+s10], $0x0, s11, s10, $0x38;
	[tilespmem:$0x10600] =	vst v63  }
0xef: {  	s6 =	sadd.s32 $0x600, s19;
	s8 =	sadd.s32 s3, s21;
	s21 =	spop (v2sf)  }
0xf0: {  	[tilespmem:s7], [sflag:$0x2] =	stream.linear.gather [hbm4b:s20+s1], $0x40, $0x38;
	[tilespmem:$0x10600] =	vst v63  }
0xf1: {  	s21 =	sand.u32 $0x1FFFFFF0, s21;
	s20 =	spop (v2sf)  }
0xf2: {  	[tilespmem:s6], [sflag:$0x1] =	stream.strided.gather [hbm4b:s8+s10], $0x0, s11, s10, $0x38;
	[tilespmem:$0x10600] =	vst v63  }
0xf3: {  	s0 =	sadd.s32 s4, s0;
	s7 =	sadd.s32 $0x8600, s19  }
0xf4: {  	[tilespmem:s6], [sflag:$0x1] =	stream.linear.gather [hbm4b:s8+s1], $0x40, $0x38;
	[tilespmem:$0x10600] =	vst v63  }
0xf5: {  	_ = 	snop  }
0xf6: {  	[tilespmem:s7], [sflag:$0x2] =	stream.strided.gather [hbm4b:s0+s10], $0x0, s11, s10, $0x38;
	[tilespmem:$0x10600] =	vst v63  }
0xf7: {  	s5 =	sadd.s32 s3, s5;
	s6 =	sadd.s32 $0x640, s19  }
0xf8: {  	[tilespmem:s7], [sflag:$0x2] =	stream.linear.gather [hbm4b:s0+s1], $0x40, $0x38;
	[tilespmem:$0x10600] =	vst v63  }
0xf9: {  	_ = 	snop  }
0xfa: {  	[tilespmem:s6], [sflag:$0x1] =	stream.strided.gather [hbm4b:s5+s10], $0x0, s11, s10, $0x38;
	[tilespmem:$0x10600] =	vst v63  }
0xfb: {  	s0 =	sadd.s32 $0x8640, s19;
	s7 =	sadd.s32 s4, s31  }
0xfc: {  	[tilespmem:s6], [sflag:$0x1] =	stream.linear.gather [hbm4b:s5+s1], $0x40, $0x38;
	[tilespmem:$0x10600] =	vst v63  }
0xfd: {  	_ = 	snop  }
0xfe: {  	[tilespmem:s0], [sflag:$0x2] =	stream.strided.gather [hbm4b:s7+s10], $0x0, s11, s10, $0x38;
	[tilespmem:$0x10600] =	vst v63  }
0xff: {  	s5 =	sadd.s32 $0x680, s19;
	s6 =	sadd.s32 s3, s14  }
0x100: {  	[tilespmem:s0], [sflag:$0x2] =	stream.linear.gather [hbm4b:s7+s1], $0x40, $0x38;
	[tilespmem:$0x10600] =	vst v63  }
0x101: {  	_ = 	snop  }
0x102: {  	[tilespmem:s5], [sflag:$0x1] =	stream.strided.gather [hbm4b:s6+s10], $0x0, s11, s10, $0x38;
	[tilespmem:$0x10600] =	vst v63  }
0x103: {  	s0 =	sadd.s32 $0x8680, s19;
	s7 =	sadd.s32 s4, s29  }
0x104: {  	[tilespmem:s5], [sflag:$0x1] =	stream.linear.gather [hbm4b:s6+s1], $0x40, $0x38;
	[tilespmem:$0x10600] =	vst v63  }
0x105: {  	_ = 	snop  }
0x106: {  	[tilespmem:s0], [sflag:$0x2] =	stream.strided.gather [hbm4b:s7+s10], $0x0, s11, s10, $0x38;
	[tilespmem:$0x10600] =	vst v63  }
0x107: {  	s2 =	sadd.s32 s3, s2;
	s5 =	sadd.s32 $0x6C0, s19  }
0x108: {  	[tilespmem:s0], [sflag:$0x2] =	stream.linear.gather [hbm4b:s7+s1], $0x40, $0x38;
	[tilespmem:$0x10600] =	vst v63  }
0x109: {  	_ = 	snop  }
0x10a: {  	[tilespmem:s5], [sflag:$0x1] =	stream.strided.gather [hbm4b:s2+s10], $0x0, s11, s10, $0x38;
	[tilespmem:$0x10600] =	vst v63  }
0x10b: {  	s6 =	sadd.s32 s4, s26;
	s0 =	sadd.s32 $0x86C0, s19  }
0x10c: {  	[tilespmem:s5], [sflag:$0x1] =	stream.linear.gather [hbm4b:s2+s1], $0x40, $0x38;
	[tilespmem:$0x10600] =	vst v63  }
0x10d: {  	_ = 	snop  }
0x10e: {  	[tilespmem:s0], [sflag:$0x2] =	stream.strided.gather [hbm4b:s6+s10], $0x0, s11, s10, $0x38;
	[tilespmem:$0x10600] =	vst v63  }
0x10f: {  	s2 =	sadd.s32 $0x700, s19;
	s5 =	sadd.s32 s3, s30  }
0x110: {  	[tilespmem:s0], [sflag:$0x2] =	stream.linear.gather [hbm4b:s6+s1], $0x40, $0x38;
	[tilespmem:$0x10600] =	vst v63  }
0x111: {  	_ = 	snop  }
0x112: {  	[tilespmem:s2], [sflag:$0x1] =	stream.strided.gather [hbm4b:s5+s10], $0x0, s11, s10, $0x38;
	[tilespmem:$0x10600] =	vst v63  }
0x113: {  	s0 =	sadd.s32 $0x8700, s19;
	s6 =	sadd.s32 s4, s25  }
0x114: {  	[tilespmem:s2], [sflag:$0x1] =	stream.linear.gather [hbm4b:s5+s1], $0x40, $0x38;
	[tilespmem:$0x10600] =	vst v63  }
0x115: {  	_ = 	snop  }
0x116: {  	[tilespmem:s0], [sflag:$0x2] =	stream.strided.gather [hbm4b:s6+s10], $0x0, s11, s10, $0x38;
	[tilespmem:$0x10600] =	vst v63  }
0x117: {  	s2 =	sadd.s32 $0x740, s19;
	s5 =	sadd.s32 s3, s28  }
0x118: {  	[tilespmem:s0], [sflag:$0x2] =	stream.linear.gather [hbm4b:s6+s1], $0x40, $0x38;
	[tilespmem:$0x10600] =	vst v63  }
0x119: {  	_ = 	snop  }
0x11a: {  	[tilespmem:s2], [sflag:$0x1] =	stream.strided.gather [hbm4b:s5+s10], $0x0, s11, s10, $0x38;
	[tilespmem:$0x10600] =	vst v63  }
0x11b: {  	s0 =	sadd.s32 $0x8740, s19;
	s6 =	sadd.s32 s4, s24  }
0x11c: {  	[tilespmem:s2], [sflag:$0x1] =	stream.linear.gather [hbm4b:s5+s1], $0x40, $0x38;
	[tilespmem:$0x10600] =	vst v63  }
0x11d: {  	_ = 	snop  }
0x11e: {  	[tilespmem:s0], [sflag:$0x2] =	stream.strided.gather [hbm4b:s6+s10], $0x0, s11, s10, $0x38;
	[tilespmem:$0x10600] =	vst v63  }
0x11f: {  	s2 =	sadd.s32 $0x780, s19;
	s5 =	sadd.s32 s3, s22  }
0x120: {  	[tilespmem:s0], [sflag:$0x2] =	stream.linear.gather [hbm4b:s6+s1], $0x40, $0x38;
	[tilespmem:$0x10600] =	vst v63  }
0x121: {  	s0 =	sand.u32 $0x1FFFFFF0, s23  }
0x122: {  	[tilespmem:s2], [sflag:$0x1] =	stream.strided.gather [hbm4b:s5+s10], $0x0, s11, s10, $0x38;
	[tilespmem:$0x10600] =	vst v63  }
0x123: {  	s6 =	sadd.s32 $0x8780, s19;
	s0 =	sadd.s32 s4, s0  }
0x124: {  	[tilespmem:s2], [sflag:$0x1] =	stream.linear.gather [hbm4b:s5+s1], $0x40, $0x38;
	[tilespmem:$0x10600] =	vst v63  }
0x125: {  	_ = 	snop  }
0x126: {  	[tilespmem:s6], [sflag:$0x2] =	stream.strided.gather [hbm4b:s0+s10], $0x0, s11, s10, $0x38;
	[tilespmem:$0x10600] =	vst v63  }
0x127: {  	s7 =	sadd.s32 s3, s21;
	s5 =	sadd.s32 $0x7C0, s19  }
0x128: {  	[tilespmem:s6], [sflag:$0x2] =	stream.linear.gather [hbm4b:s0+s1], $0x40, $0x38;
	[tilespmem:$0x10600] =	vst v63  }
0x129: {  	s2 =	sand.u32 $0x1FFFFFF0, s20  }
0x12a: {  	[tilespmem:s5], [sflag:$0x1] =	stream.strided.gather [hbm4b:s7+s10], $0x0, s11, s10, $0x38;
	[tilespmem:$0x10600] =	vst v63  }
.Ltmp0:
0x12b: {  	_ = 	snop;
	(pc) =	sbr.rel @p0 .LBB2_2-.Ltmp0, $4  }
0x12c: {  	s2 =	sadd.s32 s4, s2;
	s0 =	sadd.s32 $0x87C0, s19  }
0x12d: {  	[tilespmem:s5], [sflag:$0x1] =	stream.linear.gather [hbm4b:s7+s1], $0x40, $0x38;
	[tilespmem:$0x10600] =	vst v63  }
0x12e: {  	_ = 	snop  }
0x12f: {  	[tilespmem:s0], [sflag:$0x2] =	stream.strided.gather [hbm4b:s2+s10], $0x0, s11, s10, $0x38;
	[tilespmem:$0x10600] =	vst v63  }
0x130: {  	[tilespmem:s0], [sflag:$0x2] =	stream.linear.gather [hbm4b:s2+s1], $0x40, $0x38;
	[tilespmem:$0x10600] =	vst v63  }
0x131: {  	_ =	swait.ge [sflag:s12], $0x8000  }
0x132: {  	[sflag:s12] =	ssyncset.done $0x0  }
0x133: {  	[sflag:s12] =	ssyncadd.s32 $0xFFFF8000  }
0x134: {  	_ =	swait.ge [sflag:s13], $0x8000  }
0x135: {  	[sflag:s13] =	ssyncset.done $0x0  }
0x136: {  	s16 =	simm.s32 $0x0;
	[sflag:s13] =	ssyncadd.s32 $0xFFFF8000  }
0x137: {  	v35 =	vld [tilespmem:s16+$0x7F0]  }
0x138: {  	v30 =	vld [tilespmem:s16+$0x87F0]  }
0x139: {  	v0 =	vld [tilespmem:s16+$0x7B0]  }
0x13a: {  	v51 =	vld [tilespmem:s16+$0x87B0]  }
0x13b: {  	v21 =	vld [tilespmem:s16+$0x7E0]  }
0x13c: {  	v22 =	vld [tilespmem:s16+$0x87E0]  }
0x13d: {  	v23 =	vld [tilespmem:s16+$0x7A0]  }
0x13e: {  	v24 =	vld [tilespmem:s16+$0x87A0]  }
0x13f: {  	v25 =	vld [tilespmem:s16+$0x7C0]  }
0x140: {  	v26 =	vld [tilespmem:s16+$0x87C0]  }
0x141: {  	v27 =	vld [tilespmem:s16+$0x7D0]  }
0x142: {  	v28 =	vld [tilespmem:s16+$0x87D0]  }
0x143: {  	v54 =	vld [tilespmem:s16+$0x730]  }
0x144: {  	v36 =	vld [tilespmem:s16+$0x8730]  }
0x145: {  	v55 =	vld [tilespmem:s16+$0x760]  }
0x146: {  	v31 =	vld [tilespmem:s16+$0x780]  }
0x147: {  	v32 =	vld [tilespmem:s16+$0x8780]  }
0x148: {  	v33 =	vld [tilespmem:s16+$0x790]  }
0x149: {  	v34 =	vld [tilespmem:s16+$0x8790]  }
0x14a: {  	v56 =	vld [tilespmem:s16+$0x6F0]  }
0x14b: {  	v57 =	vld [tilespmem:s16+$0x86F0]  }
0x14c: {  	v37 =	vld [tilespmem:s16+$0x720]  }
0x14d: {  	v38 =	vld [tilespmem:s16+$0x8720]  }
0x14e: {  	v1 =	vld [tilespmem:s16+$0x740]  }
0x14f: {  	v58 =	vld [tilespmem:s16+$0x8740]  }
0x150: {  	v59 =	vld [tilespmem:s16+$0x750]  }
0x151: {  	v60 =	vld [tilespmem:s16+$0x8750]  }
0x152: {  	v39 =	vld [tilespmem:s16+$0x6E0]  }
0x153: {  	v40 =	vld [tilespmem:s16+$0x86E0]  }
0x154: {  	v41 =	vld [tilespmem:s16+$0x700]  }
0x155: {  	v42 =	vld [tilespmem:s16+$0x8700]  }
0x156: {  	v43 =	vld [tilespmem:s16+$0x710]  }
0x157: {  	v44 =	vld [tilespmem:s16+$0x8710]  }
0x158: {  	v45 =	vld [tilespmem:s16+$0x670]  }
0x159: {  	v46 =	vld [tilespmem:s16+$0x8670]  }
0x15a: {  	v61 =	vld [tilespmem:s16+$0x6A0]  }
0x15b: {  	v47 =	vld [tilespmem:s16+$0x6C0]  }
0x15c: {  	v48 =	vld [tilespmem:s16+$0x86C0]  }
0x15d: {  	v49 =	vld [tilespmem:s16+$0x6D0]  }
0x15e: {  	v50 =	vld [tilespmem:s16+$0x86D0]  }
0x15f: {  	v62 =	vld [tilespmem:s16+$0x630]  }
0x160: {  	v52 =	vld [tilespmem:s16+$0x8630]  }
0x161: {  	v53 =	vld [tilespmem:s16+$0x660]  }
0x162: {  	v63 =	vld [tilespmem:s16+$0x680]  }
0x163: {  	v4 =	vld [tilespmem:s16+$0x8680]  }
0x164: {  	v5 =	vld [tilespmem:s16+$0x690]  }
0x165: {  	v6 =	vld [tilespmem:s16+$0x8690]  }
0x166: {  	v7 =	vld [tilespmem:s16+$0x5E0]  }
0x167: {  	v29 =	vld [tilespmem:s16+$0x570]  }
0x168: {  	v20 =	vld [tilespmem:s16+$0x8570]  }
0x169: {  	v15 =	vld [tilespmem:s16+$0x5A0]  }
0x16a: {  	v14 =	vld [tilespmem:s16+$0x85A0]  }
0x16b: {  	v8 =	vld [tilespmem:s16+$0x5C0]  }
0x16c: {  	v9 =	vld [tilespmem:s16+$0x85C0]  }
0x16d: {  	v10 =	vld [tilespmem:s16+$0x5D0]  }
0x16e: {  	v11 =	vld [tilespmem:s16+$0x85D0]  }
0x16f: {  	v17 =	vld [tilespmem:s16+$0x560]  }
0x170: {  	v16 =	vld [tilespmem:s16+$0x8560]  }
0x171: {  	v3 =	vld [tilespmem:s16+$0x8580]  }
0x172: {  	v2 =	vld [tilespmem:s16+$0x590]  }
0x173: {  	v19 =	vld [tilespmem:s16+$0x4F0]  }
0x174: {  	v18 =	vld [tilespmem:s16+$0x84F0]  }
0x175: {  	v13 =	vld [tilespmem:s16+$0x4E0]  }
0x176: {  	v12 =	vld [tilespmem:s16+$0x84E0]  }
0x177: {  	[tilespmem:$0x1FCB0] =	vst v54;
	v54 =	vld [tilespmem:s16+$0x8660]  }
0x178: {  	[tilespmem:$0x1FE50] =	vst v55;
	v55 =	vld [tilespmem:s16+$0x620]  }
0x179: {  	[tilespmem:$0x1FCC0] =	vst v56;
	v56 =	vld [tilespmem:s16+$0x8620]  }
0x17a: {  	[tilespmem:$0x1FCD0] =	vst v57;
	v57 =	vld [tilespmem:s16+$0x640]  }
0x17b: {  	[tilespmem:$0x1FE20] =	vst v58;
	v58 =	vld [tilespmem:s16+$0x8640]  }
0x17c: {  	[tilespmem:$0x1FE30] =	vst v59;
	v59 =	vld [tilespmem:s16+$0x650]  }
0x17d: {  	[tilespmem:$0x1FE40] =	vst v60;
	v60 =	vld [tilespmem:s16+$0x8650]  }
0x17e: {  	[tilespmem:$0x1FE00] =	vst v61;
	v61 =	vld [tilespmem:s16+$0x5B0]  }
0x17f: {  	[tilespmem:$0x1FCE0] =	vst v62;
	v62 =	vld [tilespmem:s16+$0x85B0]  }
0x180: {  	[tilespmem:$0x1FDC0] =	vst v63;
	v63 =	vld [tilespmem:s16+$0x600]  }
0x181: {  	[tilespmem:$0x1FDB0] =	vst v7;
	v7 =	vld [tilespmem:s16+$0x8600]  }
0x182: {  	[tilespmem:$0x1FDF0] =	vst v6;
	v6 =	vld [tilespmem:s16+$0x610]  }
0x183: {  	[tilespmem:$0x1FDE0] =	vst v5;
	v5 =	vld [tilespmem:s16+$0x8610]  }
0x184: {  	[tilespmem:$0x1FDD0] =	vst v4;
	v4 =	vld [tilespmem:s16+$0x580]  }
0x185: {  	[tilespmem:$0x1FE10] =	vst v1;
	v1 =	vld [tilespmem:s16+$0x8590]  }
0x186: {  	[tilespmem:$0x1FD70] =	vst v8;
	v8 =	vld [tilespmem:s16+$0x520]  }
0x187: {  	[tilespmem:$0x1FDA0] =	vst v11;
	v11 =	vld [tilespmem:s16+$0x540]  }
0x188: {  	[tilespmem:$0x1FD90] =	vst v10;
	v10 =	vld [tilespmem:s16+$0x8540]  }
0x189: {  	[tilespmem:$0x1FD80] =	vst v9;
	v9 =	vld [tilespmem:s16+$0x550]  }
0x18a: {  	[tilespmem:$0x1FCA0] =	vst v0;
	v0 =	vld [tilespmem:s16+$0x4B0]  }
0x18b: {  	v25 =	vmul.f32 v26, v25;
	v26 =	vmul.f32 v28, v27;
	v27 =	vld [tilespmem:s16+$0x8430]  }
0x18c: {  	v28 =	vld [tilespmem:s16+$0x4A0]  }
0x18d: {  	v21 =	vmul.f32 v22, v21;
	v22 =	vld [tilespmem:s16+$0x84A0]  }
0x18e: {  	v23 =	vmul.f32 v24, v23;
	v24 =	vld [tilespmem:s16+$0x4D0]  }
0x18f: {  	v30 =	vmul.f32 v30, v35;
	v35 =	vld [tilespmem:s16+$0x84D0]  }
0x190: {  	v25 =	vadd.f32 v26, v25;
	v26 =	vmul.f32 v32, v31;
	v32 =	vld [tilespmem:s16+$0x4C0]  }
0x191: {  	v31 =	vmul.f32 v34, v33;
	v34 =	vld [tilespmem:s16+$0x84C0]  }
0x192: {  	v33 =	vld [tilespmem:s16+$0x8420]  }
0x193: {  	v21 =	vadd.f32 v21, v25;
	v25 =	vmul.f32 v42, v41;
	v42 =	vmul.f32 v44, v43;
	v43 =	vld [tilespmem:$0x1FCA0]  }
0x194: {  	v44 =	vmul.f32 v38, v37;
	v38 =	vld [tilespmem:s16+$0x420]  }
0x195: {  	v41 =	vld [tilespmem:$0x1FD80]  }
0x196: {  	[tilespmem:$0x1FD60] =	vst v8;
	v8 =	vld [tilespmem:s16+$0x8550]  }
0x197: {  	[tilespmem:$0x1FCF0] =	vst v0;
	v0 =	vld [tilespmem:s16+$0x84B0]  }
0x198: {  	v26 =	vadd.f32 v31, v26;
	v5 =	vmul.f32 v5, v6;
	v6 =	vld [tilespmem:s16+$0x490]  }
0x199: {  	v53 =	vmul.f32 v54, v53;
	v54 =	vld [tilespmem:s16+$0x8490]  }
0x19a: {  	v23 =	vadd.f32 v23, v26;
	v26 =	vmul.f32 v48, v47;
	v48 =	vld [tilespmem:$0x1FCB0]  }
0x19b: {  	v47 =	vmul.f32 v50, v49;
	v50 =	vmul.f32 v60, v59;
	v59 =	vld [tilespmem:s16+$0x8400]  }
0x19c: {  	v7 =	vmul.f32 v7, v63;
	v60 =	vld [tilespmem:s16+$0x400]  }
0x19d: {  	v25 =	vadd.f32 v42, v25;
	v42 =	vld [tilespmem:$0x1FD90]  }
0x19e: {  	v5 =	vadd.f32 v5, v7;
	v7 =	vld [tilespmem:$0x1FCE0]  }
0x19f: {  	v49 =	vmul.f32 v58, v57;
	v25 =	vadd.f32 v44, v25;
	v44 =	vld [tilespmem:s16+$0x440]  }
0x1a0: {  	v26 =	vadd.f32 v47, v26;
	v47 =	vld [tilespmem:s16+$0x8440]  }
0x1a1: {  	v37 =	vadd.f32 v50, v49;
	v49 =	vmul.f32 v12, v13;
	v12 =	vld [tilespmem:s16+$0x8450]  }
0x1a2: {  	v13 =	vld [tilespmem:s16+$0x460]  }
0x1a3: {  	v58 =	vmul.f32 v56, v55;
	v31 =	vmul.f32 v51, v43;
	v51 =	vld [tilespmem:$0x1FCC0]  }
0x1a4: {  	v43 =	vmul.f32 v14, v15;
	v14 =	vld [tilespmem:s16+$0x8410]  }
0x1a5: {  	v5 =	vadd.f32 v58, v5;
	v58 =	vld [tilespmem:$0x1FCF0]  }
0x1a6: {  	[tilespmem:$0x1FD00] =	vst v0;
	v0 =	vld [tilespmem:s16+$0x500]  }
0x1a7: {  	v3 =	vmul.f32 v3, v4;
	v37 =	vadd.f32 v53, v37;
	v53 =	vld [tilespmem:s16+$0x8470]  }
0x1a8: {  	v1 =	vmul.f32 v1, v2;
	v21 =	vadd.f32 v30, v21;
	v30 =	vmul.f32 v36, v48;
	v36 =	vld [tilespmem:s16+$0x480]  }
0x1a9: {  	v57 =	vmul.f32 v46, v45;
	v48 =	vmul.f32 v16, v17;
	v16 =	vld [tilespmem:s16+$0x450]  }
0x1aa: {  	v46 =	vmul.f32 v35, v24;
	v1 =	vadd.f32 v1, v3;
	v2 =	vmul.f32 v59, v60;
	v59 =	vld [tilespmem:$0x1FD00]  }
0x1ab: {  	v45 =	vmul.f32 v34, v32;
	v23 =	vadd.f32 v31, v23;
	v31 =	vmul.f32 v40, v39;
	v40 =	vld [tilespmem:$0x1FD70]  }
0x1ac: {  	v10 =	vmul.f32 v10, v11;
	v8 =	vmul.f32 v8, v9;
	v1 =	vadd.f32 v43, v1;
	v43 =	vld [tilespmem:$0x1FDA0]  }
0x1ad: {  	v3 =	vadd.f32 v46, v45;
	v26 =	vadd.f32 v31, v26;
	v31 =	vld [tilespmem:$0x1FCD0]  }
0x1ae: {  	v8 =	vadd.f32 v8, v10;
	[tilespmem:$0x1FD20] =	vst v0;
	v0 =	vld [tilespmem:s16+$0x8500]  }
0x1af: {  	v15 =	vmul.f32 v62, v61;
	v3 =	vadd.f32 v49, v3;
	v49 =	vld [tilespmem:$0x1FDB0]  }
0x1b0: {  	v17 =	vmul.f32 v20, v29;
	v25 =	vadd.f32 v30, v25;
	v30 =	vld [tilespmem:s16+$0x8480];
	v8 =	vadd.f32 v48, v8  }
0x1b1: {  	v1 =	vadd.f32 v15, v1;
	v15 =	vld [tilespmem:s16+$0x8460]  }
0x1b2: {  	v8 =	vadd.f32 v17, v8;
	v17 =	vld [tilespmem:s16+$0x470]  }
0x1b3: {  	v31 =	vmul.f32 v31, v51;
	[tilespmem:$0x1FD30] =	vst v0;
	v0 =	vld [tilespmem:s16+$0x510]  }
0x1b4: {  	v32 =	vld [tilespmem:$0x1FD20]  }
0x1b5: {  	v63 =	vadd.f32 v31, v26;
	v26 =	vld [tilespmem:s16+$0x410]  }
0x1b6: {  	v56 =	vmul.f32 v12, v16;
	v12 =	vmul.f32 v33, v38;
	v38 =	vld [tilespmem:s16+$0x85F0]  }
0x1b7: {  	v16 =	vld [tilespmem:$0x1FE20]  }
0x1b8: {  	[tilespmem:$0x1FD40] =	vst v0;
	v0 =	vld [tilespmem:s16+$0x8510]  }
0x1b9: {  	v62 =	vmul.f32 v15, v13;
	v13 =	vld [tilespmem:s16+$0x8530]  }
0x1ba: {  	v31 =	vadd.f32 v57, v37;
	v57 =	vld [tilespmem:s16+$0x8520];
	v14 =	vmul.f32 v14, v26  }
0x1bb: {  	(xrf2) =	vadd.scan.msk.f32 $0xffff, v21;
	v33 =	vld [tilespmem:$0x1FD30]  }
0x1bc: {  	(xrf2) =	vadd.scan.msk.f32 $0xffff, v23;
	v34 =	vld [tilespmem:$0x1FD40];
	v2 =	vadd.f32 v14, v2  }
0x1bd: {  	v6 =	vmul.f32 v54, v6;
	(xrf2) =	vadd.scan.msk.f32 $0xffff, v25;
	v14 =	vld [tilespmem:s16+$0x530];
	[tilespmem:$0x1FD50] =	vst v0  }
0x1be: {  	v39 =	vmul.f32 v52, v7;
	v50 =	vmul.f32 v30, v36;
	(xrf2) =	vadd.scan.msk.f32 $0xffff, v63;
	v63 =	vadd.f32 v12, v2;
	v12 =	vld [tilespmem:$0x1FD50]  }
0x1bf: {  	v52 =	vmul.f32 v22, v28;
	v51 =	vmul.f32 v18, v19;
	v37 =	vld [tilespmem:$0x1FD60]  }
0x1c0: {  	v55 =	vmul.f32 v47, v44;
	v5 =	vadd.f32 v39, v5;
	v6 =	vadd.f32 v6, v50;
	v0 =	vld [tilespmem:s16+$0x430]  }
0x1c1: {  	v3 =	vadd.f32 v51, v3;
	v51 =	vld [tilespmem:$0x1FDC0];
	(xrf2) =	vadd.scan.msk.f32 $0xffff, v31  }
0x1c2: {  	v54 =	vadd.f32 v52, v6;
	v6 =	vadd.f32 v56, v55;
	(xrf2) =	vadd.scan.msk.f32 $0xffff, v5;
	v46 =	vmul.f32 v13, v14;
	v13 =	vld [tilespmem:$0x1FDD0]  }
0x1c3: {  	v15 =	vld [tilespmem:s16+$0x85E0];
	(xrf2) =	vadd.scan.msk.f32 $0xffff, v1;
	v2 =	vmul.f32 v33, v32;
	v12 =	vmul.f32 v12, v34  }
0x1c4: {  	v36 =	vld [tilespmem:s16+$0x5F0];
	v35 =	vmul.f32 v53, v17;
	v6 =	vadd.f32 v62, v6;
	(xrf2) =	vadd.scan.msk.f32 $0xffff, v8  }
0x1c5: {  	(xrf2) =	vadd.scan.msk.f32 $0xffff, v3;
	v3 =	vmul.f32 v57, v37;
	v14 =	vld [tilespmem:$0x1FDF0];
	[tilespmem:$0x1FD10] =	vst v0;
	v2 =	vadd.f32 v12, v2  }
0x1c6: {  	v7 =	vmul.f32 v43, v42;
	v39 =	vadd.f32 v35, v6;
	v60 =	vld [tilespmem:$0x1FD10]  }
0x1c7: {  	v6 =	vmul.f32 v41, v40;
	v45 =	vadd.f32 v3, v2;
	v2 =	vmul.f32 v13, v51;
	v13 =	vld [tilespmem:$0x1FDE0]  }
0x1c8: {  	v55 =	vld [tilespmem:$0x1FE10]  }
0x1c9: {  	v44 =	vld [tilespmem:s16+$0x86A0];
	v6 =	vadd.f32 v7, v6;
	v7 =	vmul.f32 v15, v49  }
0x1ca: {  	v47 =	vld [tilespmem:s16+$0x6B0];
	v11 =	vmul.f32 v59, v58  }
0x1cb: {  	v17 =	vld [tilespmem:$0x1FE40];
	v5 =	vmul.f32 v38, v36;
	v6 =	vadd.f32 v7, v6;
	v61 =	vmul.f32 v27, v60  }
0x1cc: {  	v4 =	vadd.f32 v11, v54;
	v57 =	vld [tilespmem:$0x1FE50];
	v13 =	vmul.f32 v14, v13  }
0x1cd: {  	v5 =	vadd.f32 v5, v6;
	v6 =	vmul.f32 v16, v55;
	v16 =	vld [tilespmem:$0x1FE30];
	v1 =	vadd.f32 v61, v63  }
0x1ce: {  	(xrf2) =	vadd.scan.msk.f32 $0xffff, v4;
	v2 =	vadd.f32 v13, v2;
	v13 =	vld [tilespmem:$0x1FE00]  }
0x1cf: {  	v10, _, _ =	vpop (xrf2);
	v12 =	vld [tilespmem:s16+$0x86B0];
	(xrf2) =	vadd.scan.msk.f32 $0xffff, v1  }
0x1d0: {  	v48, _, _ =	vpop (xrf2);
	v14 =	vld [tilespmem:s16+$0x8760];
	(xrf2) =	vadd.scan.msk.f32 $0xffff, v39  }
0x1d1: {  	v50, _, _ =	vpop (xrf2);
	v1 =	vadd.f32 v46, v45  }
0x1d2: {  	v52 =	vld [tilespmem:s16+$0x770];
	v15, _, _ =	vpop (xrf2)  }
0x1d3: {  	v53, _, _ =	vpop (xrf2);
	(xrf2) =	vadd.scan.msk.f32 $0xffff, v1;
	v9 =	vmul.f32 v44, v13;
	v13 =	vld [tilespmem:s16+$0x8770]  }
0x1d4: {  	v54, _, _ =	vpop (xrf2);
	v16 =	vmul.f32 v17, v16  }
0x1d5: {  	v17, _, _ =	vpop (xrf2);
	v3 =	vmul.f32 v12, v47;
	v12 =	vmul.f32 v14, v57;
	v2 =	vadd.f32 v9, v2  }
0x1d6: {  	v56, _, _ =	vpop (xrf2);
	v6 =	vadd.f32 v16, v6;
	(xrf2) =	vadd.scan.msk.f32 $0xffff, v5  }
0x1d7: {  	v58, _, _ =	vpop (xrf2);
	v2 =	vadd.f32 v3, v2  }
0x1d8: {  	v59, _, _ =	vpop (xrf2);
	v6 =	vadd.f32 v12, v6;
	v7 =	vmul.f32 v13, v52  }
0x1d9: {  	v12, _, _ =	vpop (xrf2);
	(xrf2) =	vadd.scan.msk.f32 $0xffff, v2  }
0x1da: {  	v16 =	vimm.s32 $0xF;
	v61, _, _ =	vpop (xrf2);
	v60 =	vadd.f32 v7, v6  }
0x1db: {  	v62 =	vperm.xlane v12, v16;
	v6 =	vperm.xlane v61, v16  }
0x1dc: {  	v3 =	vperm.xlane v59, v16;
	(xrf2) =	vadd.scan.msk.f32 $0xffff, v60  }
0x1dd: {  	v5 =	vperm.xlane v58, v16;
	v32, _, _ =	vpop (xrf2);
	v63 =	vsel vm0, v62, v6  }
0x1de: {  	v33 =	vperm.xlane v32, v16;
	v2 =	vsel vm1, v63, v3  }
0x1df: {  	v34 =	vperm.xlane v56, v16;
	v2 =	vsel vm2, v2, v5  }
0x1e0: {  	v35 =	vperm.xlane v17, v16;
	v36, _, _ =	vpop (xrf2);
	v2 =	vsel vm3, v2, v33  }
0x1e1: {  	v37 =	vperm.xlane v36, v16;
	v2 =	vsel vm4, v2, v34  }
0x1e2: {  	v1 =	vperm.xlane v54, v16;
	v2 =	vsel vm5, v2, v35  }
0x1e3: {  	v38 =	vperm.xlane v53, v16;
	v2 =	vsel vm6, v2, v37;
	v39, _, _ =	vpop (xrf2)  }
0x1e4: {  	v1 =	vsel vm7, v2, v1;
	v40 =	vperm.xlane v39, v16  }
0x1e5: {  	v41 =	vperm.xlane v15, v16;
	v1 =	vsel vm8, v1, v38  }
0x1e6: {  	v42 =	vperm.xlane v50, v16;
	v1 =	vsel vm9, v1, v40;
	v43, _, _ =	vpop (xrf2)  }
0x1e7: {  	v1 =	vsel vm10, v1, v41;
	v44 =	vperm.xlane v43, v16  }
0x1e8: {  	v45 =	vperm.xlane v48, v16;
	v1 =	vsel vm11, v1, v42  }
0x1e9: {  	v46 =	vperm.xlane v10, v16;
	v1 =	vsel vm12, v1, v44  }
0x1ea: {  	v1 =	vsel vm13, v1, v45  }
0x1eb: {  	s16 =	simm.s32 $0x10400;
	v1 =	vsel vm14, v1, v46  }
0x1ec: {  	s17 =	simm.s32 $0x400;
	[tilespmem:s16+$0x0] =	vst v1  }
0x1ed: {  	v47 =	vld [tilespmem:s17+$0x7F0]  }
0x1ee: {  	v48 =	vld [tilespmem:s17+$0x87F0]  }
0x1ef: {  	v9 =	vld [tilespmem:s17+$0x7B0]  }
0x1f0: {  	v12 =	vld [tilespmem:s17+$0x87B0]  }
0x1f1: {  	v56 =	vld [tilespmem:s17+$0x7E0]  }
0x1f2: {  	v51 =	vld [tilespmem:s17+$0x87E0]  }
0x1f3: {  	v49 =	vld [tilespmem:s17+$0x7A0]  }
0x1f4: {  	v50 =	vld [tilespmem:s17+$0x87A0]  }
0x1f5: {  	v21 =	vld [tilespmem:s17+$0x7C0]  }
0x1f6: {  	v31 =	vld [tilespmem:s17+$0x87C0]  }
0x1f7: {  	v30 =	vld [tilespmem:s17+$0x7D0]  }
0x1f8: {  	v22 =	vld [tilespmem:s17+$0x87D0]  }
0x1f9: {  	v13 =	vld [tilespmem:s17+$0x730]  }
0x1fa: {  	v14 =	vld [tilespmem:s17+$0x8730]  }
0x1fb: {  	v34 =	vld [tilespmem:s17+$0x780]  }
0x1fc: {  	v24 =	vld [tilespmem:s17+$0x8780]  }
0x1fd: {  	v29 =	vld [tilespmem:s17+$0x790]  }
0x1fe: {  	v39 =	vld [tilespmem:s17+$0x8790]  }
0x1ff: {  	v52 =	vld [tilespmem:s17+$0x6F0]  }
0x200: {  	v53 =	vld [tilespmem:s17+$0x86F0]  }
0x201: {  	v60 =	vld [tilespmem:s17+$0x720]  }
0x202: {  	v59 =	vld [tilespmem:s17+$0x8720]  }
0x203: {  	v54 =	vld [tilespmem:s17+$0x740]  }
0x204: {  	v55 =	vld [tilespmem:s17+$0x8740]  }
0x205: {  	v57 =	vld [tilespmem:s17+$0x750]  }
0x206: {  	v58 =	vld [tilespmem:s17+$0x8750]  }
0x207: {  	v46 =	vld [tilespmem:s17+$0x700]  }
0x208: {  	v1 =	vld [tilespmem:s17+$0x710]  }
0x209: {  	v2 =	vld [tilespmem:s17+$0x8710]  }
0x20a: {  	v7 =	vld [tilespmem:s17+$0x670]  }
0x20b: {  	v10 =	vld [tilespmem:s17+$0x8670]  }
0x20c: {  	v61 =	vld [tilespmem:s17+$0x6A0]  }
0x20d: {  	v3 =	vld [tilespmem:s17+$0x86D0]  }
0x20e: {  	v5 =	vld [tilespmem:s17+$0x630]  }
0x20f: {  	v6 =	vld [tilespmem:s17+$0x8630]  }
0x210: {  	v62 =	vld [tilespmem:s17+$0x660]  }
0x211: {  	v63 =	vld [tilespmem:s17+$0x680]  }
0x212: {  	v4 =	vld [tilespmem:s17+$0x8680]  }
0x213: {  	v8 =	vld [tilespmem:s17+$0x690]  }
0x214: {  	v11 =	vld [tilespmem:s17+$0x8690]  }
0x215: {  	v32 =	vld [tilespmem:s17+$0x620]  }
0x216: {  	v33 =	vld [tilespmem:s17+$0x8620]  }
0x217: {  	v23 =	vld [tilespmem:s17+$0x5B0]  }
0x218: {  	v35 =	vld [tilespmem:s17+$0x5E0]  }
0x219: {  	v44 =	vld [tilespmem:s17+$0x600]  }
0x21a: {  	v42 =	vld [tilespmem:s17+$0x8600]  }
0x21b: {  	v43 =	vld [tilespmem:s17+$0x610]  }
0x21c: {  	v41 =	vld [tilespmem:s17+$0x8610]  }
0x21d: {  	v45 =	vld [tilespmem:s17+$0x85A0]  }
0x21e: {  	v15 =	vld [tilespmem:s17+$0x5C0]  }
0x21f: {  	v36 =	vld [tilespmem:s17+$0x85C0]  }
0x220: {  	v37 =	vld [tilespmem:s17+$0x5D0]  }
0x221: {  	v38 =	vld [tilespmem:s17+$0x85D0]  }
0x222: {  	v40 =	vld [tilespmem:s17+$0x560]  }
0x223: {  	v20 =	vld [tilespmem:s17+$0x8580]  }
0x224: {  	v28 =	vld [tilespmem:s17+$0x590]  }
0x225: {  	v18 =	vld [tilespmem:s17+$0x8590]  }
0x226: {  	v26 =	vld [tilespmem:s17+$0x4F0]  }
0x227: {  	v27 =	vld [tilespmem:s17+$0x84F0]  }
0x228: {  	v17 =	vld [tilespmem:s17+$0x520]  }
0x229: {  	v25 =	vld [tilespmem:s17+$0x84B0]  }
0x22a: {  	v19 =	vld [tilespmem:s17+$0x500]  }
0x22b: {  	[tilespmem:$0x1FF40] =	vst v48;
	v48 =	vld [tilespmem:s17+$0x760]  }
0x22c: {  	[tilespmem:$0x1FE90] =	vst v58;
	v58 =	vld [tilespmem:s17+$0x6E0]  }
0x22d: {  	[tilespmem:$0x1FE80] =	vst v57;
	v57 =	vld [tilespmem:s17+$0x86E0]  }
0x22e: {  	[tilespmem:$0x1FF30] =	vst v47;
	v47 =	vld [tilespmem:s17+$0x8700]  }
0x22f: {  	[tilespmem:$0x1FF70] =	vst v52;
	v52 =	vld [tilespmem:s17+$0x6C0]  }
0x230: {  	[tilespmem:$0x1FF80] =	vst v53;
	v53 =	vld [tilespmem:s17+$0x86C0]  }
0x231: {  	[tilespmem:$0x1FE60] =	vst v54;
	v54 =	vld [tilespmem:s17+$0x6D0]  }
0x232: {  	[tilespmem:$0x1FEA0] =	vst v61;
	v61 =	vld [tilespmem:s17+$0x8660]  }
0x233: {  	[tilespmem:$0x1FF90] =	vst v62;
	v62 =	vld [tilespmem:s17+$0x640]  }
0x234: {  	[tilespmem:$0x1FEB0] =	vst v63;
	v63 =	vld [tilespmem:s17+$0x8640]  }
0x235: {  	[tilespmem:$0x1FFB0] =	vst v33;
	v33 =	vld [tilespmem:s17+$0x650]  }
0x236: {  	[tilespmem:$0x1FFA0] =	vst v32;
	v32 =	vld [tilespmem:s17+$0x8650]  }
0x237: {  	[tilespmem:$0x1FF50] =	vst v49;
	v49 =	vld [tilespmem:s17+$0x85B0]  }
0x238: {  	[tilespmem:$0x1FED0] =	vst v8;
	v8 =	vld [tilespmem:s17+$0x570]  }
0x239: {  	[tilespmem:$0x1FEE0] =	vst v11;
	v11 =	vld [tilespmem:s17+$0x8570]  }
0x23a: {  	[tilespmem:$0x1FEC0] =	vst v4;
	v4 =	vld [tilespmem:s17+$0x5A0]  }
0x23b: {  	[tilespmem:$0x1FF60] =	vst v50;
	v50 =	vld [tilespmem:s17+$0x8560]  }
0x23c: {  	[tilespmem:$0x1FEF0] =	vst v35;
	v35 =	vld [tilespmem:s17+$0x580]  }
0x23d: {  	[tilespmem:$0x1FFC0] =	vst v40;
	v40 =	vld [tilespmem:s17+$0x540]  }
0x23e: {  	[tilespmem:$0x1FF10] =	vst v37;
	v37 =	vld [tilespmem:s17+$0x8540]  }
0x23f: {  	[tilespmem:$0x1FF20] =	vst v38;
	v38 =	vld [tilespmem:s17+$0x550]  }
0x240: {  	[tilespmem:$0x1FF00] =	vst v36;
	v36 =	vld [tilespmem:s17+$0x8550]  }
0x241: {  	[tilespmem:$0x1FE70] =	vst v55;
	v55 =	vld [tilespmem:s17+$0x4E0]  }
0x242: {  	v30 =	vmul.f32 v22, v30;
	v22 =	vld [tilespmem:s17+$0x510]  }
0x243: {  	v34 =	vmul.f32 v24, v34;
	v24 =	vld [tilespmem:s17+$0x8510]  }
0x244: {  	v39 =	vmul.f32 v39, v29;
	v29 =	vld [tilespmem:s17+$0x430]  }
0x245: {  	v18 =	vmul.f32 v18, v28;
	v28 =	vld [tilespmem:s17+$0x8480]  }
0x246: {  	v51 =	vmul.f32 v51, v56;
	v56 =	vld [tilespmem:$0x1FF30]  }
0x247: {  	v31 =	vmul.f32 v31, v21;
	v21 =	vld [tilespmem:$0x1FF40]  }
0x248: {  	v0 =	vld [tilespmem:$0x1FF50]  }
0x249: {  	v31 =	vadd.f32 v30, v31;
	v30 =	vld [tilespmem:s17+$0x8430]  }
0x24a: {  	[tilespmem:$0x1FFD0] =	vst v50;
	v50 =	vld [tilespmem:s17+$0x4B0]  }
0x24b: {  	[tilespmem:$0x1FFE0] =	vst v55;
	v55 =	vld [tilespmem:s17+$0x84E0]  }
0x24c: {  	v56 =	vmul.f32 v21, v56;
	v21 =	vld [tilespmem:$0x1FF60]  }
0x24d: {  	v34 =	vadd.f32 v39, v34;
	v39 =	vmul.f32 v47, v46;
	v47 =	vadd.f32 v51, v31;
	v31 =	vld [tilespmem:s17+$0x4A0]  }
0x24e: {  	v46 =	vmul.f32 v2, v1;
	v1 =	vmul.f32 v53, v52;
	v52 =	vld [tilespmem:s17+$0x4C0]  }
0x24f: {  	v53 =	vld [tilespmem:s17+$0x84C0]  }
0x250: {  	v60 =	vmul.f32 v59, v60;
	v51 =	vld [tilespmem:$0x1FF80]  }
0x251: {  	v59 =	vmul.f32 v57, v58;
	v57 =	vld [tilespmem:$0x1FF90];
	v0 =	vmul.f32 v21, v0  }
0x252: {  	v58 =	vmul.f32 v42, v44;
	v42 =	vld [tilespmem:s17+$0x480]  }
0x253: {  	v9 =	vmul.f32 v12, v9;
	v20 =	vmul.f32 v20, v35;
	v35 =	vld [tilespmem:s17+$0x8400];
	v0 =	vadd.f32 v0, v34  }
0x254: {  	v39 =	vadd.f32 v46, v39;
	v46 =	vld [tilespmem:s17+$0x84D0]  }
0x255: {  	v54 =	vmul.f32 v3, v54;
	v18 =	vadd.f32 v18, v20;
	v0 =	vadd.f32 v9, v0;
	v9 =	vld [tilespmem:$0x1FF70]  }
0x256: {  	v20 =	vmul.f32 v45, v4;
	v4 =	vmul.f32 v37, v40;
	v37 =	vld [tilespmem:s17+$0x410];
	v47 =	vadd.f32 v56, v47  }
0x257: {  	v1 =	vadd.f32 v54, v1;
	v40 =	vld [tilespmem:s17+$0x8410]  }
0x258: {  	v54 =	vmul.f32 v63, v62;
	v56 =	vmul.f32 v32, v33;
	v32 =	vld [tilespmem:s17+$0x420];
	v39 =	vadd.f32 v60, v39;
	(xrf2) =	vadd.scan.msk.f32 $0xffff, v47  }
0x259: {  	v33 =	vld [tilespmem:s17+$0x8420];
	v60 =	vmul.f32 v14, v13;
	v1 =	vadd.f32 v59, v1;
	v59 =	vmul.f32 v10, v7  }
0x25a: {  	v7 =	vmul.f32 v36, v38;
	v36 =	vld [tilespmem:s17+$0x400];
	v2 =	vmul.f32 v51, v9  }
0x25b: {  	v39 =	vadd.f32 v60, v39;
	v60 =	vld [tilespmem:$0x1FFA0]  }
0x25c: {  	(xrf2) =	vadd.scan.msk.f32 $0xffff, v0;
	v0 =	vadd.f32 v56, v54;
	v1 =	vadd.f32 v2, v1;
	v2 =	vmul.f32 v61, v57;
	v61 =	vld [tilespmem:$0x1FFB0]  }
0x25d: {  	v47 =	vld [tilespmem:s17+$0x8490];
	(xrf2) =	vadd.scan.msk.f32 $0xffff, v39  }
0x25e: {  	v54 =	vld [tilespmem:$0x1FFC0];
	(xrf2) =	vadd.scan.msk.f32 $0xffff, v1;
	v0 =	vadd.f32 v2, v0  }
0x25f: {  	v41 =	vmul.f32 v41, v43;
	v56 =	vld [tilespmem:$0x1FFD0]  }
0x260: {  	v51 =	vld [tilespmem:s17+$0x4D0];
	v63 =	vadd.f32 v59, v0  }
0x261: {  	[tilespmem:$0x1FFF0] =	vst v55;
	v39 =	vadd.f32 v41, v58;
	v41 =	vld [tilespmem:s17+$0x490];
	v62 =	vmul.f32 v61, v60  }
0x262: {  	v18 =	vadd.f32 v20, v18;
	v58 =	vmul.f32 v53, v52;
	v52, _, _ =	vpop (xrf2);
	(xrf2) =	vadd.scan.msk.f32 $0xffff, v63;
	v63 =	vld [tilespmem:$0x1FFF0]  }
0x263: {  	v10 =	vmul.f32 v6, v5;
	v20 =	vmul.f32 v49, v23;
	v9 =	vadd.f32 v62, v39;
	v62 =	vld [tilespmem:$0x1FFE0]  }
0x264: {  	v38 =	vld [tilespmem:s17+$0x440];
	v49 =	vadd.f32 v7, v4;
	v57 =	vmul.f32 v56, v54  }
0x265: {  	v55 =	vld [tilespmem:s17+$0x8500];
	v46 =	vmul.f32 v46, v51;
	v39 =	vadd.f32 v10, v9  }
0x266: {  	v34 =	vld [tilespmem:s17+$0x84A0];
	v59 =	vadd.f32 v20, v18;
	v60 =	vadd.f32 v57, v49;
	v18, _, _ =	vpop (xrf2);
	v61 =	vmul.f32 v11, v8  }
0x267: {  	v43 =	vadd.f32 v46, v58;
	v46 =	vmul.f32 v47, v41;
	v41 =	vld [tilespmem:s17+$0x450];
	v20, _, _ =	vpop (xrf2);
	(xrf2) =	vadd.scan.msk.f32 $0xffff, v39  }
0x268: {  	s18 =	simm.s32 $0x2000;
	v45 =	vmul.f32 v28, v42;
	v42 =	vadd.f32 v61, v60;
	v39 =	vld [tilespmem:s17+$0x8440];
	v44 =	vmul.f32 v63, v62;
	(xrf2) =	vadd.scan.msk.f32 $0xffff, v59;
	v28, _, _ =	vpop (xrf2)  }
.LBB2_4:
0x269: {  	v47 =	vld [tilespmem:s17+$0x8450]  }
0x26a: {  	v53 =	vld [tilespmem:s17+$0x8460]  }
0x26b: {  	v54 =	vld [tilespmem:s17+$0x470]  }
0x26c: {  	v56 =	vld [tilespmem:s17+$0x8470]  }
0x26d: {  	v59 =	vld [tilespmem:s17+$0x8530]  }
0x26e: {  	v60 =	vld [tilespmem:$0x1FF00]  }
0x26f: {  	v61 =	vld [tilespmem:$0x1FF10]  }
0x270: {  	v1 =	vld [tilespmem:$0x1FF20]  }
0x271: {  	v14 =	vld [tilespmem:s17+$0x86A0]  }
0x272: {  	v62 =	vld [tilespmem:$0x1FEF0]  }
0x273: {  	v63 =	vld [tilespmem:$0x1FEB0]  }
0x274: {  	v4 =	vld [tilespmem:$0x1FEC0]  }
0x275: {  	v5 =	vld [tilespmem:$0x1FED0];
	v26 =	vmul.f32 v27, v26;
	v31 =	vmul.f32 v34, v31  }
0x276: {  	v6 =	vld [tilespmem:$0x1FEE0];
	v43 =	vadd.f32 v44, v43;
	v51 =	vmul.f32 v35, v36;
	v0 =	vmul.f32 v40, v37  }
0x277: {  	v49 =	vadd.f32 v46, v45;
	v27 =	vld [tilespmem:s17+$0x460];
	v23 =	vmul.f32 v25, v50;
	v32 =	vmul.f32 v33, v32  }
0x278: {  	v29 =	vmul.f32 v30, v29;
	v30 =	vld [tilespmem:s17+$0x530];
	v19 =	vmul.f32 v55, v19  }
0x279: {  	(xrf2) =	vadd.scan.msk.f32 $0xffff, v42;
	v21 =	vmul.f32 v24, v22;
	v22 =	vld [tilespmem:s17+$0x85E0];
	v26 =	vadd.f32 v26, v43;
	v31 =	vadd.f32 v31, v49  }
0x27a: {  	v33 =	vld [tilespmem:$0x1FE60];
	v57 =	vmul.f32 v47, v41;
	v12 =	vmul.f32 v60, v15  }
0x27b: {  	v25 =	vadd.f32 v0, v51;
	v37, _, _ =	vpop (xrf2);
	(xrf2) =	vadd.scan.msk.f32 $0xffff, v26;
	v26 =	vmul.f32 v39, v38;
	v23 =	vadd.f32 v23, v31;
	v31 =	vld [tilespmem:s17+$0x8520]  }
0x27c: {  	v34 =	vld [tilespmem:$0x1FE70];
	v13 =	vmul.f32 v1, v61;
	v7 =	vmul.f32 v4, v63  }
0x27d: {  	v36 =	vld [tilespmem:$0x1FE80];
	v25 =	vadd.f32 v32, v25;
	v27 =	vmul.f32 v53, v27;
	v26 =	vadd.f32 v57, v26  }
0x27e: {  	v8 =	vmul.f32 v6, v5;
	v19 =	vadd.f32 v21, v19;
	v21 =	vld [tilespmem:s17+$0x85F0];
	v12 =	vadd.f32 v13, v12  }
0x27f: {  	v13 =	vld [tilespmem:s17+$0x86B0];
	v58, _, _ =	vpop (xrf2);
	(xrf2) =	vadd.scan.msk.f32 $0xffff, v23;
	v23 =	vadd.f32 v29, v25;
	v25 =	vadd.f32 v27, v26;
	v26 =	vmul.f32 v56, v54  }
0x280: {  	v27 =	vld [tilespmem:s17+$0x5F0];
	v17 =	vmul.f32 v31, v17  }
0x281: {  	v7 =	vadd.f32 v8, v7;
	v8 =	vld [tilespmem:$0x1FEA0];
	v24, _, _ =	vpop (xrf2);
	(xrf2) =	vadd.scan.msk.f32 $0xffff, v23;
	v23 =	vadd.f32 v26, v25  }
0x282: {  	v38 =	vld [tilespmem:$0x1FE90];
	v17 =	vadd.f32 v17, v19;
	v19 =	vmul.f32 v59, v30  }
0x283: {  	v11 =	vmul.f32 v22, v62;
	v15, _, _ =	vpop (xrf2);
	v25 =	vld [tilespmem:s17+$0x6B0];
	(xrf2) =	vadd.scan.msk.f32 $0xffff, v23  }
0x284: {  	v9 =	vld [tilespmem:s17+$0x8760];
	v17 =	vadd.f32 v19, v17  }
0x285: {  	v32 =	vld [tilespmem:s17+$0x8770];
	v11 =	vadd.f32 v11, v12;
	v12 =	vmul.f32 v21, v27  }
0x286: {  	v6 =	vmul.f32 v14, v8;
	v19 =	vld [tilespmem:s17+$0x770];
	v10, _, _ =	vpop (xrf2);
	(xrf2) =	vadd.scan.msk.f32 $0xffff, v17  }
0x287: {  	v2 =	vmul.f32 v34, v33;
	v3 =	vmul.f32 v38, v36;
	v11 =	vadd.f32 v12, v11  }
0x288: {  	v39 =	vadd.f32 v6, v7;
	v40 =	vmul.f32 v13, v25  }
0x289: {  	v41 =	vmul.f32 v9, v48;
	v2 =	vadd.f32 v3, v2;
	v4, _, _ =	vpop (xrf2);
	(xrf2) =	vadd.scan.msk.f32 $0xffff, v11  }
0x28a: {  	v42 =	vadd.f32 v40, v39  }
0x28b: {  	v1 =	vadd.f32 v41, v2;
	v43 =	vmul.f32 v32, v19  }
0x28c: {  	v5, _, _ =	vpop (xrf2);
	(xrf2) =	vadd.scan.msk.f32 $0xffff, v42  }
0x28d: {  	v1 =	vadd.f32 v43, v1;
	v44, _, _ =	vpop (xrf2)  }
0x28e: {  	v45 =	vperm.xlane v5, v16;
	v2 =	vperm.xlane v44, v16  }
0x28f: {  	v4 =	vperm.xlane v4, v16;
	(xrf2) =	vadd.scan.msk.f32 $0xffff, v1  }
0x290: {  	v47 =	vperm.xlane v10, v16;
	v46 =	vsel vm0, v45, v2;
	v48, _, _ =	vpop (xrf2)  }
0x291: {  	v1 =	vsel vm1, v46, v4;
	v3 =	vperm.xlane v48, v16  }
0x292: {  	v49 =	vperm.xlane v15, v16;
	v1 =	vsel vm2, v1, v47  }
0x293: {  	v50 =	vperm.xlane v24, v16;
	v51, _, _ =	vpop (xrf2);
	v1 =	vsel vm3, v1, v3  }
0x294: {  	v53 =	vperm.xlane v51, v16;
	v1 =	vsel vm4, v1, v49  }
0x295: {  	v54 =	vperm.xlane v58, v16;
	v1 =	vsel vm5, v1, v50  }
0x296: {  	v55 =	vperm.xlane v37, v16;
	v56, _, _ =	vpop (xrf2);
	v1 =	vsel vm6, v1, v53  }
0x297: {  	v57 =	vperm.xlane v56, v16;
	v1 =	vsel vm7, v1, v54  }
0x298: {  	v58 =	vperm.xlane v28, v16;
	v1 =	vsel vm8, v1, v55  }
0x299: {  	v59 =	vperm.xlane v20, v16;
	v60, _, _ =	vpop (xrf2);
	v1 =	vsel vm9, v1, v57  }
0x29a: {  	v61 =	vperm.xlane v60, v16;
	v1 =	vsel vm10, v1, v58  }
0x29b: {  	v62 =	vperm.xlane v18, v16;
	v1 =	vsel vm11, v1, v59  }
0x29c: {  	v63 =	vperm.xlane v52, v16;
	v1 =	vsel vm12, v1, v61  }
0x29d: {  	v1 =	vsel vm13, v1, v62  }
0x29e: {  	s16 =	sadd.s32 $0x10, s16;
	v1 =	vsel vm14, v1, v63  }
0x29f: {  	s17 =	sshra.s32 s18, $0x2;
	[tilespmem:s16+$0x0] =	vst v1  }
0x2a0: {  	v32 =	vld [tilespmem:s17+$0x7F0]  }
0x2a1: {  	v28 =	vld [tilespmem:s17+$0x87F0]  }
0x2a2: {  	v4 =	vld [tilespmem:s17+$0x7B0]  }
0x2a3: {  	v5 =	vld [tilespmem:s17+$0x87B0]  }
0x2a4: {  	v24 =	vld [tilespmem:s17+$0x7E0]  }
0x2a5: {  	v22 =	vld [tilespmem:s17+$0x87E0]  }
0x2a6: {  	v29 =	vld [tilespmem:s17+$0x7A0]  }
0x2a7: {  	v30 =	vld [tilespmem:s17+$0x87A0]  }
0x2a8: {  	v45 =	vld [tilespmem:s17+$0x7C0]  }
0x2a9: {  	v46 =	vld [tilespmem:s17+$0x87C0]  }
0x2aa: {  	v47 =	vld [tilespmem:s17+$0x7D0]  }
0x2ab: {  	v19 =	vld [tilespmem:s17+$0x87D0]  }
0x2ac: {  	v6 =	vld [tilespmem:s17+$0x730]  }
0x2ad: {  	v33 =	vld [tilespmem:s17+$0x8730]  }
0x2ae: {  	v7 =	vld [tilespmem:s17+$0x760]  }
0x2af: {  	v20 =	vld [tilespmem:s17+$0x780]  }
0x2b0: {  	v51 =	vld [tilespmem:s17+$0x8780]  }
0x2b1: {  	v52 =	vld [tilespmem:s17+$0x790]  }
0x2b2: {  	v55 =	vld [tilespmem:s17+$0x8790]  }
0x2b3: {  	v8 =	vld [tilespmem:s17+$0x6F0]  }
0x2b4: {  	v9 =	vld [tilespmem:s17+$0x86F0]  }
0x2b5: {  	v31 =	vld [tilespmem:s17+$0x720]  }
0x2b6: {  	v34 =	vld [tilespmem:s17+$0x8720]  }
0x2b7: {  	v10 =	vld [tilespmem:s17+$0x740]  }
0x2b8: {  	v11 =	vld [tilespmem:s17+$0x8740]  }
0x2b9: {  	v35 =	vld [tilespmem:s17+$0x750]  }
0x2ba: {  	v36 =	vld [tilespmem:s17+$0x8750]  }
0x2bb: {  	v41 =	vld [tilespmem:s17+$0x6E0]  }
0x2bc: {  	v44 =	vld [tilespmem:s17+$0x86E0]  }
0x2bd: {  	v60 =	vld [tilespmem:s17+$0x700]  }
0x2be: {  	v63 =	vld [tilespmem:s17+$0x8700]  }
0x2bf: {  	v18 =	vld [tilespmem:s17+$0x710]  }
0x2c0: {  	v1 =	vld [tilespmem:s17+$0x8710]  }
0x2c1: {  	v38 =	vld [tilespmem:s17+$0x8670]  }
0x2c2: {  	v37 =	vld [tilespmem:s17+$0x6A0]  }
0x2c3: {  	v59 =	vld [tilespmem:s17+$0x6C0]  }
0x2c4: {  	v62 =	vld [tilespmem:s17+$0x86C0]  }
0x2c5: {  	v2 =	vld [tilespmem:s17+$0x6D0]  }
0x2c6: {  	v3 =	vld [tilespmem:s17+$0x86D0]  }
0x2c7: {  	v39 =	vld [tilespmem:s17+$0x630]  }
0x2c8: {  	v54 =	vld [tilespmem:s17+$0x660]  }
0x2c9: {  	v56 =	vld [tilespmem:s17+$0x8660]  }
0x2ca: {  	v40 =	vld [tilespmem:s17+$0x680]  }
0x2cb: {  	v42 =	vld [tilespmem:s17+$0x8680]  }
0x2cc: {  	v43 =	vld [tilespmem:s17+$0x690]  }
0x2cd: {  	v48 =	vld [tilespmem:s17+$0x8690]  }
0x2ce: {  	v53 =	vld [tilespmem:s17+$0x8620]  }
0x2cf: {  	v49 =	vld [tilespmem:s17+$0x5E0]  }
0x2d0: {  	v61 =	vld [tilespmem:s17+$0x5A0]  }
0x2d1: {  	v21 =	vld [tilespmem:s17+$0x85A0]  }
0x2d2: {  	v12 =	vld [tilespmem:s17+$0x5C0]  }
0x2d3: {  	v50 =	vld [tilespmem:s17+$0x85C0]  }
0x2d4: {  	v57 =	vld [tilespmem:s17+$0x5D0]  }
0x2d5: {  	v58 =	vld [tilespmem:s17+$0x85D0]  }
0x2d6: {  	v13 =	vld [tilespmem:s17+$0x580]  }
0x2d7: {  	v14 =	vld [tilespmem:s17+$0x8580]  }
0x2d8: {  	v15 =	vld [tilespmem:s17+$0x590]  }
0x2d9: {  	v26 =	vld [tilespmem:s17+$0x4F0]  }
0x2da: {  	v27 =	vld [tilespmem:s17+$0x84F0]  }
0x2db: {  	v17 =	vld [tilespmem:s17+$0x520]  }
0x2dc: {  	v16 =	vld [tilespmem:s17+$0x540]  }
0x2dd: {  	v0 =	vld [tilespmem:s17+$0x8540]  }
0x2de: {  	v23 =	vld [tilespmem:s17+$0x550]  }
0x2df: {  	v25 =	vld [tilespmem:s17+$0x84B0]  }
0x2e0: {  	[tilespmem:$0x1FE90] =	vst v36;
	v36 =	vld [tilespmem:s17+$0x670]  }
0x2e1: {  	[tilespmem:$0x1FEA0] =	vst v37;
	v37 =	vld [tilespmem:s17+$0x8630]  }
0x2e2: {  	[tilespmem:$0x1FE80] =	vst v35;
	v35 =	vld [tilespmem:s17+$0x620]  }
0x2e3: {  	[tilespmem:$0x1FC30] =	vst v4;
	v4 =	vld [tilespmem:s17+$0x640]  }
0x2e4: {  	[tilespmem:$0x1FC40] =	vst v5;
	v5 =	vld [tilespmem:s17+$0x8640]  }
0x2e5: {  	[tilespmem:$0x1FC50] =	vst v6;
	v6 =	vld [tilespmem:s17+$0x650]  }
0x2e6: {  	[tilespmem:$0x1FC90] =	vst v7;
	v7 =	vld [tilespmem:s17+$0x8650]  }
0x2e7: {  	[tilespmem:$0x1FEB0] =	vst v40;
	v40 =	vld [tilespmem:s17+$0x5B0]  }
0x2e8: {  	[tilespmem:$0x1FED0] =	vst v43;
	v43 =	vld [tilespmem:s17+$0x85B0]  }
0x2e9: {  	[tilespmem:$0x1FC60] =	vst v8;
	v8 =	vld [tilespmem:s17+$0x600]  }
0x2ea: {  	[tilespmem:$0x1FC70] =	vst v9;
	v9 =	vld [tilespmem:s17+$0x8600]  }
0x2eb: {  	[tilespmem:$0x1FE60] =	vst v10;
	v10 =	vld [tilespmem:s17+$0x610]  }
0x2ec: {  	[tilespmem:$0x1FE70] =	vst v11;
	v11 =	vld [tilespmem:s17+$0x8610]  }
0x2ed: {  	[tilespmem:$0x1FC80] =	vst v39;
	v39 =	vld [tilespmem:s17+$0x570]  }
0x2ee: {  	[tilespmem:$0x1FEC0] =	vst v42;
	v42 =	vld [tilespmem:s17+$0x8570]  }
0x2ef: {  	[tilespmem:$0x1FF10] =	vst v57;
	v57 =	vld [tilespmem:s17+$0x560]  }
0x2f0: {  	[tilespmem:$0x1FF20] =	vst v58;
	v58 =	vld [tilespmem:s17+$0x8560]  }
0x2f1: {  	[tilespmem:$0x1FEF0] =	vst v49;
	v49 =	vld [tilespmem:s17+$0x8590]  }
0x2f2: {  	[tilespmem:$0x1FEE0] =	vst v48;
	v48 =	vld [tilespmem:s17+$0x8550]  }
0x2f3: {  	[tilespmem:$0x1FF00] =	vst v50;
	v50 =	vld [tilespmem:s17+$0x4B0]  }
0x2f4: {  	v45 =	vmul.f32 v46, v45;
	v19 =	vmul.f32 v19, v47;
	v46 =	vld [tilespmem:s17+$0x4E0]  }
0x2f5: {  	v47 =	vld [tilespmem:s17+$0x84E0];
	v20 =	vmul.f32 v51, v20;
	v51 =	vmul.f32 v55, v52  }
0x2f6: {  	v22 =	vmul.f32 v22, v24;
	v55 =	vld [tilespmem:s17+$0x8500];
	v45 =	vadd.f32 v19, v45  }
0x2f7: {  	v30 =	vmul.f32 v30, v29;
	v24 =	vld [tilespmem:s17+$0x8510];
	v20 =	vadd.f32 v51, v20  }
0x2f8: {  	v28 =	vmul.f32 v28, v32;
	v29 =	vld [tilespmem:s17+$0x430];
	v45 =	vadd.f32 v22, v45  }
0x2f9: {  	v20 =	vadd.f32 v30, v20;
	v30 =	vld [tilespmem:$0x1FC40]  }
0x2fa: {  	v1 =	vmul.f32 v1, v18;
	v18 =	vadd.f32 v28, v45;
	v28 =	vld [tilespmem:$0x1FC30]  }
0x2fb: {  	v63 =	vmul.f32 v63, v60;
	v60 =	vmul.f32 v34, v31;
	v31 =	vld [tilespmem:s17+$0x4A0]  }
0x2fc: {  	v34 =	vld [tilespmem:s17+$0x84A0]  }
0x2fd: {  	v2 =	vmul.f32 v3, v2;
	v3 =	vld [tilespmem:s17+$0x84C0]  }
0x2fe: {  	v32 =	vld [tilespmem:s17+$0x420];
	(xrf2) =	vadd.scan.msk.f32 $0xffff, v18;
	v18 =	vmul.f32 v62, v59  }
0x2ff: {  	v52 =	vld [tilespmem:$0x1FC60];
	v28 =	vmul.f32 v30, v28  }
0x300: {  	v19 =	vld [tilespmem:s17+$0x500];
	v2 =	vadd.f32 v2, v18;
	v18 =	vmul.f32 v44, v41  }
0x301: {  	v1 =	vadd.f32 v1, v63;
	v63 =	vadd.f32 v28, v20;
	v20 =	vld [tilespmem:$0x1FC50]  }
0x302: {  	v2 =	vadd.f32 v18, v2;
	v18 =	vld [tilespmem:$0x1FC70]  }
0x303: {  	v22 =	vld [tilespmem:s17+$0x510]  }
0x304: {  	v51 =	vmul.f32 v7, v6;
	v6 =	vld [tilespmem:s17+$0x4D0]  }
0x305: {  	v4 =	vmul.f32 v5, v4;
	v5 =	vld [tilespmem:s17+$0x490];
	v59 =	vmul.f32 v56, v54  }
0x306: {  	v1 =	vadd.f32 v60, v1;
	v62 =	vmul.f32 v11, v10;
	v11 =	vld [tilespmem:s17+$0x8490];
	v20 =	vmul.f32 v33, v20  }
0x307: {  	v56 =	vmul.f32 v43, v40;
	v40 =	vld [tilespmem:s17+$0x8410];
	v7 =	vmul.f32 v18, v52  }
0x308: {  	v44 =	vld [tilespmem:$0x1FC80];
	v1 =	vadd.f32 v20, v1  }
0x309: {  	v30 =	vld [tilespmem:s17+$0x8430];
	(xrf2) =	vadd.scan.msk.f32 $0xffff, v63;
	v2 =	vadd.f32 v7, v2  }
0x30a: {  	v60 =	vmul.f32 v9, v8;
	v28 =	vld [tilespmem:s17+$0x4C0];
	(xrf2) =	vadd.scan.msk.f32 $0xffff, v1  }
0x30b: {  	v63 =	vmul.f32 v38, v36;
	v36 =	vmul.f32 v53, v35;
	v35 =	vld [tilespmem:s17+$0x8400];
	(xrf2) =	vadd.scan.msk.f32 $0xffff, v2  }
0x30c: {  	v41 =	vmul.f32 v49, v15;
	v53 =	vmul.f32 v48, v23;
	v48 =	vld [tilespmem:$0x1FC90]  }
0x30d: {  	v4 =	vadd.f32 v51, v4;
	v38 =	vmul.f32 v14, v13;
	v8 =	vmul.f32 v37, v44;
	v37 =	vld [tilespmem:s17+$0x410]  }
0x30e: {  	v0 =	vmul.f32 v0, v16;
	v20 =	vld [tilespmem:s17+$0x84D0];
	v1 =	vadd.f32 v62, v60  }
0x30f: {  	v45 =	vmul.f32 v21, v61;
	v4 =	vadd.f32 v59, v4;
	v9 =	vadd.f32 v41, v38;
	v7 =	vld [tilespmem:s17+$0x480]  }
0x310: {  	p0 =	sne.s32 s18, $0x1F000;
	v59 =	vmul.f32 v58, v57;
	v0 =	vadd.f32 v53, v0;
	v2 =	vld [tilespmem:s17+$0x8480];
	v1 =	vadd.f32 v36, v1  }
.Ltmp1:
0x311: {  	v16 =	vimm.s32 $0xF;
	v4 =	vadd.f32 v63, v4;
	v38 =	vld [tilespmem:s17+$0x440];
	v54 =	vadd.f32 v45, v9;
	(pc) =	sbr.rel @p0 .LBB2_4-.Ltmp1, $4  }
0x312: {  	v63 =	vmul.f32 v42, v39;
	v39 =	vld [tilespmem:s17+$0x8440];
	v52, _, _ =	vpop (xrf2);
	v0 =	vadd.f32 v59, v0;
	v1 =	vadd.f32 v8, v1  }
0x313: {  	v41 =	vld [tilespmem:s17+$0x450];
	v60 =	vmul.f32 v3, v28;
	v62 =	vadd.f32 v56, v54;
	(xrf2) =	vadd.scan.msk.f32 $0xffff, v4;
	v18, _, _ =	vpop (xrf2);
	v61 =	vmul.f32 v20, v6  }
0x314: {  	v15 =	vmov v12;
	v44 =	vmul.f32 v47, v46;
	v46 =	vmul.f32 v11, v5;
	v33 =	vld [tilespmem:s17+$0x8420];
	(xrf2) =	vadd.scan.msk.f32 $0xffff, v1;
	v20, _, _ =	vpop (xrf2)  }
0x315: {  	s18 =	sadd.s32 $0x1000, s18;
	v42 =	vadd.f32 v63, v0;
	v36 =	vld [tilespmem:s17+$0x400];
	v43 =	vadd.f32 v61, v60;
	v45 =	vmul.f32 v2, v7;
	(xrf2) =	vadd.scan.msk.f32 $0xffff, v62;
	v28, _, _ =	vpop (xrf2)  }
0x316: {  	v0 =	vld [tilespmem:s17+$0x8450]  }
0x317: {  	v1 =	vld [tilespmem:s17+$0x460]  }
0x318: {  	v4 =	vld [tilespmem:s17+$0x8460]  }
0x319: {  	v7 =	vld [tilespmem:s17+$0x470]  }
0x31a: {  	v10 =	vld [tilespmem:s17+$0x8520]  }
0x31b: {  	v12 =	vld [tilespmem:s17+$0x530]  }
0x31c: {  	v11 =	vmul.f32 v25, v50;
	v50 =	vld [tilespmem:s17+$0x8530]  }
0x31d: {  	v14 =	vld [tilespmem:s17+$0x85E0]  }
0x31e: {  	v56 =	vld [tilespmem:s17+$0x5F0]  }
0x31f: {  	v60 =	vld [tilespmem:s17+$0x85F0]  }
0x320: {  	v61 =	vld [tilespmem:$0x1FF00]  }
0x321: {  	v62 =	vld [tilespmem:$0x1FF10]  }
0x322: {  	v63 =	vld [tilespmem:$0x1FF20]  }
0x323: {  	v53 =	vmul.f32 v55, v19;
	v19 =	vld [tilespmem:$0x1FEF0]  }
0x324: {  	v21 =	vld [tilespmem:s17+$0x86B0]  }
0x325: {  	v3 =	vmul.f32 v27, v26;
	v23 =	vld [tilespmem:$0x1FEB0]  }
0x326: {  	v6 =	vmul.f32 v34, v31;
	v54 =	vmul.f32 v24, v22;
	v24 =	vld [tilespmem:$0x1FEC0]  }
0x327: {  	v9 =	vmul.f32 v40, v37;
	v5 =	vadd.f32 v46, v45;
	v46 =	vld [tilespmem:s17+$0x8470];
	v8 =	vmul.f32 v35, v36  }
0x328: {  	v25 =	vld [tilespmem:$0x1FED0];
	v47 =	vmul.f32 v39, v38;
	v0 =	vmul.f32 v0, v41  }
0x329: {  	v26 =	vld [tilespmem:$0x1FEE0];
	v2 =	vadd.f32 v44, v43;
	v49 =	vmul.f32 v33, v32;
	v8 =	vadd.f32 v9, v8  }
0x32a: {  	v31 =	vld [tilespmem:$0x1FEA0];
	v5 =	vadd.f32 v6, v5;
	v1 =	vmul.f32 v4, v1;
	v0 =	vadd.f32 v0, v47  }
0x32b: {  	v13 =	vmul.f32 v30, v29;
	v34 =	vld [tilespmem:$0x1FE60];
	v2 =	vadd.f32 v3, v2;
	v51 =	vadd.f32 v49, v8  }
0x32c: {  	v37 =	vld [tilespmem:$0x1FE90];
	(xrf2) =	vadd.scan.msk.f32 $0xffff, v42;
	v5 =	vadd.f32 v11, v5;
	v55 =	vmul.f32 v46, v7;
	v0 =	vadd.f32 v1, v0  }
0x32d: {  	v58 =	vadd.f32 v54, v53;
	v35 =	vld [tilespmem:$0x1FE70];
	(xrf2) =	vadd.scan.msk.f32 $0xffff, v2;
	v59 =	vmul.f32 v10, v17;
	v57 =	vadd.f32 v13, v51  }
0x32e: {  	(xrf2) =	vadd.scan.msk.f32 $0xffff, v5;
	v5 =	vmul.f32 v63, v62;
	v1 =	vmul.f32 v61, v15;
	v13 =	vld [tilespmem:s17+$0x86A0];
	v0 =	vadd.f32 v55, v0  }
0x32f: {  	v36 =	vld [tilespmem:$0x1FE80];
	v4 =	vmul.f32 v50, v12;
	v15 =	vadd.f32 v59, v58;
	(xrf2) =	vadd.scan.msk.f32 $0xffff, v57  }
0x330: {  	v17 =	vld [tilespmem:s17+$0x6B0];
	v1 =	vadd.f32 v5, v1;
	v5 =	vmul.f32 v14, v19;
	(xrf2) =	vadd.scan.msk.f32 $0xffff, v0  }
0x331: {  	v27 =	vld [tilespmem:s17+$0x8760];
	v2 =	vmul.f32 v24, v23;
	v22 =	vadd.f32 v4, v15;
	v4 =	vmul.f32 v26, v25  }
0x332: {  	v29 =	vld [tilespmem:s17+$0x770];
	v3 =	vmul.f32 v60, v56;
	v1 =	vadd.f32 v5, v1  }
0x333: {  	v32 =	vld [tilespmem:s17+$0x8770];
	v30, _, _ =	vpop (xrf2);
	v2 =	vadd.f32 v4, v2;
	(xrf2) =	vadd.scan.msk.f32 $0xffff, v22;
	v4 =	vmul.f32 v13, v31  }
0x334: {  	v33, _, _ =	vpop (xrf2);
	v11 =	vmul.f32 v37, v36;
	v1 =	vadd.f32 v3, v1;
	v3 =	vmul.f32 v35, v34  }
0x335: {  	v38, _, _ =	vpop (xrf2);
	v39 =	vmul.f32 v21, v17;
	v2 =	vadd.f32 v4, v2  }
0x336: {  	v41 =	vmul.f32 v27, v48;
	v40, _, _ =	vpop (xrf2);
	v3 =	vadd.f32 v11, v3;
	(xrf2) =	vadd.scan.msk.f32 $0xffff, v1  }
0x337: {  	v42, _, _ =	vpop (xrf2);
	v2 =	vadd.f32 v39, v2  }
0x338: {  	v5 =	vmul.f32 v32, v29;
	v43, _, _ =	vpop (xrf2);
	v3 =	vadd.f32 v41, v3  }
0x339: {  	(xrf2) =	vadd.scan.msk.f32 $0xffff, v2;
	v44, _, _ =	vpop (xrf2)  }
0x33a: {  	v45 =	vadd.f32 v5, v3;
	v46, _, _ =	vpop (xrf2)  }
0x33b: {  	v47 =	vperm.xlane v44, v16;
	v3 =	vperm.xlane v46, v16  }
0x33c: {  	v4 =	vperm.xlane v43, v16;
	(xrf2) =	vadd.scan.msk.f32 $0xffff, v45  }
0x33d: {  	v1 =	vperm.xlane v42, v16;
	v49, _, _ =	vpop (xrf2);
	v48 =	vsel vm0, v47, v3  }
0x33e: {  	v3 =	vperm.xlane v49, v16;
	v2 =	vsel vm1, v48, v4  }
0x33f: {  	v50 =	vperm.xlane v40, v16;
	v1 =	vsel vm2, v2, v1  }
0x340: {  	v51 =	vperm.xlane v38, v16;
	v53, _, _ =	vpop (xrf2);
	v1 =	vsel vm3, v1, v3  }
0x341: {  	v54 =	vperm.xlane v53, v16;
	v1 =	vsel vm4, v1, v50  }
0x342: {  	v0 =	vperm.xlane v33, v16;
	v1 =	vsel vm5, v1, v51  }
0x343: {  	v55 =	vperm.xlane v30, v16;
	v56, _, _ =	vpop (xrf2);
	v1 =	vsel vm6, v1, v54  }
0x344: {  	v57 =	vperm.xlane v56, v16;
	v0 =	vsel vm7, v1, v0  }
0x345: {  	v58 =	vperm.xlane v28, v16;
	v0 =	vsel vm8, v0, v55  }
0x346: {  	v59 =	vperm.xlane v20, v16;
	v60, _, _ =	vpop (xrf2);
	v0 =	vsel vm9, v0, v57  }
0x347: {  	v61 =	vperm.xlane v60, v16;
	v0 =	vsel vm10, v0, v58  }
0x348: {  	v62 =	vperm.xlane v18, v16;
	v0 =	vsel vm11, v0, v59  }
0x349: {  	v63 =	vperm.xlane v52, v16;
	v0 =	vsel vm12, v0, v61  }
0x34a: {  	v0 =	vsel vm13, v0, v62  }
0x34b: {  	s0 =	sadd.s32 $0x10, s16;
	v0 =	vsel vm14, v0, v63  }
0x34c: {  	s30 =	rddreg [dreg:$0x7];
	s2 =	simm.s32 $0x10400;
	[tilespmem:s0+$0x0] =	vst v0  }
0x34d: {  	[hbm4b:s30+s1] =	stream.linear.scatter [tilespmem:s2], [sflag:$0x3], $0x200, $0x38;
	[tilespmem:$0x10600] =	vst v63  }
0x34e: {  	_ =	swait.ge [sflag:s9], $0x200  }
0x34f: {  	s15 =	sadd.s32 $0x1, s15;
	s31 =	rddreg [dreg:$0x8]  }
0x350: {  	p0 =	sne.s32 s15, s31  }
.Ltmp2:
0x351: {  	_ = 	snop;
	(pc) =	sbr.rel @p0 .LBB2_1-.Ltmp2, $3  }
0x352: {  	_ =	sdelay $0x1  }
0x353: {  	[sflag:s9] =	ssyncset.done $0x0  }
0x354: {  	[sflag:s9] =	ssyncadd.s32 $0xFFFFFE00  }
0x355: {  	_ =	sfence.sel $0x180000  }
0x356: {  	[bflag:$0x0] =	sbarrier.arrive $0xFFFF  }
0x357: {  	_ =	strace $0x90000047  }
0x358: {  	s0 =	stileid.u32;
	[bflag:$0x2] =	sbarrier.arrive $0xFFFF  }
0x359: {  	p0 =	sne.s32 s0, $0x0;
	s0 =	rddreg [dreg:$0x4]  }
0x35a: {  	s0 =	sadd.s32 @!p0 $0x100000, s0  }
0x35b: {  	[sflag:s0] =	ssyncadd.tile.s32 @!p0 $0x1;
	_ =	shalt  }
.Lfunc_end2:
_tile_overlayer_lowered:
.L_overlay_start_2:
0x35c: {  	(tag) =	ssettag $0x2  }
0x35d: {  	s0 =	rddreg [dreg:$0x0];
	s2 =	stileid.u32  }
0x35e: {  	s1 =	rddreg [dreg:$0x1];
	p0 =	sne.s32 s2, $0x0  }
0x35f: {  	s3 =	rddreg [dreg:$0x2];
	[bflag:$0x3] =	sbarrier.arrive $0xFFFF;
	s2 =	simm.s32 @!p0 $0x1C03  }
0x360: {  	[timem:s3], [sflag:s2] =	dma.local @!p0 [hbm:s0], s1  }
0x361: {  	s0 =	simm.s32 @!p0 $0x3  }
0x362: {  	_ =	swait.ge @!p0 [sflag:s0], s1  }
0x363: {  	s1 =	ssub.s32 @!p0 $0x0, s1;
	[sflag:s0] =	ssyncset.done @!p0 $0x0  }
0x364: {  	[sflag:s0] =	ssyncadd.s32 @!p0 s1  }
0x365: {  	[bflag:$0x3] =	sbarrier.arrive $0xFFFF  }
0x366: {  	_ =	shalt  }

</sc_bundles>
